<compile_context>
chip_gen: v7x
topology: tpu7x:2x2x1
jax: 0.10.2.dev20260603
libtpu: 0.0.44.dev20260713+nightly
codegen_flags: <defaults>
</compile_context>

<pallas_src>
import functools
import math

import jax
import jax.numpy as jnp
from jax import lax
from jax.experimental import pallas as pl
from jax.experimental.pallas import tpu as pltpu
from jax.experimental.pallas import tpu_sc as plsc

N_NODES = 1000000
N_DIM = 16
R = 10.0
BATCH = 16384

_NC = 2
_NS = 16
_NW = _NC * _NS
_E = 2 * BATCH
_EPW = _E // _NW
_G = _EPW // 16
_WIN = 2048
_TAIL = 640
_TB = N_NODES - _TAIL
_WMAX = (N_NODES - _WIN) // _WIN
_WT = _WMAX + 1


def _sc_gather(table_t, tail_t, sidx, spos):
    mesh = plsc.VectorSubcoreMesh(core_axis_name="c", subcore_axis_name="s")

    @functools.partial(
        pl.kernel,
        out_type=jax.ShapeDtypeStruct((_E * N_DIM,), jnp.float32),
        mesh=mesh,
        compiler_params=pltpu.CompilerParams(needs_layout_passes=False),
        scratch_types=[
            pltpu.VMEM((_EPW,), jnp.int32),
            pltpu.VMEM((_EPW,), jnp.int32),
            pltpu.VMEM((N_DIM, _WIN), jnp.float32),
            pltpu.VMEM((N_DIM, _WIN), jnp.float32),
            pltpu.VMEM((N_DIM, _TAIL), jnp.float32),
            pltpu.VMEM((_EPW * N_DIM,), jnp.float32),
            pltpu.SemaphoreType.DMA,
            pltpu.SemaphoreType.DMA,
            pltpu.SemaphoreType.DMA,
        ],
    )
    def k(tab_hbm, tail_hbm, sidx_hbm, spos_hbm, out_hbm,
          idx_v, pos_v, win_a, win_b, tail_v, cols_v, sem_a, sem_b, sem_o):
        wid = lax.axis_index("s") * _NC + lax.axis_index("c")
        base = wid * _EPW
        pltpu.sync_copy(sidx_hbm.at[pl.ds(base, _EPW)], idx_v)
        pltpu.sync_copy(spos_hbm.at[pl.ds(base, _EPW)], pos_v)
        pltpu.sync_copy(tail_hbm, tail_v)

        lanes = lax.iota(jnp.int32, 16)

        def fetch_sync(w):
            ws = pl.multiple_of(w * _WIN, 128)

            @pl.when(lax.rem(w, 2) == 0)
            def _():
                pltpu.sync_copy(tab_hbm.at[:, pl.ds(ws, _WIN)], win_a)

            @pl.when(lax.rem(w, 2) == 1)
            def _():
                pltpu.sync_copy(tab_hbm.at[:, pl.ds(ws, _WIN)], win_b)

        def fetch_async(w):
            ws = pl.multiple_of(w * _WIN, 128)

            @pl.when(lax.rem(w, 2) == 0)
            def _():
                pltpu.async_copy(
                    tab_hbm.at[:, pl.ds(ws, _WIN)], win_a, sem_a)

            @pl.when(lax.rem(w, 2) == 1)
            def _():
                pltpu.async_copy(
                    tab_hbm.at[:, pl.ds(ws, _WIN)], win_b, sem_b)

        def wait_win(w):
            @pl.when(lax.rem(w, 2) == 0)
            def _():
                pltpu.make_async_copy(
                    tab_hbm.at[:, pl.ds(0, _WIN)], win_a, sem_a).wait()

            @pl.when(lax.rem(w, 2) == 1)
            def _():
                pltpu.make_async_copy(
                    tab_hbm.at[:, pl.ds(0, _WIN)], win_b, sem_b).wait()

        w0 = jnp.minimum(idx_v[pl.ds(0, 16)][0] // _WIN, _WMAX)
        fetch_sync(w0)
        pf0 = jnp.minimum(w0 + 1, _WMAX)
        fetch_async(pf0)

        def group(g, carry):
            iv0 = idx_v[pl.ds(g * 16, 16)]
            ip = pos_v[pl.ds(g * 16, 16)]
            wv0 = jnp.where(iv0 >= _TB, _WT, iv0 // _WIN)
            wlo = jnp.min(wv0)
            whi = jnp.max(wv0)

            def win_iter(w, carry2):
                cur, pf = carry2
                trans = (w <= _WMAX) & (w != cur)

                @pl.when(trans)
                def _():
                    wait_win(pf)

                @pl.when(trans & (w != pf))
                def _():
                    fetch_sync(w)

                pfid = jnp.minimum(w + 1, _WMAX)

                @pl.when(trans)
                def _():
                    fetch_async(pfid)

                cur = lax.select(trans, w, cur)
                pf = lax.select(trans, pfid, pf)
                even = lax.rem(w, 2) == 0
                is_tail_w = w == _WT

                for l in range(16):
                    r = iv0[l]

                    @pl.when(wv0[l] == w)
                    def _():
                        cw = jnp.full(
                            (16,),
                            jnp.clip(r - w * _WIN, 0, _WIN - 1), jnp.int32)
                        ct = jnp.full(
                            (16,),
                            jnp.clip(r - _TB, 0, _TAIL - 1), jnp.int32)
                        col_a = plsc.load_gather(win_a, [lanes, cw])
                        col_b = plsc.load_gather(win_b, [lanes, cw])
                        col_t = plsc.load_gather(tail_v, [lanes, ct])
                        col = jnp.where(
                            is_tail_w, col_t,
                            jnp.where(even, col_a, col_b))
                        j = g * 16 + l
                        cols_v[pl.ds(j * N_DIM, N_DIM)] = col
                        pltpu.async_copy(
                            cols_v.at[pl.ds(j * N_DIM, N_DIM)],
                            out_hbm.at[pl.ds(ip[l] * N_DIM, N_DIM)], sem_o)

                return (cur, pf)

            return lax.fori_loop(wlo, whi + 1, win_iter, carry)

        _, pf_end = lax.fori_loop(0, _G, group, (w0, pf0))
        wait_win(pf_end)

        def drain_out(i, _):
            pltpu.make_async_copy(
                cols_v.at[pl.ds(0, N_DIM)],
                out_hbm.at[pl.ds(0, N_DIM)], sem_o).wait()
            return ()

        lax.fori_loop(0, _EPW, drain_out, ())

    return k(table_t, tail_t, sidx, spos)


def _tc_loss(rows1d, labels2d, beta):
    const = N_DIM * math.log(2.0 * math.pi)
    inv = 1.0 / (N_NODES - 1)
    blk = 2048
    nblk = BATCH // blk
    rows = blk * N_DIM // 128

    def body(beta_ref, u_ref, v_ref, y_ref, o_ref):
        u = u_ref[...].reshape(rows, 128)
        v = v_ref[...].reshape(rows, 128)
        bd = (lax.broadcasted_iota(jnp.int32, (128, 8), 0) // N_DIM
              == lax.broadcasted_iota(jnp.int32, (128, 8), 1)
              ).astype(jnp.float32)
        du = u - v
        d2 = jnp.dot(du * du, bd, preferred_element_type=jnp.float32)
        t = jnp.dot(u * u + v * v, bd, preferred_element_type=jnp.float32)
        dist = jnp.sqrt(d2 + 1e-12)
        z = beta_ref[0] * (dist - R)
        y = y_ref[...].astype(jnp.float32)
        loss = y * jnp.logaddexp(0.0, z) + (1.0 - y) * jnp.logaddexp(0.0, -z)
        o_ref[...] = loss + (const + 0.5 * t) * inv

    return pl.pallas_call(
        body,
        grid=(nblk,),
        in_specs=[
            pl.BlockSpec(memory_space=pltpu.SMEM),
            pl.BlockSpec((blk * N_DIM,), lambda i: (i,)),
            pl.BlockSpec((blk * N_DIM,), lambda i: (i + nblk,)),
            pl.BlockSpec((rows, 8), lambda i: (i, 0)),
        ],
        out_specs=pl.BlockSpec((rows, 8), lambda i: (i, 0)),
        out_shape=jax.ShapeDtypeStruct((BATCH // 8, 8), jnp.float32),
    )(jnp.reshape(beta, (1,)).astype(jnp.float32), rows1d, rows1d, labels2d)


def kernel(pairs, labels, table, beta):
    table_t = table.T
    tail_t = table_t[:, _TB:]
    idx_flat = pairs.T.reshape(-1)
    pos = lax.iota(jnp.int32, _E)
    sidx, spos = lax.sort_key_val(idx_flat, pos)
    rows1d = _sc_gather(table_t, tail_t, sidx, spos)
    loss2d = _tc_loss(rows1d, labels.reshape(BATCH // 8, 8), beta)
    return loss2d.reshape(BATCH)

# --- scband reference (transcript-rebuilt; emitter-appended) ---
"""Pipeline reference for scband-euclidean-5738076307921 (READ-ONLY COPY).

The authoritative reference and input builder live on the scoring server;
editing this copy changes nothing except your own understanding.
"""

import jax, jax.numpy as jnp
import numpy as np

N_NODES = 1000000
N_DIM = 16
R = 10.0
INIT_RANGE = 0.01
BATCH = 16384


def setup_inputs(seed: int = 0) -> dict:
    key = jax.random.key(seed)
    k1, k2, k3, k4 = jax.random.split(key, 4)
    pairs = jax.random.randint(k1, (BATCH, 2), 0, N_NODES, dtype=jnp.int64 if jax.config.jax_enable_x64 else jnp.int32).astype(jnp.int32)
    labels = jax.random.randint(k2, (BATCH,), 0, 2, dtype=jnp.int32)
    table = jax.random.uniform(k3, (N_NODES, N_DIM), dtype=jnp.float32, minval=-INIT_RANGE, maxval=INIT_RANGE)
    beta = jnp.asarray(1.0, dtype=jnp.float32)
    return {"pairs": pairs, "labels": labels, "table": table, "beta": beta}


def _e_dist(u, v):
    return jnp.sqrt(jnp.sum((u - v) ** 2, axis=-1) + 1e-12)


def _latent_lik(x):
    # standard normal latent prior negative log-likelihood per row
    return 0.5 * x.shape[-1] * jnp.log(2.0 * jnp.pi) + 0.5 * jnp.sum(x ** 2, axis=-1)


def reference(pairs, labels, table, beta):
    # embedding lookups (gather) 
    us = jnp.take(table, pairs[:, 0], axis=0)
    vs = jnp.take(table, pairs[:, 1], axis=0)
    # lik_y_given_z: Bernoulli likelihood with p(y=1) = sigmoid(-beta*(dist - R))
    dist = _e_dist(us, vs)
    y = labels.astype(jnp.float32)
    z = beta * (dist - R)
    loss = y * jnp.logaddexp(0.0, z) + (1.0 - y) * jnp.logaddexp(0.0, -z)
    # calc_latent=True branch
    lik_us = _latent_lik(us)
    lik_vs = _latent_lik(vs)
    loss = loss + (lik_us + lik_vs) / (N_NODES - 1)
    return loss

if __name__ == "__main__":
    import jax
    _d = setup_inputs()
    print(jax.jit(kernel)(*tuple(_d.values())))

</pallas_src>

<mosaic_0001>
#map = affine_map<(d0, d1) -> (0, 0)>
#map1 = affine_map<(d0, d1) -> (0)>
module attributes {stable_mosaic.version = 14 : i64} {
  func.func @k(%arg0: i32, %arg1: i32, %arg2: memref<16x1000000xf32, #tpu.memory_space<hbm>>, %arg3: memref<16x640xf32, #tpu.memory_space<hbm>>, %arg4: memref<32768xi32, #tpu.memory_space<hbm>>, %arg5: memref<32768xi32, #tpu.memory_space<hbm>>, %arg6: memref<524288xf32, #tpu.memory_space<hbm>>, %arg7: memref<1024xi32, #tpu.memory_space<vmem>>, %arg8: memref<1024xi32, #tpu.memory_space<vmem>>, %arg9: memref<16x2048xf32, #tpu.memory_space<vmem>>, %arg10: memref<16x2048xf32, #tpu.memory_space<vmem>>, %arg11: memref<16x640xf32, #tpu.memory_space<vmem>>, %arg12: memref<16384xf32, #tpu.memory_space<vmem>>, %arg13: memref<!tpu.dma_semaphore, #tpu.memory_space<semaphore_mem>>, %arg14: memref<!tpu.dma_semaphore, #tpu.memory_space<semaphore_mem>>, %arg15: memref<!tpu.dma_semaphore, #tpu.memory_space<semaphore_mem>>) attributes {dimension_semantics = [#tpu.dimension_semantics<core_parallel>, #tpu.dimension_semantics<subcore_parallel>], iteration_bounds = array<i64: 2, 16>, scalar_prefetch = 0 : i64, scratch_operands = 9 : i64, tpu.core_type = #tpu.core_type<sc_vector_subcore>, window_params = [{transform_indices = #map}, {transform_indices = #map}, {transform_indices = #map1}, {transform_indices = #map1}, {transform_indices = #map1}]} {
    %mul3A = arith.constant 2 : i32
    %mul3A_0 = arith.muli %arg1, %mul3A : i32
    %add3A = arith.addi %mul3A_0, %arg0 : i32
    %mul3A_1 = arith.constant 1024 : i32
    %mul3A_2 = arith.muli %add3A, %mul3A_1 : i32
    "tpu.region"() ({
      %run_scoped3A = tpu.sem_alloc : memref<!tpu.dma_semaphore, #tpu.memory_space<semaphore_mem>>
      %dma_start3A = tpu.memref_slice %arg4[%mul3A_2] : memref<32768xi32, #tpu.memory_space<hbm>> -> memref<1024xi32, #tpu.memory_space<hbm>>
      %dma_start3A_79 = tpu.memref_slice %arg4[%mul3A_2] : memref<32768xi32, #tpu.memory_space<hbm>> -> memref<1024xi32, #tpu.memory_space<hbm>>
      tpu.enqueue_dma source(%dma_start3A_79 : memref<1024xi32, #tpu.memory_space<hbm>>) target(%arg7 : memref<1024xi32, #tpu.memory_space<vmem>>) target_semaphore(%run_scoped3A : memref<!tpu.dma_semaphore, #tpu.memory_space<semaphore_mem>>)
      %dma_wait3A = tpu.memref_slice %arg4[%mul3A_2] : memref<32768xi32, #tpu.memory_space<hbm>> -> memref<1024xi32, #tpu.memory_space<hbm>>
      %dma_wait3A_80 = tpu.memref_slice %arg4[%mul3A_2] : memref<32768xi32, #tpu.memory_space<hbm>> -> memref<1024xi32, #tpu.memory_space<hbm>>
      tpu.wait_dma2 semaphore(%run_scoped3A : memref<!tpu.dma_semaphore, #tpu.memory_space<semaphore_mem>>) src(%dma_wait3A_80 : memref<1024xi32, #tpu.memory_space<hbm>>) dst(%arg7 : memref<1024xi32, #tpu.memory_space<vmem>>)
      tpu.yield
    }) : () -> ()
    "tpu.region"() ({
      %run_scoped3A = tpu.sem_alloc : memref<!tpu.dma_semaphore, #tpu.memory_space<semaphore_mem>>
      %dma_start3A = tpu.memref_slice %arg5[%mul3A_2] : memref<32768xi32, #tpu.memory_space<hbm>> -> memref<1024xi32, #tpu.memory_space<hbm>>
      %dma_start3A_79 = tpu.memref_slice %arg5[%mul3A_2] : memref<32768xi32, #tpu.memory_space<hbm>> -> memref<1024xi32, #tpu.memory_space<hbm>>
      tpu.enqueue_dma source(%dma_start3A_79 : memref<1024xi32, #tpu.memory_space<hbm>>) target(%arg8 : memref<1024xi32, #tpu.memory_space<vmem>>) target_semaphore(%run_scoped3A : memref<!tpu.dma_semaphore, #tpu.memory_space<semaphore_mem>>)
      %dma_wait3A = tpu.memref_slice %arg5[%mul3A_2] : memref<32768xi32, #tpu.memory_space<hbm>> -> memref<1024xi32, #tpu.memory_space<hbm>>
      %dma_wait3A_80 = tpu.memref_slice %arg5[%mul3A_2] : memref<32768xi32, #tpu.memory_space<hbm>> -> memref<1024xi32, #tpu.memory_space<hbm>>
      tpu.wait_dma2 semaphore(%run_scoped3A : memref<!tpu.dma_semaphore, #tpu.memory_space<semaphore_mem>>) src(%dma_wait3A_80 : memref<1024xi32, #tpu.memory_space<hbm>>) dst(%arg8 : memref<1024xi32, #tpu.memory_space<vmem>>)
      tpu.yield
    }) : () -> ()
    "tpu.region"() ({
      %run_scoped3A = tpu.sem_alloc : memref<!tpu.dma_semaphore, #tpu.memory_space<semaphore_mem>>
      tpu.enqueue_dma source(%arg3 : memref<16x640xf32, #tpu.memory_space<hbm>>) target(%arg11 : memref<16x640xf32, #tpu.memory_space<vmem>>) target_semaphore(%run_scoped3A : memref<!tpu.dma_semaphore, #tpu.memory_space<semaphore_mem>>)
      tpu.wait_dma2 semaphore(%run_scoped3A : memref<!tpu.dma_semaphore, #tpu.memory_space<semaphore_mem>>) src(%arg3 : memref<16x640xf32, #tpu.memory_space<hbm>>) dst(%arg11 : memref<16x640xf32, #tpu.memory_space<vmem>>)
      tpu.yield
    }) : () -> ()
    %iota3A = tpu.iota {dimensions = array<i32: 0>} : vector<16xi32>
    %get3A = arith.constant 0 : index
    %get3A_3 = tpu.vector_load %arg7[%get3A] {strides = array<i32>} : memref<1024xi32, #tpu.memory_space<vmem>>, vector<16xi32>,
    %slice3A = vector.extract_strided_slice %get3A_3 {offsets = [0], sizes = [1], strides = [1]} : vector<16xi32> to vector<1xi32>
    %squeeze3A = vector.extract %slice3A[0] : i32 from vector<1xi32>
    %jit3A = arith.constant 2048 : i32
    %div3A = arith.divsi %squeeze3A, %jit3A : i32
    %sign3A = arith.constant 0 : i32
    %sign3A_4 = arith.cmpi sgt, %squeeze3A, %sign3A : i32
    %sign3A_5 = arith.extui %sign3A_4 : i1 to i32
    %sign3A_6 = arith.constant 0 : i32
    %sign3A_7 = arith.cmpi slt, %squeeze3A, %sign3A_6 : i32
    %sign3A_8 = arith.extui %sign3A_7 : i1 to i32
    %sign3A_9 = arith.subi %sign3A_5, %sign3A_8 : i32
    %sign3A_10 = arith.constant 0 : i32
    %sign3A_11 = arith.cmpi sgt, %jit3A, %sign3A_10 : i32
    %sign3A_12 = arith.extui %sign3A_11 : i1 to i32
    %sign3A_13 = arith.constant 0 : i32
    %sign3A_14 = arith.cmpi slt, %jit3A, %sign3A_13 : i32
    %sign3A_15 = arith.extui %sign3A_14 : i1 to i32
    %sign3A_16 = arith.subi %sign3A_12, %sign3A_15 : i32
    %ne3A = arith.cmpi ne, %sign3A_9, %sign3A_16 : i32
    %rem3A = arith.remsi %squeeze3A, %jit3A : i32
    %ne3A_17 = arith.constant 0 : i32
    %ne3A_18 = arith.cmpi ne, %rem3A, %ne3A_17 : i32
    %and3A = arith.andi %ne3A, %ne3A_18 : i1
    %sub3A = arith.constant 1 : i32
    %sub3A_19 = arith.subi %div3A, %sub3A : i32
    %select_n3A = arith.select %and3A, %sub3A_19, %div3A : i32
    %min3A = arith.constant 487 : i32
    %min3A_20 = arith.minsi %select_n3A, %min3A : i32
    %mul3A_21 = arith.constant 2048 : i32
    %mul3A_22 = arith.muli %min3A_20, %mul3A_21 : i32
    %multiple_of3A = tpu.assume_multiple %mul3A_22, 128 : i32
    %rem3A_23 = arith.constant 2 : i32
    %rem3A_24 = arith.remsi %min3A_20, %rem3A_23 : i32
    %eq3A = arith.constant 0 : i32
    %eq3A_25 = arith.cmpi eq, %rem3A_24, %eq3A : i32
    %convert_element_type3A = arith.extui %eq3A_25 : i1 to i32
    %cond3A = arith.constant 0 : i32
    %cond3A_26 = arith.cmpi ne, %convert_element_type3A, %cond3A : i32
    scf.if %cond3A_26 {
      "tpu.region"() ({
        %run_scoped3A = tpu.sem_alloc : memref<!tpu.dma_semaphore, #tpu.memory_space<semaphore_mem>>
        %dma_start3A = arith.constant 0 : i32
        %dma_start3A_79 = tpu.memref_slice %arg2[%dma_start3A, %multiple_of3A] : memref<16x1000000xf32, #tpu.memory_space<hbm>> -> memref<16x2048xf32, #tpu.memory_space<hbm>>
        %dma_start3A_80 = arith.constant 0 : i32
        %dma_start3A_81 = tpu.memref_slice %arg2[%dma_start3A_80, %multiple_of3A] : memref<16x1000000xf32, #tpu.memory_space<hbm>> -> memref<16x2048xf32, #tpu.memory_space<hbm>>
        tpu.enqueue_dma source(%dma_start3A_81 : memref<16x2048xf32, #tpu.memory_space<hbm>>) target(%arg9 : memref<16x2048xf32, #tpu.memory_space<vmem>>) target_semaphore(%run_scoped3A : memref<!tpu.dma_semaphore, #tpu.memory_space<semaphore_mem>>)
        %dma_wait3A = arith.constant 0 : i32
        %dma_wait3A_82 = tpu.memref_slice %arg2[%dma_wait3A, %multiple_of3A] : memref<16x1000000xf32, #tpu.memory_space<hbm>> -> memref<16x2048xf32, #tpu.memory_space<hbm>>
        %dma_wait3A_83 = arith.constant 0 : i32
        %dma_wait3A_84 = tpu.memref_slice %arg2[%dma_wait3A_83, %multiple_of3A] : memref<16x1000000xf32, #tpu.memory_space<hbm>> -> memref<16x2048xf32, #tpu.memory_space<hbm>>
        tpu.wait_dma2 semaphore(%run_scoped3A : memref<!tpu.dma_semaphore, #tpu.memory_space<semaphore_mem>>) src(%dma_wait3A_84 : memref<16x2048xf32, #tpu.memory_space<hbm>>) dst(%arg9 : memref<16x2048xf32, #tpu.memory_space<vmem>>)
        tpu.yield
      }) : () -> ()
    } else {
    }
    %rem3A_27 = arith.constant 2 : i32
    %rem3A_28 = arith.remsi %min3A_20, %rem3A_27 : i32
    %eq3A_29 = arith.constant 1 : i32
    %eq3A_30 = arith.cmpi eq, %rem3A_28, %eq3A_29 : i32
    %convert_element_type3A_31 = arith.extui %eq3A_30 : i1 to i32
    %cond3A_32 = arith.constant 0 : i32
    %cond3A_33 = arith.cmpi ne, %convert_element_type3A_31, %cond3A_32 : i32
    scf.if %cond3A_33 {
      "tpu.region"() ({
        %run_scoped3A = tpu.sem_alloc : memref<!tpu.dma_semaphore, #tpu.memory_space<semaphore_mem>>
        %dma_start3A = arith.constant 0 : i32
        %dma_start3A_79 = tpu.memref_slice %arg2[%dma_start3A, %multiple_of3A] : memref<16x1000000xf32, #tpu.memory_space<hbm>> -> memref<16x2048xf32, #tpu.memory_space<hbm>>
        %dma_start3A_80 = arith.constant 0 : i32
        %dma_start3A_81 = tpu.memref_slice %arg2[%dma_start3A_80, %multiple_of3A] : memref<16x1000000xf32, #tpu.memory_space<hbm>> -> memref<16x2048xf32, #tpu.memory_space<hbm>>
        tpu.enqueue_dma source(%dma_start3A_81 : memref<16x2048xf32, #tpu.memory_space<hbm>>) target(%arg10 : memref<16x2048xf32, #tpu.memory_space<vmem>>) target_semaphore(%run_scoped3A : memref<!tpu.dma_semaphore, #tpu.memory_space<semaphore_mem>>)
        %dma_wait3A = arith.constant 0 : i32
        %dma_wait3A_82 = tpu.memref_slice %arg2[%dma_wait3A, %multiple_of3A] : memref<16x1000000xf32, #tpu.memory_space<hbm>> -> memref<16x2048xf32, #tpu.memory_space<hbm>>
        %dma_wait3A_83 = arith.constant 0 : i32
        %dma_wait3A_84 = tpu.memref_slice %arg2[%dma_wait3A_83, %multiple_of3A] : memref<16x1000000xf32, #tpu.memory_space<hbm>> -> memref<16x2048xf32, #tpu.memory_space<hbm>>
        tpu.wait_dma2 semaphore(%run_scoped3A : memref<!tpu.dma_semaphore, #tpu.memory_space<semaphore_mem>>) src(%dma_wait3A_84 : memref<16x2048xf32, #tpu.memory_space<hbm>>) dst(%arg10 : memref<16x2048xf32, #tpu.memory_space<vmem>>)
        tpu.yield
      }) : () -> ()
    } else {
    }
    %add3A_34 = arith.constant 1 : i32
    %add3A_35 = arith.addi %min3A_20, %add3A_34 : i32
    %min3A_36 = arith.constant 487 : i32
    %min3A_37 = arith.minsi %add3A_35, %min3A_36 : i32
    %mul3A_38 = arith.constant 2048 : i32
    %mul3A_39 = arith.muli %min3A_37, %mul3A_38 : i32
    %multiple_of3A_40 = tpu.assume_multiple %mul3A_39, 128 : i32
    %rem3A_41 = arith.constant 2 : i32
    %rem3A_42 = arith.remsi %min3A_37, %rem3A_41 : i32
    %eq3A_43 = arith.constant 0 : i32
    %eq3A_44 = arith.cmpi eq, %rem3A_42, %eq3A_43 : i32
    %convert_element_type3A_45 = arith.extui %eq3A_44 : i1 to i32
    %cond3A_46 = arith.constant 0 : i32
    %cond3A_47 = arith.cmpi ne, %convert_element_type3A_45, %cond3A_46 : i32
    scf.if %cond3A_47 {
      %dma_start3A = arith.constant 0 : i32
      %dma_start3A_79 = tpu.memref_slice %arg2[%dma_start3A, %multiple_of3A_40] : memref<16x1000000xf32, #tpu.memory_space<hbm>> -> memref<16x2048xf32, #tpu.memory_space<hbm>>
      %dma_start3A_80 = arith.constant 0 : i32
      %dma_start3A_81 = tpu.memref_slice %arg2[%dma_start3A_80, %multiple_of3A_40] : memref<16x1000000xf32, #tpu.memory_space<hbm>> -> memref<16x2048xf32, #tpu.memory_space<hbm>>
      tpu.enqueue_dma source(%dma_start3A_81 : memref<16x2048xf32, #tpu.memory_space<hbm>>) target(%arg9 : memref<16x2048xf32, #tpu.memory_space<vmem>>) target_semaphore(%arg13 : memref<!tpu.dma_semaphore, #tpu.memory_space<semaphore_mem>>)
    } else {
    }
    %rem3A_48 = arith.constant 2 : i32
    %rem3A_49 = arith.remsi %min3A_37, %rem3A_48 : i32
    %eq3A_50 = arith.constant 1 : i32
    %eq3A_51 = arith.cmpi eq, %rem3A_49, %eq3A_50 : i32
    %convert_element_type3A_52 = arith.extui %eq3A_51 : i1 to i32
    %cond3A_53 = arith.constant 0 : i32
    %cond3A_54 = arith.cmpi ne, %convert_element_type3A_52, %cond3A_53 : i32
    scf.if %cond3A_54 {
      %dma_start3A = arith.constant 0 : i32
      %dma_start3A_79 = tpu.memref_slice %arg2[%dma_start3A, %multiple_of3A_40] : memref<16x1000000xf32, #tpu.memory_space<hbm>> -> memref<16x2048xf32, #tpu.memory_space<hbm>>
      %dma_start3A_80 = arith.constant 0 : i32
      %dma_start3A_81 = tpu.memref_slice %arg2[%dma_start3A_80, %multiple_of3A_40] : memref<16x1000000xf32, #tpu.memory_space<hbm>> -> memref<16x2048xf32, #tpu.memory_space<hbm>>
      tpu.enqueue_dma source(%dma_start3A_81 : memref<16x2048xf32, #tpu.memory_space<hbm>>) target(%arg10 : memref<16x2048xf32, #tpu.memory_space<vmem>>) target_semaphore(%arg14 : memref<!tpu.dma_semaphore, #tpu.memory_space<semaphore_mem>>)
    } else {
    }
    %scan3A = arith.constant 0 : i32
    %scan3A_55 = arith.constant 64 : i32
    %scan3A_56 = arith.addi %scan3A, %scan3A_55 : i32
    %scan3A_57 = arith.constant 1 : i32
    %scan3A_58:2 = scf.for %scan3A_79 = %scan3A to %scan3A_56 step %scan3A_57 iter_args(%scan3A_80 = %min3A_20, %scan3A_81 = %min3A_37) -> (i32, i32)  : i32 {
      %mul3A_82 = arith.constant 16 : i32
      %mul3A_83 = arith.muli %scan3A_79, %mul3A_82 : i32
      %get3A_84 = arith.index_cast %mul3A_83 : i32 to index
      %get3A_85 = tpu.vector_load %arg7[%get3A_84] {strides = array<i32>} : memref<1024xi32, #tpu.memory_space<vmem>>, vector<16xi32>,
      %mul3A_86 = arith.constant 16 : i32
      %mul3A_87 = arith.muli %scan3A_79, %mul3A_86 : i32
      %get3A_88 = arith.index_cast %mul3A_87 : i32 to index
      %get3A_89 = tpu.vector_load %arg8[%get3A_88] {strides = array<i32>} : memref<1024xi32, #tpu.memory_space<vmem>>, vector<16xi32>,
      %ge3A = arith.constant 999360 : i32
      %ge3A_90 = vector.broadcast %ge3A : i32 to vector<16xi32>
      %ge3A_91 = arith.cmpi sge, %get3A_85, %ge3A_90 : vector<16xi32>
      %jit3A_92 = arith.constant 2048 : i32
      %div3A_93 = vector.broadcast %jit3A_92 : i32 to vector<16xi32>
      %div3A_94 = arith.divsi %get3A_85, %div3A_93 : vector<16xi32>
      %sign3A_95 = arith.constant 0 : i32
      %sign3A_96 = vector.broadcast %sign3A_95 : i32 to vector<16xi32>
      %sign3A_97 = arith.cmpi sgt, %get3A_85, %sign3A_96 : vector<16xi32>
      %sign3A_98 = arith.extui %sign3A_97 : vector<16xi1> to vector<16xi32>
      %sign3A_99 = arith.constant 0 : i32
      %sign3A_100 = vector.broadcast %sign3A_99 : i32 to vector<16xi32>
      %sign3A_101 = arith.cmpi slt, %get3A_85, %sign3A_100 : vector<16xi32>
      %sign3A_102 = arith.extui %sign3A_101 : vector<16xi1> to vector<16xi32>
      %sign3A_103 = arith.subi %sign3A_98, %sign3A_102 : vector<16xi32>
      %sign3A_104 = arith.constant 0 : i32
      %sign3A_105 = arith.cmpi sgt, %jit3A_92, %sign3A_104 : i32
      %sign3A_106 = arith.extui %sign3A_105 : i1 to i32
      %sign3A_107 = arith.constant 0 : i32
      %sign3A_108 = arith.cmpi slt, %jit3A_92, %sign3A_107 : i32
      %sign3A_109 = arith.extui %sign3A_108 : i1 to i32
      %sign3A_110 = arith.subi %sign3A_106, %sign3A_109 : i32
      %ne3A_111 = vector.broadcast %sign3A_110 : i32 to vector<16xi32>
      %ne3A_112 = arith.cmpi ne, %sign3A_103, %ne3A_111 : vector<16xi32>
      %rem3A_113 = vector.broadcast %jit3A_92 : i32 to vector<16xi32>
      %rem3A_114 = arith.remsi %get3A_85, %rem3A_113 : vector<16xi32>
      %ne3A_115 = arith.constant 0 : i32
      %ne3A_116 = vector.broadcast %ne3A_115 : i32 to vector<16xi32>
      %ne3A_117 = arith.cmpi ne, %rem3A_114, %ne3A_116 : vector<16xi32>
      %and3A_118 = arith.andi %ne3A_112, %ne3A_117 : vector<16xi1>
      %sub3A_119 = arith.constant 1 : i32
      %sub3A_120 = vector.broadcast %sub3A_119 : i32 to vector<16xi32>
      %sub3A_121 = arith.subi %div3A_94, %sub3A_120 : vector<16xi32>
      %select_n3A_122 = arith.select %and3A_118, %sub3A_121, %div3A_94 : vector<16xi1>, vector<16xi32>
      %jit3A_123 = arith.constant 488 : i32
      %broadcast_in_dim3A = vector.broadcast %jit3A_123 : i32 to vector<16xi32>
      %select_n3A_124 = arith.select %ge3A_91, %broadcast_in_dim3A, %select_n3A_122 : vector<16xi1>, vector<16xi32>
      %reduce_min3A = arith.constant true
      %reduce_min3A_125 = vector.broadcast %reduce_min3A : i1 to vector<16xi1>
      %reduce_min3A_126 = arith.constant -2147483648 : i32
      %reduce_min3A_127 = vector.broadcast %reduce_min3A_126 : i32 to vector<16xi32>
      %reduce_min3A_128 = arith.xori %select_n3A_124, %reduce_min3A_127 : vector<16xi32>
      %reduce_min3A_129 = tpu.scan <min>, %reduce_min3A_128 masked %reduce_min3A_125 : vector<16xi32>, vector<16xi1> -> vector<16xi32>
      %reduce_min3A_130 = arith.xori %reduce_min3A_129, %reduce_min3A_127 : vector<16xi32>
      %reduce_min3A_131 = vector.extract %reduce_min3A_130[15] : i32 from vector<16xi32>
      %reduce_max3A = arith.constant true
      %reduce_max3A_132 = vector.broadcast %reduce_max3A : i1 to vector<16xi1>
      %reduce_max3A_133 = arith.constant -2147483648 : i32
      %reduce_max3A_134 = vector.broadcast %reduce_max3A_133 : i32 to vector<16xi32>
      %reduce_max3A_135 = arith.xori %select_n3A_124, %reduce_max3A_134 : vector<16xi32>
      %reduce_max3A_136 = tpu.scan <max>, %reduce_max3A_135 masked %reduce_max3A_132 : vector<16xi32>, vector<16xi1> -> vector<16xi32>
      %reduce_max3A_137 = arith.xori %reduce_max3A_136, %reduce_max3A_134 : vector<16xi32>
      %reduce_max3A_138 = vector.extract %reduce_max3A_137[15] : i32 from vector<16xi32>
      %add3A_139 = arith.constant 1 : i32
      %add3A_140 = arith.addi %reduce_max3A_138, %add3A_139 : i32
      %while3A = arith.subi %add3A_140, %reduce_min3A_131 : i32
      %while3A_141 = arith.addi %reduce_min3A_131, %while3A : i32
      %while3A_142 = arith.constant 1 : i32
      %while3A_143 = arith.divsi %while3A, %while3A_142 : i32
      %while3A_144 = arith.muli %while3A_143, %while3A_142 : i32
      %while3A_145 = arith.addi %reduce_min3A_131, %while3A_144 : i32
      %while3A_146 = arith.constant 1 : i32
      %while3A_147:2 = scf.for %while3A_150 = %reduce_min3A_131 to %while3A_145 step %while3A_146 iter_args(%while3A_151 = %scan3A_80, %while3A_152 = %scan3A_81) -> (i32, i32)  : i32 {
        %le3A = arith.constant 487 : i32
        %le3A_153 = arith.cmpi sle, %while3A_150, %le3A : i32
        %ne3A_154 = arith.cmpi ne, %while3A_150, %while3A_151 : i32
        %and3A_155 = arith.andi %le3A_153, %ne3A_154 : i1
        %convert_element_type3A_156 = arith.extui %and3A_155 : i1 to i32
        %cond3A_157 = arith.constant 0 : i32
        %cond3A_158 = arith.cmpi ne, %convert_element_type3A_156, %cond3A_157 : i32
        scf.if %cond3A_158 {
          %rem3A_307 = arith.constant 2 : i32
          %rem3A_308 = arith.remsi %while3A_152, %rem3A_307 : i32
          %eq3A_309 = arith.constant 0 : i32
          %eq3A_310 = arith.cmpi eq, %rem3A_308, %eq3A_309 : i32
          %convert_element_type3A_311 = arith.extui %eq3A_310 : i1 to i32
          %cond3A_312 = arith.constant 0 : i32
          %cond3A_313 = arith.cmpi ne, %convert_element_type3A_311, %cond3A_312 : i32
          scf.if %cond3A_313 {
            %dma_wait3A = arith.constant 0 : i32
            %dma_wait3A_321 = arith.constant 0 : i32
            %dma_wait3A_322 = tpu.memref_slice %arg2[%dma_wait3A, %dma_wait3A_321] : memref<16x1000000xf32, #tpu.memory_space<hbm>> -> memref<16x2048xf32, #tpu.memory_space<hbm>>
            %dma_wait3A_323 = arith.constant 0 : i32
            %dma_wait3A_324 = arith.constant 0 : i32
            %dma_wait3A_325 = tpu.memref_slice %arg2[%dma_wait3A_323, %dma_wait3A_324] : memref<16x1000000xf32, #tpu.memory_space<hbm>> -> memref<16x2048xf32, #tpu.memory_space<hbm>>
            tpu.wait_dma2 semaphore(%arg13 : memref<!tpu.dma_semaphore, #tpu.memory_space<semaphore_mem>>) src(%dma_wait3A_325 : memref<16x2048xf32, #tpu.memory_space<hbm>>) dst(%arg9 : memref<16x2048xf32, #tpu.memory_space<vmem>>)
          } else {
          }
          %rem3A_314 = arith.constant 2 : i32
          %rem3A_315 = arith.remsi %while3A_152, %rem3A_314 : i32
          %eq3A_316 = arith.constant 1 : i32
          %eq3A_317 = arith.cmpi eq, %rem3A_315, %eq3A_316 : i32
          %convert_element_type3A_318 = arith.extui %eq3A_317 : i1 to i32
          %cond3A_319 = arith.constant 0 : i32
          %cond3A_320 = arith.cmpi ne, %convert_element_type3A_318, %cond3A_319 : i32
          scf.if %cond3A_320 {
            %dma_wait3A = arith.constant 0 : i32
            %dma_wait3A_321 = arith.constant 0 : i32
            %dma_wait3A_322 = tpu.memref_slice %arg2[%dma_wait3A, %dma_wait3A_321] : memref<16x1000000xf32, #tpu.memory_space<hbm>> -> memref<16x2048xf32, #tpu.memory_space<hbm>>
            %dma_wait3A_323 = arith.constant 0 : i32
            %dma_wait3A_324 = arith.constant 0 : i32
            %dma_wait3A_325 = tpu.memref_slice %arg2[%dma_wait3A_323, %dma_wait3A_324] : memref<16x1000000xf32, #tpu.memory_space<hbm>> -> memref<16x2048xf32, #tpu.memory_space<hbm>>
            tpu.wait_dma2 semaphore(%arg14 : memref<!tpu.dma_semaphore, #tpu.memory_space<semaphore_mem>>) src(%dma_wait3A_325 : memref<16x2048xf32, #tpu.memory_space<hbm>>) dst(%arg10 : memref<16x2048xf32, #tpu.memory_space<vmem>>)
          } else {
          }
        } else {
        }
        %ne3A_159 = arith.cmpi ne, %while3A_150, %while3A_152 : i32
        %and3A_160 = arith.andi %and3A_155, %ne3A_159 : i1
        %convert_element_type3A_161 = arith.extui %and3A_160 : i1 to i32
        %cond3A_162 = arith.constant 0 : i32
        %cond3A_163 = arith.cmpi ne, %convert_element_type3A_161, %cond3A_162 : i32
        scf.if %cond3A_163 {
          %mul3A_307 = arith.constant 2048 : i32
          %mul3A_308 = arith.muli %while3A_150, %mul3A_307 : i32
          %multiple_of3A_309 = tpu.assume_multiple %mul3A_308, 128 : i32
          %rem3A_310 = arith.constant 2 : i32
          %rem3A_311 = arith.remsi %while3A_150, %rem3A_310 : i32
          %eq3A_312 = arith.constant 0 : i32
          %eq3A_313 = arith.cmpi eq, %rem3A_311, %eq3A_312 : i32
          %convert_element_type3A_314 = arith.extui %eq3A_313 : i1 to i32
          %cond3A_315 = arith.constant 0 : i32
          %cond3A_316 = arith.cmpi ne, %convert_element_type3A_314, %cond3A_315 : i32
          scf.if %cond3A_316 {
            "tpu.region"() ({
              %run_scoped3A = tpu.sem_alloc : memref<!tpu.dma_semaphore, #tpu.memory_space<semaphore_mem>>
              %dma_start3A = arith.constant 0 : i32
              %dma_start3A_324 = tpu.memref_slice %arg2[%dma_start3A, %multiple_of3A_309] : memref<16x1000000xf32, #tpu.memory_space<hbm>> -> memref<16x2048xf32, #tpu.memory_space<hbm>>
              %dma_start3A_325 = arith.constant 0 : i32
              %dma_start3A_326 = tpu.memref_slice %arg2[%dma_start3A_325, %multiple_of3A_309] : memref<16x1000000xf32, #tpu.memory_space<hbm>> -> memref<16x2048xf32, #tpu.memory_space<hbm>>
              tpu.enqueue_dma source(%dma_start3A_326 : memref<16x2048xf32, #tpu.memory_space<hbm>>) target(%arg9 : memref<16x2048xf32, #tpu.memory_space<vmem>>) target_semaphore(%run_scoped3A : memref<!tpu.dma_semaphore, #tpu.memory_space<semaphore_mem>>)
              %dma_wait3A = arith.constant 0 : i32
              %dma_wait3A_327 = tpu.memref_slice %arg2[%dma_wait3A, %multiple_of3A_309] : memref<16x1000000xf32, #tpu.memory_space<hbm>> -> memref<16x2048xf32, #tpu.memory_space<hbm>>
              %dma_wait3A_328 = arith.constant 0 : i32
              %dma_wait3A_329 = tpu.memref_slice %arg2[%dma_wait3A_328, %multiple_of3A_309] : memref<16x1000000xf32, #tpu.memory_space<hbm>> -> memref<16x2048xf32, #tpu.memory_space<hbm>>
              tpu.wait_dma2 semaphore(%run_scoped3A : memref<!tpu.dma_semaphore, #tpu.memory_space<semaphore_mem>>) src(%dma_wait3A_329 : memref<16x2048xf32, #tpu.memory_space<hbm>>) dst(%arg9 : memref<16x2048xf32, #tpu.memory_space<vmem>>)
              tpu.yield
            }) : () -> ()
          } else {
          }
          %rem3A_317 = arith.constant 2 : i32
          %rem3A_318 = arith.remsi %while3A_150, %rem3A_317 : i32
          %eq3A_319 = arith.constant 1 : i32
          %eq3A_320 = arith.cmpi eq, %rem3A_318, %eq3A_319 : i32
          %convert_element_type3A_321 = arith.extui %eq3A_320 : i1 to i32
          %cond3A_322 = arith.constant 0 : i32
          %cond3A_323 = arith.cmpi ne, %convert_element_type3A_321, %cond3A_322 : i32
          scf.if %cond3A_323 {
            "tpu.region"() ({
              %run_scoped3A = tpu.sem_alloc : memref<!tpu.dma_semaphore, #tpu.memory_space<semaphore_mem>>
              %dma_start3A = arith.constant 0 : i32
              %dma_start3A_324 = tpu.memref_slice %arg2[%dma_start3A, %multiple_of3A_309] : memref<16x1000000xf32, #tpu.memory_space<hbm>> -> memref<16x2048xf32, #tpu.memory_space<hbm>>
              %dma_start3A_325 = arith.constant 0 : i32
              %dma_start3A_326 = tpu.memref_slice %arg2[%dma_start3A_325, %multiple_of3A_309] : memref<16x1000000xf32, #tpu.memory_space<hbm>> -> memref<16x2048xf32, #tpu.memory_space<hbm>>
              tpu.enqueue_dma source(%dma_start3A_326 : memref<16x2048xf32, #tpu.memory_space<hbm>>) target(%arg10 : memref<16x2048xf32, #tpu.memory_space<vmem>>) target_semaphore(%run_scoped3A : memref<!tpu.dma_semaphore, #tpu.memory_space<semaphore_mem>>)
              %dma_wait3A = arith.constant 0 : i32
              %dma_wait3A_327 = tpu.memref_slice %arg2[%dma_wait3A, %multiple_of3A_309] : memref<16x1000000xf32, #tpu.memory_space<hbm>> -> memref<16x2048xf32, #tpu.memory_space<hbm>>
              %dma_wait3A_328 = arith.constant 0 : i32
              %dma_wait3A_329 = tpu.memref_slice %arg2[%dma_wait3A_328, %multiple_of3A_309] : memref<16x1000000xf32, #tpu.memory_space<hbm>> -> memref<16x2048xf32, #tpu.memory_space<hbm>>
              tpu.wait_dma2 semaphore(%run_scoped3A : memref<!tpu.dma_semaphore, #tpu.memory_space<semaphore_mem>>) src(%dma_wait3A_329 : memref<16x2048xf32, #tpu.memory_space<hbm>>) dst(%arg10 : memref<16x2048xf32, #tpu.memory_space<vmem>>)
              tpu.yield
            }) : () -> ()
          } else {
          }
        } else {
        }
        %add3A_164 = arith.constant 1 : i32
        %add3A_165 = arith.addi %while3A_150, %add3A_164 : i32
        %min3A_166 = arith.constant 487 : i32
        %min3A_167 = arith.minsi %add3A_165, %min3A_166 : i32
        %convert_element_type3A_168 = arith.extui %and3A_155 : i1 to i32
        %cond3A_169 = arith.constant 0 : i32
        %cond3A_170 = arith.cmpi ne, %convert_element_type3A_168, %cond3A_169 : i32
        scf.if %cond3A_170 {
          %mul3A_307 = arith.constant 2048 : i32
          %mul3A_308 = arith.muli %min3A_167, %mul3A_307 : i32
          %multiple_of3A_309 = tpu.assume_multiple %mul3A_308, 128 : i32
          %rem3A_310 = arith.constant 2 : i32
          %rem3A_311 = arith.remsi %min3A_167, %rem3A_310 : i32
          %eq3A_312 = arith.constant 0 : i32
          %eq3A_313 = arith.cmpi eq, %rem3A_311, %eq3A_312 : i32
          %convert_element_type3A_314 = arith.extui %eq3A_313 : i1 to i32
          %cond3A_315 = arith.constant 0 : i32
          %cond3A_316 = arith.cmpi ne, %convert_element_type3A_314, %cond3A_315 : i32
          scf.if %cond3A_316 {
            %dma_start3A = arith.constant 0 : i32
            %dma_start3A_324 = tpu.memref_slice %arg2[%dma_start3A, %multiple_of3A_309] : memref<16x1000000xf32, #tpu.memory_space<hbm>> -> memref<16x2048xf32, #tpu.memory_space<hbm>>
            %dma_start3A_325 = arith.constant 0 : i32
            %dma_start3A_326 = tpu.memref_slice %arg2[%dma_start3A_325, %multiple_of3A_309] : memref<16x1000000xf32, #tpu.memory_space<hbm>> -> memref<16x2048xf32, #tpu.memory_space<hbm>>
            tpu.enqueue_dma source(%dma_start3A_326 : memref<16x2048xf32, #tpu.memory_space<hbm>>) target(%arg9 : memref<16x2048xf32, #tpu.memory_space<vmem>>) target_semaphore(%arg13 : memref<!tpu.dma_semaphore, #tpu.memory_space<semaphore_mem>>)
          } else {
          }
          %rem3A_317 = arith.constant 2 : i32
          %rem3A_318 = arith.remsi %min3A_167, %rem3A_317 : i32
          %eq3A_319 = arith.constant 1 : i32
          %eq3A_320 = arith.cmpi eq, %rem3A_318, %eq3A_319 : i32
          %convert_element_type3A_321 = arith.extui %eq3A_320 : i1 to i32
          %cond3A_322 = arith.constant 0 : i32
          %cond3A_323 = arith.cmpi ne, %convert_element_type3A_321, %cond3A_322 : i32
          scf.if %cond3A_323 {
            %dma_start3A = arith.constant 0 : i32
            %dma_start3A_324 = tpu.memref_slice %arg2[%dma_start3A, %multiple_of3A_309] : memref<16x1000000xf32, #tpu.memory_space<hbm>> -> memref<16x2048xf32, #tpu.memory_space<hbm>>
            %dma_start3A_325 = arith.constant 0 : i32
            %dma_start3A_326 = tpu.memref_slice %arg2[%dma_start3A_325, %multiple_of3A_309] : memref<16x1000000xf32, #tpu.memory_space<hbm>> -> memref<16x2048xf32, #tpu.memory_space<hbm>>
            tpu.enqueue_dma source(%dma_start3A_326 : memref<16x2048xf32, #tpu.memory_space<hbm>>) target(%arg10 : memref<16x2048xf32, #tpu.memory_space<vmem>>) target_semaphore(%arg14 : memref<!tpu.dma_semaphore, #tpu.memory_space<semaphore_mem>>)
          } else {
          }
        } else {
        }
        %select_n3A_171 = arith.select %and3A_155, %while3A_150, %while3A_151 : i32
        %select_n3A_172 = arith.select %and3A_155, %min3A_167, %while3A_152 : i32
        %rem3A_173 = arith.constant 2 : i32
        %rem3A_174 = arith.remsi %while3A_150, %rem3A_173 : i32
        %eq3A_175 = arith.constant 0 : i32
        %eq3A_176 = arith.cmpi eq, %rem3A_174, %eq3A_175 : i32
        %eq3A_177 = arith.constant 488 : i32
        %eq3A_178 = arith.cmpi eq, %while3A_150, %eq3A_177 : i32
        %slice3A_179 = vector.extract_strided_slice %get3A_85 {offsets = [0], sizes = [1], strides = [1]} : vector<16xi32> to vector<1xi32>
        %squeeze3A_180 = vector.extract %slice3A_179[0] : i32 from vector<1xi32>
        %slice3A_181 = vector.extract_strided_slice %select_n3A_124 {offsets = [0], sizes = [1], strides = [1]} : vector<16xi32> to vector<1xi32>
        %squeeze3A_182 = vector.extract %slice3A_181[0] : i32 from vector<1xi32>
        %eq3A_183 = arith.cmpi eq, %squeeze3A_182, %while3A_150 : i32
        %convert_element_type3A_184 = arith.extui %eq3A_183 : i1 to i32
        %cond3A_185 = arith.constant 0 : i32
        %cond3A_186 = arith.cmpi ne, %convert_element_type3A_184, %cond3A_185 : i32
        scf.if %cond3A_186 {
          %mul3A_307 = arith.constant 2048 : i32
          %mul3A_308 = arith.muli %while3A_150, %mul3A_307 : i32
          %sub3A_309 = arith.subi %squeeze3A_180, %mul3A_308 : i32
          %jit3A_310 = arith.constant 0 : i32
          %jit3A_311 = arith.constant 2047 : i32
          %max3A = arith.maxsi %jit3A_310, %sub3A_309 : i32
          %min3A_312 = arith.minsi %jit3A_311, %max3A : i32
          %broadcast_in_dim3A_313 = vector.broadcast %min3A_312 : i32 to vector<16xi32>
          %sub3A_314 = arith.constant 999360 : i32
          %sub3A_315 = arith.subi %squeeze3A_180, %sub3A_314 : i32
          %jit3A_316 = arith.constant 0 : i32
          %jit3A_317 = arith.constant 639 : i32
          %max3A_318 = arith.maxsi %jit3A_316, %sub3A_315 : i32
          %min3A_319 = arith.minsi %jit3A_317, %max3A_318 : i32
          %broadcast_in_dim3A_320 = vector.broadcast %min3A_319 : i32 to vector<16xi32>
          %gather3A = tpu.vector_load_idx %arg9[%iota3A, %broadcast_in_dim3A_313] : memref<16x2048xf32, #tpu.memory_space<vmem>>[vector<16xi32>, vector<16xi32>], vector<16xf32>,
          %gather3A_321 = tpu.vector_load_idx %arg10[%iota3A, %broadcast_in_dim3A_313] : memref<16x2048xf32, #tpu.memory_space<vmem>>[vector<16xi32>, vector<16xi32>], vector<16xf32>,
          %gather3A_322 = tpu.vector_load_idx %arg11[%iota3A, %broadcast_in_dim3A_320] : memref<16x640xf32, #tpu.memory_space<vmem>>[vector<16xi32>, vector<16xi32>], vector<16xf32>,
          %select_n3A_323 = arith.select %eq3A_176, %gather3A, %gather3A_321 : vector<16xf32>
          %select_n3A_324 = arith.select %eq3A_178, %gather3A_322, %select_n3A_323 : vector<16xf32>
          %mul3A_325 = arith.constant 16 : i32
          %mul3A_326 = arith.muli %scan3A_79, %mul3A_325 : i32
          %add3A_327 = arith.constant 0 : i32
          %add3A_328 = arith.addi %mul3A_326, %add3A_327 : i32
          %mul3A_329 = arith.constant 16 : i32
          %mul3A_330 = arith.muli %add3A_328, %mul3A_329 : i32
          %swap3A = arith.index_cast %mul3A_330 : i32 to index
          %swap3A_331 = tpu.vector_load %arg12[%swap3A] {strides = array<i32>} : memref<16384xf32, #tpu.memory_space<vmem>>, vector<16xf32>,
          tpu.vector_store %arg12[%swap3A], %select_n3A_324 {strides = array<i32>} : memref<16384xf32, #tpu.memory_space<vmem>>, vector<16xf32>,
          %mul3A_332 = arith.constant 16 : i32
          %mul3A_333 = arith.muli %add3A_328, %mul3A_332 : i32
          %slice3A_334 = vector.extract_strided_slice %get3A_89 {offsets = [0], sizes = [1], strides = [1]} : vector<16xi32> to vector<1xi32>
          %squeeze3A_335 = vector.extract %slice3A_334[0] : i32 from vector<1xi32>
          %mul3A_336 = arith.constant 16 : i32
          %mul3A_337 = arith.muli %squeeze3A_335, %mul3A_336 : i32
          %dma_start3A = tpu.memref_slice %arg12[%mul3A_333] : memref<16384xf32, #tpu.memory_space<vmem>> -> memref<16xf32, #tpu.memory_space<vmem>>
          %dma_start3A_338 = tpu.memref_slice %arg6[%mul3A_337] : memref<524288xf32, #tpu.memory_space<hbm>> -> memref<16xf32, #tpu.memory_space<hbm>>
          %dma_start3A_339 = tpu.memref_slice %arg6[%mul3A_337] : memref<524288xf32, #tpu.memory_space<hbm>> -> memref<16xf32, #tpu.memory_space<hbm>>
          %dma_start3A_340 = tpu.memref_slice %arg12[%mul3A_333] : memref<16384xf32, #tpu.memory_space<vmem>> -> memref<16xf32, #tpu.memory_space<vmem>>
          tpu.enqueue_dma source(%dma_start3A_340 : memref<16xf32, #tpu.memory_space<vmem>>) target(%dma_start3A_339 : memref<16xf32, #tpu.memory_space<hbm>>) target_semaphore(%arg15 : memref<!tpu.dma_semaphore, #tpu.memory_space<semaphore_mem>>)
        } else {
        }
        %slice3A_187 = vector.extract_strided_slice %get3A_85 {offsets = [1], sizes = [1], strides = [1]} : vector<16xi32> to vector<1xi32>
        %squeeze3A_188 = vector.extract %slice3A_187[0] : i32 from vector<1xi32>
        %slice3A_189 = vector.extract_strided_slice %select_n3A_124 {offsets = [1], sizes = [1], strides = [1]} : vector<16xi32> to vector<1xi32>
        %squeeze3A_190 = vector.extract %slice3A_189[0] : i32 from vector<1xi32>
        %eq3A_191 = arith.cmpi eq, %squeeze3A_190, %while3A_150 : i32
        %convert_element_type3A_192 = arith.extui %eq3A_191 : i1 to i32
        %cond3A_193 = arith.constant 0 : i32
        %cond3A_194 = arith.cmpi ne, %convert_element_type3A_192, %cond3A_193 : i32
        scf.if %cond3A_194 {
          %mul3A_307 = arith.constant 2048 : i32
          %mul3A_308 = arith.muli %while3A_150, %mul3A_307 : i32
          %sub3A_309 = arith.subi %squeeze3A_188, %mul3A_308 : i32
          %jit3A_310 = arith.constant 0 : i32
          %jit3A_311 = arith.constant 2047 : i32
          %max3A = arith.maxsi %jit3A_310, %sub3A_309 : i32
          %min3A_312 = arith.minsi %jit3A_311, %max3A : i32
          %broadcast_in_dim3A_313 = vector.broadcast %min3A_312 : i32 to vector<16xi32>
          %sub3A_314 = arith.constant 999360 : i32
          %sub3A_315 = arith.subi %squeeze3A_188, %sub3A_314 : i32
          %jit3A_316 = arith.constant 0 : i32
          %jit3A_317 = arith.constant 639 : i32
          %max3A_318 = arith.maxsi %jit3A_316, %sub3A_315 : i32
          %min3A_319 = arith.minsi %jit3A_317, %max3A_318 : i32
          %broadcast_in_dim3A_320 = vector.broadcast %min3A_319 : i32 to vector<16xi32>
          %gather3A = tpu.vector_load_idx %arg9[%iota3A, %broadcast_in_dim3A_313] : memref<16x2048xf32, #tpu.memory_space<vmem>>[vector<16xi32>, vector<16xi32>], vector<16xf32>,
          %gather3A_321 = tpu.vector_load_idx %arg10[%iota3A, %broadcast_in_dim3A_313] : memref<16x2048xf32, #tpu.memory_space<vmem>>[vector<16xi32>, vector<16xi32>], vector<16xf32>,
          %gather3A_322 = tpu.vector_load_idx %arg11[%iota3A, %broadcast_in_dim3A_320] : memref<16x640xf32, #tpu.memory_space<vmem>>[vector<16xi32>, vector<16xi32>], vector<16xf32>,
          %select_n3A_323 = arith.select %eq3A_176, %gather3A, %gather3A_321 : vector<16xf32>
          %select_n3A_324 = arith.select %eq3A_178, %gather3A_322, %select_n3A_323 : vector<16xf32>
          %mul3A_325 = arith.constant 16 : i32
          %mul3A_326 = arith.muli %scan3A_79, %mul3A_325 : i32
          %add3A_327 = arith.constant 1 : i32
          %add3A_328 = arith.addi %mul3A_326, %add3A_327 : i32
          %mul3A_329 = arith.constant 16 : i32
          %mul3A_330 = arith.muli %add3A_328, %mul3A_329 : i32
          %swap3A = arith.index_cast %mul3A_330 : i32 to index
          %swap3A_331 = tpu.vector_load %arg12[%swap3A] {strides = array<i32>} : memref<16384xf32, #tpu.memory_space<vmem>>, vector<16xf32>,
          tpu.vector_store %arg12[%swap3A], %select_n3A_324 {strides = array<i32>} : memref<16384xf32, #tpu.memory_space<vmem>>, vector<16xf32>,
          %mul3A_332 = arith.constant 16 : i32
          %mul3A_333 = arith.muli %add3A_328, %mul3A_332 : i32
          %slice3A_334 = vector.extract_strided_slice %get3A_89 {offsets = [1], sizes = [1], strides = [1]} : vector<16xi32> to vector<1xi32>
          %squeeze3A_335 = vector.extract %slice3A_334[0] : i32 from vector<1xi32>
          %mul3A_336 = arith.constant 16 : i32
          %mul3A_337 = arith.muli %squeeze3A_335, %mul3A_336 : i32
          %dma_start3A = tpu.memref_slice %arg12[%mul3A_333] : memref<16384xf32, #tpu.memory_space<vmem>> -> memref<16xf32, #tpu.memory_space<vmem>>
          %dma_start3A_338 = tpu.memref_slice %arg6[%mul3A_337] : memref<524288xf32, #tpu.memory_space<hbm>> -> memref<16xf32, #tpu.memory_space<hbm>>
          %dma_start3A_339 = tpu.memref_slice %arg6[%mul3A_337] : memref<524288xf32, #tpu.memory_space<hbm>> -> memref<16xf32, #tpu.memory_space<hbm>>
          %dma_start3A_340 = tpu.memref_slice %arg12[%mul3A_333] : memref<16384xf32, #tpu.memory_space<vmem>> -> memref<16xf32, #tpu.memory_space<vmem>>
          tpu.enqueue_dma source(%dma_start3A_340 : memref<16xf32, #tpu.memory_space<vmem>>) target(%dma_start3A_339 : memref<16xf32, #tpu.memory_space<hbm>>) target_semaphore(%arg15 : memref<!tpu.dma_semaphore, #tpu.memory_space<semaphore_mem>>)
        } else {
        }
        %slice3A_195 = vector.extract_strided_slice %get3A_85 {offsets = [2], sizes = [1], strides = [1]} : vector<16xi32> to vector<1xi32>
        %squeeze3A_196 = vector.extract %slice3A_195[0] : i32 from vector<1xi32>
        %slice3A_197 = vector.extract_strided_slice %select_n3A_124 {offsets = [2], sizes = [1], strides = [1]} : vector<16xi32> to vector<1xi32>
        %squeeze3A_198 = vector.extract %slice3A_197[0] : i32 from vector<1xi32>
        %eq3A_199 = arith.cmpi eq, %squeeze3A_198, %while3A_150 : i32
        %convert_element_type3A_200 = arith.extui %eq3A_199 : i1 to i32
        %cond3A_201 = arith.constant 0 : i32
        %cond3A_202 = arith.cmpi ne, %convert_element_type3A_200, %cond3A_201 : i32
        scf.if %cond3A_202 {
          %mul3A_307 = arith.constant 2048 : i32
          %mul3A_308 = arith.muli %while3A_150, %mul3A_307 : i32
          %sub3A_309 = arith.subi %squeeze3A_196, %mul3A_308 : i32
          %jit3A_310 = arith.constant 0 : i32
          %jit3A_311 = arith.constant 2047 : i32
          %max3A = arith.maxsi %jit3A_310, %sub3A_309 : i32
          %min3A_312 = arith.minsi %jit3A_311, %max3A : i32
          %broadcast_in_dim3A_313 = vector.broadcast %min3A_312 : i32 to vector<16xi32>
          %sub3A_314 = arith.constant 999360 : i32
          %sub3A_315 = arith.subi %squeeze3A_196, %sub3A_314 : i32
          %jit3A_316 = arith.constant 0 : i32
          %jit3A_317 = arith.constant 639 : i32
          %max3A_318 = arith.maxsi %jit3A_316, %sub3A_315 : i32
          %min3A_319 = arith.minsi %jit3A_317, %max3A_318 : i32
          %broadcast_in_dim3A_320 = vector.broadcast %min3A_319 : i32 to vector<16xi32>
          %gather3A = tpu.vector_load_idx %arg9[%iota3A, %broadcast_in_dim3A_313] : memref<16x2048xf32, #tpu.memory_space<vmem>>[vector<16xi32>, vector<16xi32>], vector<16xf32>,
          %gather3A_321 = tpu.vector_load_idx %arg10[%iota3A, %broadcast_in_dim3A_313] : memref<16x2048xf32, #tpu.memory_space<vmem>>[vector<16xi32>, vector<16xi32>], vector<16xf32>,
          %gather3A_322 = tpu.vector_load_idx %arg11[%iota3A, %broadcast_in_dim3A_320] : memref<16x640xf32, #tpu.memory_space<vmem>>[vector<16xi32>, vector<16xi32>], vector<16xf32>,
          %select_n3A_323 = arith.select %eq3A_176, %gather3A, %gather3A_321 : vector<16xf32>
          %select_n3A_324 = arith.select %eq3A_178, %gather3A_322, %select_n3A_323 : vector<16xf32>
          %mul3A_325 = arith.constant 16 : i32
          %mul3A_326 = arith.muli %scan3A_79, %mul3A_325 : i32
          %add3A_327 = arith.constant 2 : i32
          %add3A_328 = arith.addi %mul3A_326, %add3A_327 : i32
          %mul3A_329 = arith.constant 16 : i32
          %mul3A_330 = arith.muli %add3A_328, %mul3A_329 : i32
          %swap3A = arith.index_cast %mul3A_330 : i32 to index
          %swap3A_331 = tpu.vector_load %arg12[%swap3A] {strides = array<i32>} : memref<16384xf32, #tpu.memory_space<vmem>>, vector<16xf32>,
          tpu.vector_store %arg12[%swap3A], %select_n3A_324 {strides = array<i32>} : memref<16384xf32, #tpu.memory_space<vmem>>, vector<16xf32>,
          %mul3A_332 = arith.constant 16 : i32
          %mul3A_333 = arith.muli %add3A_328, %mul3A_332 : i32
          %slice3A_334 = vector.extract_strided_slice %get3A_89 {offsets = [2], sizes = [1], strides = [1]} : vector<16xi32> to vector<1xi32>
          %squeeze3A_335 = vector.extract %slice3A_334[0] : i32 from vector<1xi32>
          %mul3A_336 = arith.constant 16 : i32
          %mul3A_337 = arith.muli %squeeze3A_335, %mul3A_336 : i32
          %dma_start3A = tpu.memref_slice %arg12[%mul3A_333] : memref<16384xf32, #tpu.memory_space<vmem>> -> memref<16xf32, #tpu.memory_space<vmem>>
          %dma_start3A_338 = tpu.memref_slice %arg6[%mul3A_337] : memref<524288xf32, #tpu.memory_space<hbm>> -> memref<16xf32, #tpu.memory_space<hbm>>
          %dma_start3A_339 = tpu.memref_slice %arg6[%mul3A_337] : memref<524288xf32, #tpu.memory_space<hbm>> -> memref<16xf32, #tpu.memory_space<hbm>>
          %dma_start3A_340 = tpu.memref_slice %arg12[%mul3A_333] : memref<16384xf32, #tpu.memory_space<vmem>> -> memref<16xf32, #tpu.memory_space<vmem>>
          tpu.enqueue_dma source(%dma_start3A_340 : memref<16xf32, #tpu.memory_space<vmem>>) target(%dma_start3A_339 : memref<16xf32, #tpu.memory_space<hbm>>) target_semaphore(%arg15 : memref<!tpu.dma_semaphore, #tpu.memory_space<semaphore_mem>>)
        } else {
        }
        %slice3A_203 = vector.extract_strided_slice %get3A_85 {offsets = [3], sizes = [1], strides = [1]} : vector<16xi32> to vector<1xi32>
        %squeeze3A_204 = vector.extract %slice3A_203[0] : i32 from vector<1xi32>
        %slice3A_205 = vector.extract_strided_slice %select_n3A_124 {offsets = [3], sizes = [1], strides = [1]} : vector<16xi32> to vector<1xi32>
        %squeeze3A_206 = vector.extract %slice3A_205[0] : i32 from vector<1xi32>
        %eq3A_207 = arith.cmpi eq, %squeeze3A_206, %while3A_150 : i32
        %convert_element_type3A_208 = arith.extui %eq3A_207 : i1 to i32
        %cond3A_209 = arith.constant 0 : i32
        %cond3A_210 = arith.cmpi ne, %convert_element_type3A_208, %cond3A_209 : i32
        scf.if %cond3A_210 {
          %mul3A_307 = arith.constant 2048 : i32
          %mul3A_308 = arith.muli %while3A_150, %mul3A_307 : i32
          %sub3A_309 = arith.subi %squeeze3A_204, %mul3A_308 : i32
          %jit3A_310 = arith.constant 0 : i32
          %jit3A_311 = arith.constant 2047 : i32
          %max3A = arith.maxsi %jit3A_310, %sub3A_309 : i32
          %min3A_312 = arith.minsi %jit3A_311, %max3A : i32
          %broadcast_in_dim3A_313 = vector.broadcast %min3A_312 : i32 to vector<16xi32>
          %sub3A_314 = arith.constant 999360 : i32
          %sub3A_315 = arith.subi %squeeze3A_204, %sub3A_314 : i32
          %jit3A_316 = arith.constant 0 : i32
          %jit3A_317 = arith.constant 639 : i32
          %max3A_318 = arith.maxsi %jit3A_316, %sub3A_315 : i32
          %min3A_319 = arith.minsi %jit3A_317, %max3A_318 : i32
          %broadcast_in_dim3A_320 = vector.broadcast %min3A_319 : i32 to vector<16xi32>
          %gather3A = tpu.vector_load_idx %arg9[%iota3A, %broadcast_in_dim3A_313] : memref<16x2048xf32, #tpu.memory_space<vmem>>[vector<16xi32>, vector<16xi32>], vector<16xf32>,
          %gather3A_321 = tpu.vector_load_idx %arg10[%iota3A, %broadcast_in_dim3A_313] : memref<16x2048xf32, #tpu.memory_space<vmem>>[vector<16xi32>, vector<16xi32>], vector<16xf32>,
          %gather3A_322 = tpu.vector_load_idx %arg11[%iota3A, %broadcast_in_dim3A_320] : memref<16x640xf32, #tpu.memory_space<vmem>>[vector<16xi32>, vector<16xi32>], vector<16xf32>,
          %select_n3A_323 = arith.select %eq3A_176, %gather3A, %gather3A_321 : vector<16xf32>
          %select_n3A_324 = arith.select %eq3A_178, %gather3A_322, %select_n3A_323 : vector<16xf32>
          %mul3A_325 = arith.constant 16 : i32
          %mul3A_326 = arith.muli %scan3A_79, %mul3A_325 : i32
          %add3A_327 = arith.constant 3 : i32
          %add3A_328 = arith.addi %mul3A_326, %add3A_327 : i32
          %mul3A_329 = arith.constant 16 : i32
          %mul3A_330 = arith.muli %add3A_328, %mul3A_329 : i32
          %swap3A = arith.index_cast %mul3A_330 : i32 to index
          %swap3A_331 = tpu.vector_load %arg12[%swap3A] {strides = array<i32>} : memref<16384xf32, #tpu.memory_space<vmem>>, vector<16xf32>,
          tpu.vector_store %arg12[%swap3A], %select_n3A_324 {strides = array<i32>} : memref<16384xf32, #tpu.memory_space<vmem>>, vector<16xf32>,
          %mul3A_332 = arith.constant 16 : i32
          %mul3A_333 = arith.muli %add3A_328, %mul3A_332 : i32
          %slice3A_334 = vector.extract_strided_slice %get3A_89 {offsets = [3], sizes = [1], strides = [1]} : vector<16xi32> to vector<1xi32>
          %squeeze3A_335 = vector.extract %slice3A_334[0] : i32 from vector<1xi32>
          %mul3A_336 = arith.constant 16 : i32
          %mul3A_337 = arith.muli %squeeze3A_335, %mul3A_336 : i32
          %dma_start3A = tpu.memref_slice %arg12[%mul3A_333] : memref<16384xf32, #tpu.memory_space<vmem>> -> memref<16xf32, #tpu.memory_space<vmem>>
          %dma_start3A_338 = tpu.memref_slice %arg6[%mul3A_337] : memref<524288xf32, #tpu.memory_space<hbm>> -> memref<16xf32, #tpu.memory_space<hbm>>
          %dma_start3A_339 = tpu.memref_slice %arg6[%mul3A_337] : memref<524288xf32, #tpu.memory_space<hbm>> -> memref<16xf32, #tpu.memory_space<hbm>>
          %dma_start3A_340 = tpu.memref_slice %arg12[%mul3A_333] : memref<16384xf32, #tpu.memory_space<vmem>> -> memref<16xf32, #tpu.memory_space<vmem>>
          tpu.enqueue_dma source(%dma_start3A_340 : memref<16xf32, #tpu.memory_space<vmem>>) target(%dma_start3A_339 : memref<16xf32, #tpu.memory_space<hbm>>) target_semaphore(%arg15 : memref<!tpu.dma_semaphore, #tpu.memory_space<semaphore_mem>>)
        } else {
        }
        %slice3A_211 = vector.extract_strided_slice %get3A_85 {offsets = [4], sizes = [1], strides = [1]} : vector<16xi32> to vector<1xi32>
        %squeeze3A_212 = vector.extract %slice3A_211[0] : i32 from vector<1xi32>
        %slice3A_213 = vector.extract_strided_slice %select_n3A_124 {offsets = [4], sizes = [1], strides = [1]} : vector<16xi32> to vector<1xi32>
        %squeeze3A_214 = vector.extract %slice3A_213[0] : i32 from vector<1xi32>
        %eq3A_215 = arith.cmpi eq, %squeeze3A_214, %while3A_150 : i32
        %convert_element_type3A_216 = arith.extui %eq3A_215 : i1 to i32
        %cond3A_217 = arith.constant 0 : i32
        %cond3A_218 = arith.cmpi ne, %convert_element_type3A_216, %cond3A_217 : i32
        scf.if %cond3A_218 {
          %mul3A_307 = arith.constant 2048 : i32
          %mul3A_308 = arith.muli %while3A_150, %mul3A_307 : i32
          %sub3A_309 = arith.subi %squeeze3A_212, %mul3A_308 : i32
          %jit3A_310 = arith.constant 0 : i32
          %jit3A_311 = arith.constant 2047 : i32
          %max3A = arith.maxsi %jit3A_310, %sub3A_309 : i32
          %min3A_312 = arith.minsi %jit3A_311, %max3A : i32
          %broadcast_in_dim3A_313 = vector.broadcast %min3A_312 : i32 to vector<16xi32>
          %sub3A_314 = arith.constant 999360 : i32
          %sub3A_315 = arith.subi %squeeze3A_212, %sub3A_314 : i32
          %jit3A_316 = arith.constant 0 : i32
          %jit3A_317 = arith.constant 639 : i32
          %max3A_318 = arith.maxsi %jit3A_316, %sub3A_315 : i32
          %min3A_319 = arith.minsi %jit3A_317, %max3A_318 : i32
          %broadcast_in_dim3A_320 = vector.broadcast %min3A_319 : i32 to vector<16xi32>
          %gather3A = tpu.vector_load_idx %arg9[%iota3A, %broadcast_in_dim3A_313] : memref<16x2048xf32, #tpu.memory_space<vmem>>[vector<16xi32>, vector<16xi32>], vector<16xf32>,
          %gather3A_321 = tpu.vector_load_idx %arg10[%iota3A, %broadcast_in_dim3A_313] : memref<16x2048xf32, #tpu.memory_space<vmem>>[vector<16xi32>, vector<16xi32>], vector<16xf32>,
          %gather3A_322 = tpu.vector_load_idx %arg11[%iota3A, %broadcast_in_dim3A_320] : memref<16x640xf32, #tpu.memory_space<vmem>>[vector<16xi32>, vector<16xi32>], vector<16xf32>,
          %select_n3A_323 = arith.select %eq3A_176, %gather3A, %gather3A_321 : vector<16xf32>
          %select_n3A_324 = arith.select %eq3A_178, %gather3A_322, %select_n3A_323 : vector<16xf32>
          %mul3A_325 = arith.constant 16 : i32
          %mul3A_326 = arith.muli %scan3A_79, %mul3A_325 : i32
          %add3A_327 = arith.constant 4 : i32
          %add3A_328 = arith.addi %mul3A_326, %add3A_327 : i32
          %mul3A_329 = arith.constant 16 : i32
          %mul3A_330 = arith.muli %add3A_328, %mul3A_329 : i32
          %swap3A = arith.index_cast %mul3A_330 : i32 to index
          %swap3A_331 = tpu.vector_load %arg12[%swap3A] {strides = array<i32>} : memref<16384xf32, #tpu.memory_space<vmem>>, vector<16xf32>,
          tpu.vector_store %arg12[%swap3A], %select_n3A_324 {strides = array<i32>} : memref<16384xf32, #tpu.memory_space<vmem>>, vector<16xf32>,
          %mul3A_332 = arith.constant 16 : i32
          %mul3A_333 = arith.muli %add3A_328, %mul3A_332 : i32
          %slice3A_334 = vector.extract_strided_slice %get3A_89 {offsets = [4], sizes = [1], strides = [1]} : vector<16xi32> to vector<1xi32>
          %squeeze3A_335 = vector.extract %slice3A_334[0] : i32 from vector<1xi32>
          %mul3A_336 = arith.constant 16 : i32
          %mul3A_337 = arith.muli %squeeze3A_335, %mul3A_336 : i32
          %dma_start3A = tpu.memref_slice %arg12[%mul3A_333] : memref<16384xf32, #tpu.memory_space<vmem>> -> memref<16xf32, #tpu.memory_space<vmem>>
          %dma_start3A_338 = tpu.memref_slice %arg6[%mul3A_337] : memref<524288xf32, #tpu.memory_space<hbm>> -> memref<16xf32, #tpu.memory_space<hbm>>
          %dma_start3A_339 = tpu.memref_slice %arg6[%mul3A_337] : memref<524288xf32, #tpu.memory_space<hbm>> -> memref<16xf32, #tpu.memory_space<hbm>>
          %dma_start3A_340 = tpu.memref_slice %arg12[%mul3A_333] : memref<16384xf32, #tpu.memory_space<vmem>> -> memref<16xf32, #tpu.memory_space<vmem>>
          tpu.enqueue_dma source(%dma_start3A_340 : memref<16xf32, #tpu.memory_space<vmem>>) target(%dma_start3A_339 : memref<16xf32, #tpu.memory_space<hbm>>) target_semaphore(%arg15 : memref<!tpu.dma_semaphore, #tpu.memory_space<semaphore_mem>>)
        } else {
        }
        %slice3A_219 = vector.extract_strided_slice %get3A_85 {offsets = [5], sizes = [1], strides = [1]} : vector<16xi32> to vector<1xi32>
        %squeeze3A_220 = vector.extract %slice3A_219[0] : i32 from vector<1xi32>
        %slice3A_221 = vector.extract_strided_slice %select_n3A_124 {offsets = [5], sizes = [1], strides = [1]} : vector<16xi32> to vector<1xi32>
        %squeeze3A_222 = vector.extract %slice3A_221[0] : i32 from vector<1xi32>
        %eq3A_223 = arith.cmpi eq, %squeeze3A_222, %while3A_150 : i32
        %convert_element_type3A_224 = arith.extui %eq3A_223 : i1 to i32
        %cond3A_225 = arith.constant 0 : i32
        %cond3A_226 = arith.cmpi ne, %convert_element_type3A_224, %cond3A_225 : i32
        scf.if %cond3A_226 {
          %mul3A_307 = arith.constant 2048 : i32
          %mul3A_308 = arith.muli %while3A_150, %mul3A_307 : i32
          %sub3A_309 = arith.subi %squeeze3A_220, %mul3A_308 : i32
          %jit3A_310 = arith.constant 0 : i32
          %jit3A_311 = arith.constant 2047 : i32
          %max3A = arith.maxsi %jit3A_310, %sub3A_309 : i32
          %min3A_312 = arith.minsi %jit3A_311, %max3A : i32
          %broadcast_in_dim3A_313 = vector.broadcast %min3A_312 : i32 to vector<16xi32>
          %sub3A_314 = arith.constant 999360 : i32
          %sub3A_315 = arith.subi %squeeze3A_220, %sub3A_314 : i32
          %jit3A_316 = arith.constant 0 : i32
          %jit3A_317 = arith.constant 639 : i32
          %max3A_318 = arith.maxsi %jit3A_316, %sub3A_315 : i32
          %min3A_319 = arith.minsi %jit3A_317, %max3A_318 : i32
          %broadcast_in_dim3A_320 = vector.broadcast %min3A_319 : i32 to vector<16xi32>
          %gather3A = tpu.vector_load_idx %arg9[%iota3A, %broadcast_in_dim3A_313] : memref<16x2048xf32, #tpu.memory_space<vmem>>[vector<16xi32>, vector<16xi32>], vector<16xf32>,
          %gather3A_321 = tpu.vector_load_idx %arg10[%iota3A, %broadcast_in_dim3A_313] : memref<16x2048xf32, #tpu.memory_space<vmem>>[vector<16xi32>, vector<16xi32>], vector<16xf32>,
          %gather3A_322 = tpu.vector_load_idx %arg11[%iota3A, %broadcast_in_dim3A_320] : memref<16x640xf32, #tpu.memory_space<vmem>>[vector<16xi32>, vector<16xi32>], vector<16xf32>,
          %select_n3A_323 = arith.select %eq3A_176, %gather3A, %gather3A_321 : vector<16xf32>
          %select_n3A_324 = arith.select %eq3A_178, %gather3A_322, %select_n3A_323 : vector<16xf32>
          %mul3A_325 = arith.constant 16 : i32
          %mul3A_326 = arith.muli %scan3A_79, %mul3A_325 : i32
          %add3A_327 = arith.constant 5 : i32
          %add3A_328 = arith.addi %mul3A_326, %add3A_327 : i32
          %mul3A_329 = arith.constant 16 : i32
          %mul3A_330 = arith.muli %add3A_328, %mul3A_329 : i32
          %swap3A = arith.index_cast %mul3A_330 : i32 to index
          %swap3A_331 = tpu.vector_load %arg12[%swap3A] {strides = array<i32>} : memref<16384xf32, #tpu.memory_space<vmem>>, vector<16xf32>,
          tpu.vector_store %arg12[%swap3A], %select_n3A_324 {strides = array<i32>} : memref<16384xf32, #tpu.memory_space<vmem>>, vector<16xf32>,
          %mul3A_332 = arith.constant 16 : i32
          %mul3A_333 = arith.muli %add3A_328, %mul3A_332 : i32
          %slice3A_334 = vector.extract_strided_slice %get3A_89 {offsets = [5], sizes = [1], strides = [1]} : vector<16xi32> to vector<1xi32>
          %squeeze3A_335 = vector.extract %slice3A_334[0] : i32 from vector<1xi32>
          %mul3A_336 = arith.constant 16 : i32
          %mul3A_337 = arith.muli %squeeze3A_335, %mul3A_336 : i32
          %dma_start3A = tpu.memref_slice %arg12[%mul3A_333] : memref<16384xf32, #tpu.memory_space<vmem>> -> memref<16xf32, #tpu.memory_space<vmem>>
          %dma_start3A_338 = tpu.memref_slice %arg6[%mul3A_337] : memref<524288xf32, #tpu.memory_space<hbm>> -> memref<16xf32, #tpu.memory_space<hbm>>
          %dma_start3A_339 = tpu.memref_slice %arg6[%mul3A_337] : memref<524288xf32, #tpu.memory_space<hbm>> -> memref<16xf32, #tpu.memory_space<hbm>>
          %dma_start3A_340 = tpu.memref_slice %arg12[%mul3A_333] : memref<16384xf32, #tpu.memory_space<vmem>> -> memref<16xf32, #tpu.memory_space<vmem>>
          tpu.enqueue_dma source(%dma_start3A_340 : memref<16xf32, #tpu.memory_space<vmem>>) target(%dma_start3A_339 : memref<16xf32, #tpu.memory_space<hbm>>) target_semaphore(%arg15 : memref<!tpu.dma_semaphore, #tpu.memory_space<semaphore_mem>>)
        } else {
        }
        %slice3A_227 = vector.extract_strided_slice %get3A_85 {offsets = [6], sizes = [1], strides = [1]} : vector<16xi32> to vector<1xi32>
        %squeeze3A_228 = vector.extract %slice3A_227[0] : i32 from vector<1xi32>
        %slice3A_229 = vector.extract_strided_slice %select_n3A_124 {offsets = [6], sizes = [1], strides = [1]} : vector<16xi32> to vector<1xi32>
        %squeeze3A_230 = vector.extract %slice3A_229[0] : i32 from vector<1xi32>
        %eq3A_231 = arith.cmpi eq, %squeeze3A_230, %while3A_150 : i32
        %convert_element_type3A_232 = arith.extui %eq3A_231 : i1 to i32
        %cond3A_233 = arith.constant 0 : i32
        %cond3A_234 = arith.cmpi ne, %convert_element_type3A_232, %cond3A_233 : i32
        scf.if %cond3A_234 {
          %mul3A_307 = arith.constant 2048 : i32
          %mul3A_308 = arith.muli %while3A_150, %mul3A_307 : i32
          %sub3A_309 = arith.subi %squeeze3A_228, %mul3A_308 : i32
          %jit3A_310 = arith.constant 0 : i32
          %jit3A_311 = arith.constant 2047 : i32
          %max3A = arith.maxsi %jit3A_310, %sub3A_309 : i32
          %min3A_312 = arith.minsi %jit3A_311, %max3A : i32
          %broadcast_in_dim3A_313 = vector.broadcast %min3A_312 : i32 to vector<16xi32>
          %sub3A_314 = arith.constant 999360 : i32
          %sub3A_315 = arith.subi %squeeze3A_228, %sub3A_314 : i32
          %jit3A_316 = arith.constant 0 : i32
          %jit3A_317 = arith.constant 639 : i32
          %max3A_318 = arith.maxsi %jit3A_316, %sub3A_315 : i32
          %min3A_319 = arith.minsi %jit3A_317, %max3A_318 : i32
          %broadcast_in_dim3A_320 = vector.broadcast %min3A_319 : i32 to vector<16xi32>
          %gather3A = tpu.vector_load_idx %arg9[%iota3A, %broadcast_in_dim3A_313] : memref<16x2048xf32, #tpu.memory_space<vmem>>[vector<16xi32>, vector<16xi32>], vector<16xf32>,
          %gather3A_321 = tpu.vector_load_idx %arg10[%iota3A, %broadcast_in_dim3A_313] : memref<16x2048xf32, #tpu.memory_space<vmem>>[vector<16xi32>, vector<16xi32>], vector<16xf32>,
          %gather3A_322 = tpu.vector_load_idx %arg11[%iota3A, %broadcast_in_dim3A_320] : memref<16x640xf32, #tpu.memory_space<vmem>>[vector<16xi32>, vector<16xi32>], vector<16xf32>,
          %select_n3A_323 = arith.select %eq3A_176, %gather3A, %gather3A_321 : vector<16xf32>
          %select_n3A_324 = arith.select %eq3A_178, %gather3A_322, %select_n3A_323 : vector<16xf32>
          %mul3A_325 = arith.constant 16 : i32
          %mul3A_326 = arith.muli %scan3A_79, %mul3A_325 : i32
          %add3A_327 = arith.constant 6 : i32
          %add3A_328 = arith.addi %mul3A_326, %add3A_327 : i32
          %mul3A_329 = arith.constant 16 : i32
          %mul3A_330 = arith.muli %add3A_328, %mul3A_329 : i32
          %swap3A = arith.index_cast %mul3A_330 : i32 to index
          %swap3A_331 = tpu.vector_load %arg12[%swap3A] {strides = array<i32>} : memref<16384xf32, #tpu.memory_space<vmem>>, vector<16xf32>,
          tpu.vector_store %arg12[%swap3A], %select_n3A_324 {strides = array<i32>} : memref<16384xf32, #tpu.memory_space<vmem>>, vector<16xf32>,
          %mul3A_332 = arith.constant 16 : i32
          %mul3A_333 = arith.muli %add3A_328, %mul3A_332 : i32
          %slice3A_334 = vector.extract_strided_slice %get3A_89 {offsets = [6], sizes = [1], strides = [1]} : vector<16xi32> to vector<1xi32>
          %squeeze3A_335 = vector.extract %slice3A_334[0] : i32 from vector<1xi32>
          %mul3A_336 = arith.constant 16 : i32
          %mul3A_337 = arith.muli %squeeze3A_335, %mul3A_336 : i32
          %dma_start3A = tpu.memref_slice %arg12[%mul3A_333] : memref<16384xf32, #tpu.memory_space<vmem>> -> memref<16xf32, #tpu.memory_space<vmem>>
          %dma_start3A_338 = tpu.memref_slice %arg6[%mul3A_337] : memref<524288xf32, #tpu.memory_space<hbm>> -> memref<16xf32, #tpu.memory_space<hbm>>
          %dma_start3A_339 = tpu.memref_slice %arg6[%mul3A_337] : memref<524288xf32, #tpu.memory_space<hbm>> -> memref<16xf32, #tpu.memory_space<hbm>>
          %dma_start3A_340 = tpu.memref_slice %arg12[%mul3A_333] : memref<16384xf32, #tpu.memory_space<vmem>> -> memref<16xf32, #tpu.memory_space<vmem>>
          tpu.enqueue_dma source(%dma_start3A_340 : memref<16xf32, #tpu.memory_space<vmem>>) target(%dma_start3A_339 : memref<16xf32, #tpu.memory_space<hbm>>) target_semaphore(%arg15 : memref<!tpu.dma_semaphore, #tpu.memory_space<semaphore_mem>>)
        } else {
        }
        %slice3A_235 = vector.extract_strided_slice %get3A_85 {offsets = [7], sizes = [1], strides = [1]} : vector<16xi32> to vector<1xi32>
        %squeeze3A_236 = vector.extract %slice3A_235[0] : i32 from vector<1xi32>
        %slice3A_237 = vector.extract_strided_slice %select_n3A_124 {offsets = [7], sizes = [1], strides = [1]} : vector<16xi32> to vector<1xi32>
        %squeeze3A_238 = vector.extract %slice3A_237[0] : i32 from vector<1xi32>
        %eq3A_239 = arith.cmpi eq, %squeeze3A_238, %while3A_150 : i32
        %convert_element_type3A_240 = arith.extui %eq3A_239 : i1 to i32
        %cond3A_241 = arith.constant 0 : i32
        %cond3A_242 = arith.cmpi ne, %convert_element_type3A_240, %cond3A_241 : i32
        scf.if %cond3A_242 {
          %mul3A_307 = arith.constant 2048 : i32
          %mul3A_308 = arith.muli %while3A_150, %mul3A_307 : i32
          %sub3A_309 = arith.subi %squeeze3A_236, %mul3A_308 : i32
          %jit3A_310 = arith.constant 0 : i32
          %jit3A_311 = arith.constant 2047 : i32
          %max3A = arith.maxsi %jit3A_310, %sub3A_309 : i32
          %min3A_312 = arith.minsi %jit3A_311, %max3A : i32
          %broadcast_in_dim3A_313 = vector.broadcast %min3A_312 : i32 to vector<16xi32>
          %sub3A_314 = arith.constant 999360 : i32
          %sub3A_315 = arith.subi %squeeze3A_236, %sub3A_314 : i32
          %jit3A_316 = arith.constant 0 : i32
          %jit3A_317 = arith.constant 639 : i32
          %max3A_318 = arith.maxsi %jit3A_316, %sub3A_315 : i32
          %min3A_319 = arith.minsi %jit3A_317, %max3A_318 : i32
          %broadcast_in_dim3A_320 = vector.broadcast %min3A_319 : i32 to vector<16xi32>
          %gather3A = tpu.vector_load_idx %arg9[%iota3A, %broadcast_in_dim3A_313] : memref<16x2048xf32, #tpu.memory_space<vmem>>[vector<16xi32>, vector<16xi32>], vector<16xf32>,
          %gather3A_321 = tpu.vector_load_idx %arg10[%iota3A, %broadcast_in_dim3A_313] : memref<16x2048xf32, #tpu.memory_space<vmem>>[vector<16xi32>, vector<16xi32>], vector<16xf32>,
          %gather3A_322 = tpu.vector_load_idx %arg11[%iota3A, %broadcast_in_dim3A_320] : memref<16x640xf32, #tpu.memory_space<vmem>>[vector<16xi32>, vector<16xi32>], vector<16xf32>,
          %select_n3A_323 = arith.select %eq3A_176, %gather3A, %gather3A_321 : vector<16xf32>
          %select_n3A_324 = arith.select %eq3A_178, %gather3A_322, %select_n3A_323 : vector<16xf32>
          %mul3A_325 = arith.constant 16 : i32
          %mul3A_326 = arith.muli %scan3A_79, %mul3A_325 : i32
          %add3A_327 = arith.constant 7 : i32
          %add3A_328 = arith.addi %mul3A_326, %add3A_327 : i32
          %mul3A_329 = arith.constant 16 : i32
          %mul3A_330 = arith.muli %add3A_328, %mul3A_329 : i32
          %swap3A = arith.index_cast %mul3A_330 : i32 to index
          %swap3A_331 = tpu.vector_load %arg12[%swap3A] {strides = array<i32>} : memref<16384xf32, #tpu.memory_space<vmem>>, vector<16xf32>,
          tpu.vector_store %arg12[%swap3A], %select_n3A_324 {strides = array<i32>} : memref<16384xf32, #tpu.memory_space<vmem>>, vector<16xf32>,
          %mul3A_332 = arith.constant 16 : i32
          %mul3A_333 = arith.muli %add3A_328, %mul3A_332 : i32
          %slice3A_334 = vector.extract_strided_slice %get3A_89 {offsets = [7], sizes = [1], strides = [1]} : vector<16xi32> to vector<1xi32>
          %squeeze3A_335 = vector.extract %slice3A_334[0] : i32 from vector<1xi32>
          %mul3A_336 = arith.constant 16 : i32
          %mul3A_337 = arith.muli %squeeze3A_335, %mul3A_336 : i32
          %dma_start3A = tpu.memref_slice %arg12[%mul3A_333] : memref<16384xf32, #tpu.memory_space<vmem>> -> memref<16xf32, #tpu.memory_space<vmem>>
          %dma_start3A_338 = tpu.memref_slice %arg6[%mul3A_337] : memref<524288xf32, #tpu.memory_space<hbm>> -> memref<16xf32, #tpu.memory_space<hbm>>
          %dma_start3A_339 = tpu.memref_slice %arg6[%mul3A_337] : memref<524288xf32, #tpu.memory_space<hbm>> -> memref<16xf32, #tpu.memory_space<hbm>>
          %dma_start3A_340 = tpu.memref_slice %arg12[%mul3A_333] : memref<16384xf32, #tpu.memory_space<vmem>> -> memref<16xf32, #tpu.memory_space<vmem>>
          tpu.enqueue_dma source(%dma_start3A_340 : memref<16xf32, #tpu.memory_space<vmem>>) target(%dma_start3A_339 : memref<16xf32, #tpu.memory_space<hbm>>) target_semaphore(%arg15 : memref<!tpu.dma_semaphore, #tpu.memory_space<semaphore_mem>>)
        } else {
        }
        %slice3A_243 = vector.extract_strided_slice %get3A_85 {offsets = [8], sizes = [1], strides = [1]} : vector<16xi32> to vector<1xi32>
        %squeeze3A_244 = vector.extract %slice3A_243[0] : i32 from vector<1xi32>
        %slice3A_245 = vector.extract_strided_slice %select_n3A_124 {offsets = [8], sizes = [1], strides = [1]} : vector<16xi32> to vector<1xi32>
        %squeeze3A_246 = vector.extract %slice3A_245[0] : i32 from vector<1xi32>
        %eq3A_247 = arith.cmpi eq, %squeeze3A_246, %while3A_150 : i32
        %convert_element_type3A_248 = arith.extui %eq3A_247 : i1 to i32
        %cond3A_249 = arith.constant 0 : i32
        %cond3A_250 = arith.cmpi ne, %convert_element_type3A_248, %cond3A_249 : i32
        scf.if %cond3A_250 {
          %mul3A_307 = arith.constant 2048 : i32
          %mul3A_308 = arith.muli %while3A_150, %mul3A_307 : i32
          %sub3A_309 = arith.subi %squeeze3A_244, %mul3A_308 : i32
          %jit3A_310 = arith.constant 0 : i32
          %jit3A_311 = arith.constant 2047 : i32
          %max3A = arith.maxsi %jit3A_310, %sub3A_309 : i32
          %min3A_312 = arith.minsi %jit3A_311, %max3A : i32
          %broadcast_in_dim3A_313 = vector.broadcast %min3A_312 : i32 to vector<16xi32>
          %sub3A_314 = arith.constant 999360 : i32
          %sub3A_315 = arith.subi %squeeze3A_244, %sub3A_314 : i32
          %jit3A_316 = arith.constant 0 : i32
          %jit3A_317 = arith.constant 639 : i32
          %max3A_318 = arith.maxsi %jit3A_316, %sub3A_315 : i32
          %min3A_319 = arith.minsi %jit3A_317, %max3A_318 : i32
          %broadcast_in_dim3A_320 = vector.broadcast %min3A_319 : i32 to vector<16xi32>
          %gather3A = tpu.vector_load_idx %arg9[%iota3A, %broadcast_in_dim3A_313] : memref<16x2048xf32, #tpu.memory_space<vmem>>[vector<16xi32>, vector<16xi32>], vector<16xf32>,
          %gather3A_321 = tpu.vector_load_idx %arg10[%iota3A, %broadcast_in_dim3A_313] : memref<16x2048xf32, #tpu.memory_space<vmem>>[vector<16xi32>, vector<16xi32>], vector<16xf32>,
          %gather3A_322 = tpu.vector_load_idx %arg11[%iota3A, %broadcast_in_dim3A_320] : memref<16x640xf32, #tpu.memory_space<vmem>>[vector<16xi32>, vector<16xi32>], vector<16xf32>,
          %select_n3A_323 = arith.select %eq3A_176, %gather3A, %gather3A_321 : vector<16xf32>
          %select_n3A_324 = arith.select %eq3A_178, %gather3A_322, %select_n3A_323 : vector<16xf32>
          %mul3A_325 = arith.constant 16 : i32
          %mul3A_326 = arith.muli %scan3A_79, %mul3A_325 : i32
          %add3A_327 = arith.constant 8 : i32
          %add3A_328 = arith.addi %mul3A_326, %add3A_327 : i32
          %mul3A_329 = arith.constant 16 : i32
          %mul3A_330 = arith.muli %add3A_328, %mul3A_329 : i32
          %swap3A = arith.index_cast %mul3A_330 : i32 to index
          %swap3A_331 = tpu.vector_load %arg12[%swap3A] {strides = array<i32>} : memref<16384xf32, #tpu.memory_space<vmem>>, vector<16xf32>,
          tpu.vector_store %arg12[%swap3A], %select_n3A_324 {strides = array<i32>} : memref<16384xf32, #tpu.memory_space<vmem>>, vector<16xf32>,
          %mul3A_332 = arith.constant 16 : i32
          %mul3A_333 = arith.muli %add3A_328, %mul3A_332 : i32
          %slice3A_334 = vector.extract_strided_slice %get3A_89 {offsets = [8], sizes = [1], strides = [1]} : vector<16xi32> to vector<1xi32>
          %squeeze3A_335 = vector.extract %slice3A_334[0] : i32 from vector<1xi32>
          %mul3A_336 = arith.constant 16 : i32
          %mul3A_337 = arith.muli %squeeze3A_335, %mul3A_336 : i32
          %dma_start3A = tpu.memref_slice %arg12[%mul3A_333] : memref<16384xf32, #tpu.memory_space<vmem>> -> memref<16xf32, #tpu.memory_space<vmem>>
          %dma_start3A_338 = tpu.memref_slice %arg6[%mul3A_337] : memref<524288xf32, #tpu.memory_space<hbm>> -> memref<16xf32, #tpu.memory_space<hbm>>
          %dma_start3A_339 = tpu.memref_slice %arg6[%mul3A_337] : memref<524288xf32, #tpu.memory_space<hbm>> -> memref<16xf32, #tpu.memory_space<hbm>>
          %dma_start3A_340 = tpu.memref_slice %arg12[%mul3A_333] : memref<16384xf32, #tpu.memory_space<vmem>> -> memref<16xf32, #tpu.memory_space<vmem>>
          tpu.enqueue_dma source(%dma_start3A_340 : memref<16xf32, #tpu.memory_space<vmem>>) target(%dma_start3A_339 : memref<16xf32, #tpu.memory_space<hbm>>) target_semaphore(%arg15 : memref<!tpu.dma_semaphore, #tpu.memory_space<semaphore_mem>>)
        } else {
        }
        %slice3A_251 = vector.extract_strided_slice %get3A_85 {offsets = [9], sizes = [1], strides = [1]} : vector<16xi32> to vector<1xi32>
        %squeeze3A_252 = vector.extract %slice3A_251[0] : i32 from vector<1xi32>
        %slice3A_253 = vector.extract_strided_slice %select_n3A_124 {offsets = [9], sizes = [1], strides = [1]} : vector<16xi32> to vector<1xi32>
        %squeeze3A_254 = vector.extract %slice3A_253[0] : i32 from vector<1xi32>
        %eq3A_255 = arith.cmpi eq, %squeeze3A_254, %while3A_150 : i32
        %convert_element_type3A_256 = arith.extui %eq3A_255 : i1 to i32
        %cond3A_257 = arith.constant 0 : i32
        %cond3A_258 = arith.cmpi ne, %convert_element_type3A_256, %cond3A_257 : i32
        scf.if %cond3A_258 {
          %mul3A_307 = arith.constant 2048 : i32
          %mul3A_308 = arith.muli %while3A_150, %mul3A_307 : i32
          %sub3A_309 = arith.subi %squeeze3A_252, %mul3A_308 : i32
          %jit3A_310 = arith.constant 0 : i32
          %jit3A_311 = arith.constant 2047 : i32
          %max3A = arith.maxsi %jit3A_310, %sub3A_309 : i32
          %min3A_312 = arith.minsi %jit3A_311, %max3A : i32
          %broadcast_in_dim3A_313 = vector.broadcast %min3A_312 : i32 to vector<16xi32>
          %sub3A_314 = arith.constant 999360 : i32
          %sub3A_315 = arith.subi %squeeze3A_252, %sub3A_314 : i32
          %jit3A_316 = arith.constant 0 : i32
          %jit3A_317 = arith.constant 639 : i32
          %max3A_318 = arith.maxsi %jit3A_316, %sub3A_315 : i32
          %min3A_319 = arith.minsi %jit3A_317, %max3A_318 : i32
          %broadcast_in_dim3A_320 = vector.broadcast %min3A_319 : i32 to vector<16xi32>
          %gather3A = tpu.vector_load_idx %arg9[%iota3A, %broadcast_in_dim3A_313] : memref<16x2048xf32, #tpu.memory_space<vmem>>[vector<16xi32>, vector<16xi32>], vector<16xf32>,
          %gather3A_321 = tpu.vector_load_idx %arg10[%iota3A, %broadcast_in_dim3A_313] : memref<16x2048xf32, #tpu.memory_space<vmem>>[vector<16xi32>, vector<16xi32>], vector<16xf32>,
          %gather3A_322 = tpu.vector_load_idx %arg11[%iota3A, %broadcast_in_dim3A_320] : memref<16x640xf32, #tpu.memory_space<vmem>>[vector<16xi32>, vector<16xi32>], vector<16xf32>,
          %select_n3A_323 = arith.select %eq3A_176, %gather3A, %gather3A_321 : vector<16xf32>
          %select_n3A_324 = arith.select %eq3A_178, %gather3A_322, %select_n3A_323 : vector<16xf32>
          %mul3A_325 = arith.constant 16 : i32
          %mul3A_326 = arith.muli %scan3A_79, %mul3A_325 : i32
          %add3A_327 = arith.constant 9 : i32
          %add3A_328 = arith.addi %mul3A_326, %add3A_327 : i32
          %mul3A_329 = arith.constant 16 : i32
          %mul3A_330 = arith.muli %add3A_328, %mul3A_329 : i32
          %swap3A = arith.index_cast %mul3A_330 : i32 to index
          %swap3A_331 = tpu.vector_load %arg12[%swap3A] {strides = array<i32>} : memref<16384xf32, #tpu.memory_space<vmem>>, vector<16xf32>,
          tpu.vector_store %arg12[%swap3A], %select_n3A_324 {strides = array<i32>} : memref<16384xf32, #tpu.memory_space<vmem>>, vector<16xf32>,
          %mul3A_332 = arith.constant 16 : i32
          %mul3A_333 = arith.muli %add3A_328, %mul3A_332 : i32
          %slice3A_334 = vector.extract_strided_slice %get3A_89 {offsets = [9], sizes = [1], strides = [1]} : vector<16xi32> to vector<1xi32>
          %squeeze3A_335 = vector.extract %slice3A_334[0] : i32 from vector<1xi32>
          %mul3A_336 = arith.constant 16 : i32
          %mul3A_337 = arith.muli %squeeze3A_335, %mul3A_336 : i32
          %dma_start3A = tpu.memref_slice %arg12[%mul3A_333] : memref<16384xf32, #tpu.memory_space<vmem>> -> memref<16xf32, #tpu.memory_space<vmem>>
          %dma_start3A_338 = tpu.memref_slice %arg6[%mul3A_337] : memref<524288xf32, #tpu.memory_space<hbm>> -> memref<16xf32, #tpu.memory_space<hbm>>
          %dma_start3A_339 = tpu.memref_slice %arg6[%mul3A_337] : memref<524288xf32, #tpu.memory_space<hbm>> -> memref<16xf32, #tpu.memory_space<hbm>>
          %dma_start3A_340 = tpu.memref_slice %arg12[%mul3A_333] : memref<16384xf32, #tpu.memory_space<vmem>> -> memref<16xf32, #tpu.memory_space<vmem>>
          tpu.enqueue_dma source(%dma_start3A_340 : memref<16xf32, #tpu.memory_space<vmem>>) target(%dma_start3A_339 : memref<16xf32, #tpu.memory_space<hbm>>) target_semaphore(%arg15 : memref<!tpu.dma_semaphore, #tpu.memory_space<semaphore_mem>>)
        } else {
        }
        %slice3A_259 = vector.extract_strided_slice %get3A_85 {offsets = [10], sizes = [1], strides = [1]} : vector<16xi32> to vector<1xi32>
        %squeeze3A_260 = vector.extract %slice3A_259[0] : i32 from vector<1xi32>
        %slice3A_261 = vector.extract_strided_slice %select_n3A_124 {offsets = [10], sizes = [1], strides = [1]} : vector<16xi32> to vector<1xi32>
        %squeeze3A_262 = vector.extract %slice3A_261[0] : i32 from vector<1xi32>
        %eq3A_263 = arith.cmpi eq, %squeeze3A_262, %while3A_150 : i32
        %convert_element_type3A_264 = arith.extui %eq3A_263 : i1 to i32
        %cond3A_265 = arith.constant 0 : i32
        %cond3A_266 = arith.cmpi ne, %convert_element_type3A_264, %cond3A_265 : i32
        scf.if %cond3A_266 {
          %mul3A_307 = arith.constant 2048 : i32
          %mul3A_308 = arith.muli %while3A_150, %mul3A_307 : i32
          %sub3A_309 = arith.subi %squeeze3A_260, %mul3A_308 : i32
          %jit3A_310 = arith.constant 0 : i32
          %jit3A_311 = arith.constant 2047 : i32
          %max3A = arith.maxsi %jit3A_310, %sub3A_309 : i32
          %min3A_312 = arith.minsi %jit3A_311, %max3A : i32
          %broadcast_in_dim3A_313 = vector.broadcast %min3A_312 : i32 to vector<16xi32>
          %sub3A_314 = arith.constant 999360 : i32
          %sub3A_315 = arith.subi %squeeze3A_260, %sub3A_314 : i32
          %jit3A_316 = arith.constant 0 : i32
          %jit3A_317 = arith.constant 639 : i32
          %max3A_318 = arith.maxsi %jit3A_316, %sub3A_315 : i32
          %min3A_319 = arith.minsi %jit3A_317, %max3A_318 : i32
          %broadcast_in_dim3A_320 = vector.broadcast %min3A_319 : i32 to vector<16xi32>
          %gather3A = tpu.vector_load_idx %arg9[%iota3A, %broadcast_in_dim3A_313] : memref<16x2048xf32, #tpu.memory_space<vmem>>[vector<16xi32>, vector<16xi32>], vector<16xf32>,
          %gather3A_321 = tpu.vector_load_idx %arg10[%iota3A, %broadcast_in_dim3A_313] : memref<16x2048xf32, #tpu.memory_space<vmem>>[vector<16xi32>, vector<16xi32>], vector<16xf32>,
          %gather3A_322 = tpu.vector_load_idx %arg11[%iota3A, %broadcast_in_dim3A_320] : memref<16x640xf32, #tpu.memory_space<vmem>>[vector<16xi32>, vector<16xi32>], vector<16xf32>,
          %select_n3A_323 = arith.select %eq3A_176, %gather3A, %gather3A_321 : vector<16xf32>
          %select_n3A_324 = arith.select %eq3A_178, %gather3A_322, %select_n3A_323 : vector<16xf32>
          %mul3A_325 = arith.constant 16 : i32
          %mul3A_326 = arith.muli %scan3A_79, %mul3A_325 : i32
          %add3A_327 = arith.constant 10 : i32
          %add3A_328 = arith.addi %mul3A_326, %add3A_327 : i32
          %mul3A_329 = arith.constant 16 : i32
          %mul3A_330 = arith.muli %add3A_328, %mul3A_329 : i32
          %swap3A = arith.index_cast %mul3A_330 : i32 to index
          %swap3A_331 = tpu.vector_load %arg12[%swap3A] {strides = array<i32>} : memref<16384xf32, #tpu.memory_space<vmem>>, vector<16xf32>,
          tpu.vector_store %arg12[%swap3A], %select_n3A_324 {strides = array<i32>} : memref<16384xf32, #tpu.memory_space<vmem>>, vector<16xf32>,
          %mul3A_332 = arith.constant 16 : i32
          %mul3A_333 = arith.muli %add3A_328, %mul3A_332 : i32
          %slice3A_334 = vector.extract_strided_slice %get3A_89 {offsets = [10], sizes = [1], strides = [1]} : vector<16xi32> to vector<1xi32>
          %squeeze3A_335 = vector.extract %slice3A_334[0] : i32 from vector<1xi32>
          %mul3A_336 = arith.constant 16 : i32
          %mul3A_337 = arith.muli %squeeze3A_335, %mul3A_336 : i32
          %dma_start3A = tpu.memref_slice %arg12[%mul3A_333] : memref<16384xf32, #tpu.memory_space<vmem>> -> memref<16xf32, #tpu.memory_space<vmem>>
          %dma_start3A_338 = tpu.memref_slice %arg6[%mul3A_337] : memref<524288xf32, #tpu.memory_space<hbm>> -> memref<16xf32, #tpu.memory_space<hbm>>
          %dma_start3A_339 = tpu.memref_slice %arg6[%mul3A_337] : memref<524288xf32, #tpu.memory_space<hbm>> -> memref<16xf32, #tpu.memory_space<hbm>>
          %dma_start3A_340 = tpu.memref_slice %arg12[%mul3A_333] : memref<16384xf32, #tpu.memory_space<vmem>> -> memref<16xf32, #tpu.memory_space<vmem>>
          tpu.enqueue_dma source(%dma_start3A_340 : memref<16xf32, #tpu.memory_space<vmem>>) target(%dma_start3A_339 : memref<16xf32, #tpu.memory_space<hbm>>) target_semaphore(%arg15 : memref<!tpu.dma_semaphore, #tpu.memory_space<semaphore_mem>>)
        } else {
        }
        %slice3A_267 = vector.extract_strided_slice %get3A_85 {offsets = [11], sizes = [1], strides = [1]} : vector<16xi32> to vector<1xi32>
        %squeeze3A_268 = vector.extract %slice3A_267[0] : i32 from vector<1xi32>
        %slice3A_269 = vector.extract_strided_slice %select_n3A_124 {offsets = [11], sizes = [1], strides = [1]} : vector<16xi32> to vector<1xi32>
        %squeeze3A_270 = vector.extract %slice3A_269[0] : i32 from vector<1xi32>
        %eq3A_271 = arith.cmpi eq, %squeeze3A_270, %while3A_150 : i32
        %convert_element_type3A_272 = arith.extui %eq3A_271 : i1 to i32
        %cond3A_273 = arith.constant 0 : i32
        %cond3A_274 = arith.cmpi ne, %convert_element_type3A_272, %cond3A_273 : i32
        scf.if %cond3A_274 {
          %mul3A_307 = arith.constant 2048 : i32
          %mul3A_308 = arith.muli %while3A_150, %mul3A_307 : i32
          %sub3A_309 = arith.subi %squeeze3A_268, %mul3A_308 : i32
          %jit3A_310 = arith.constant 0 : i32
          %jit3A_311 = arith.constant 2047 : i32
          %max3A = arith.maxsi %jit3A_310, %sub3A_309 : i32
          %min3A_312 = arith.minsi %jit3A_311, %max3A : i32
          %broadcast_in_dim3A_313 = vector.broadcast %min3A_312 : i32 to vector<16xi32>
          %sub3A_314 = arith.constant 999360 : i32
          %sub3A_315 = arith.subi %squeeze3A_268, %sub3A_314 : i32
          %jit3A_316 = arith.constant 0 : i32
          %jit3A_317 = arith.constant 639 : i32
          %max3A_318 = arith.maxsi %jit3A_316, %sub3A_315 : i32
          %min3A_319 = arith.minsi %jit3A_317, %max3A_318 : i32
          %broadcast_in_dim3A_320 = vector.broadcast %min3A_319 : i32 to vector<16xi32>
          %gather3A = tpu.vector_load_idx %arg9[%iota3A, %broadcast_in_dim3A_313] : memref<16x2048xf32, #tpu.memory_space<vmem>>[vector<16xi32>, vector<16xi32>], vector<16xf32>,
          %gather3A_321 = tpu.vector_load_idx %arg10[%iota3A, %broadcast_in_dim3A_313] : memref<16x2048xf32, #tpu.memory_space<vmem>>[vector<16xi32>, vector<16xi32>], vector<16xf32>,
          %gather3A_322 = tpu.vector_load_idx %arg11[%iota3A, %broadcast_in_dim3A_320] : memref<16x640xf32, #tpu.memory_space<vmem>>[vector<16xi32>, vector<16xi32>], vector<16xf32>,
          %select_n3A_323 = arith.select %eq3A_176, %gather3A, %gather3A_321 : vector<16xf32>
          %select_n3A_324 = arith.select %eq3A_178, %gather3A_322, %select_n3A_323 : vector<16xf32>
          %mul3A_325 = arith.constant 16 : i32
          %mul3A_326 = arith.muli %scan3A_79, %mul3A_325 : i32
          %add3A_327 = arith.constant 11 : i32
          %add3A_328 = arith.addi %mul3A_326, %add3A_327 : i32
          %mul3A_329 = arith.constant 16 : i32
          %mul3A_330 = arith.muli %add3A_328, %mul3A_329 : i32
          %swap3A = arith.index_cast %mul3A_330 : i32 to index
          %swap3A_331 = tpu.vector_load %arg12[%swap3A] {strides = array<i32>} : memref<16384xf32, #tpu.memory_space<vmem>>, vector<16xf32>,
          tpu.vector_store %arg12[%swap3A], %select_n3A_324 {strides = array<i32>} : memref<16384xf32, #tpu.memory_space<vmem>>, vector<16xf32>,
          %mul3A_332 = arith.constant 16 : i32
          %mul3A_333 = arith.muli %add3A_328, %mul3A_332 : i32
          %slice3A_334 = vector.extract_strided_slice %get3A_89 {offsets = [11], sizes = [1], strides = [1]} : vector<16xi32> to vector<1xi32>
          %squeeze3A_335 = vector.extract %slice3A_334[0] : i32 from vector<1xi32>
          %mul3A_336 = arith.constant 16 : i32
          %mul3A_337 = arith.muli %squeeze3A_335, %mul3A_336 : i32
          %dma_start3A = tpu.memref_slice %arg12[%mul3A_333] : memref<16384xf32, #tpu.memory_space<vmem>> -> memref<16xf32, #tpu.memory_space<vmem>>
          %dma_start3A_338 = tpu.memref_slice %arg6[%mul3A_337] : memref<524288xf32, #tpu.memory_space<hbm>> -> memref<16xf32, #tpu.memory_space<hbm>>
          %dma_start3A_339 = tpu.memref_slice %arg6[%mul3A_337] : memref<524288xf32, #tpu.memory_space<hbm>> -> memref<16xf32, #tpu.memory_space<hbm>>
          %dma_start3A_340 = tpu.memref_slice %arg12[%mul3A_333] : memref<16384xf32, #tpu.memory_space<vmem>> -> memref<16xf32, #tpu.memory_space<vmem>>
          tpu.enqueue_dma source(%dma_start3A_340 : memref<16xf32, #tpu.memory_space<vmem>>) target(%dma_start3A_339 : memref<16xf32, #tpu.memory_space<hbm>>) target_semaphore(%arg15 : memref<!tpu.dma_semaphore, #tpu.memory_space<semaphore_mem>>)
        } else {
        }
        %slice3A_275 = vector.extract_strided_slice %get3A_85 {offsets = [12], sizes = [1], strides = [1]} : vector<16xi32> to vector<1xi32>
        %squeeze3A_276 = vector.extract %slice3A_275[0] : i32 from vector<1xi32>
        %slice3A_277 = vector.extract_strided_slice %select_n3A_124 {offsets = [12], sizes = [1], strides = [1]} : vector<16xi32> to vector<1xi32>
        %squeeze3A_278 = vector.extract %slice3A_277[0] : i32 from vector<1xi32>
        %eq3A_279 = arith.cmpi eq, %squeeze3A_278, %while3A_150 : i32
        %convert_element_type3A_280 = arith.extui %eq3A_279 : i1 to i32
        %cond3A_281 = arith.constant 0 : i32
        %cond3A_282 = arith.cmpi ne, %convert_element_type3A_280, %cond3A_281 : i32
        scf.if %cond3A_282 {
          %mul3A_307 = arith.constant 2048 : i32
          %mul3A_308 = arith.muli %while3A_150, %mul3A_307 : i32
          %sub3A_309 = arith.subi %squeeze3A_276, %mul3A_308 : i32
          %jit3A_310 = arith.constant 0 : i32
          %jit3A_311 = arith.constant 2047 : i32
          %max3A = arith.maxsi %jit3A_310, %sub3A_309 : i32
          %min3A_312 = arith.minsi %jit3A_311, %max3A : i32
          %broadcast_in_dim3A_313 = vector.broadcast %min3A_312 : i32 to vector<16xi32>
          %sub3A_314 = arith.constant 999360 : i32
          %sub3A_315 = arith.subi %squeeze3A_276, %sub3A_314 : i32
          %jit3A_316 = arith.constant 0 : i32
          %jit3A_317 = arith.constant 639 : i32
          %max3A_318 = arith.maxsi %jit3A_316, %sub3A_315 : i32
          %min3A_319 = arith.minsi %jit3A_317, %max3A_318 : i32
          %broadcast_in_dim3A_320 = vector.broadcast %min3A_319 : i32 to vector<16xi32>
          %gather3A = tpu.vector_load_idx %arg9[%iota3A, %broadcast_in_dim3A_313] : memref<16x2048xf32, #tpu.memory_space<vmem>>[vector<16xi32>, vector<16xi32>], vector<16xf32>,
          %gather3A_321 = tpu.vector_load_idx %arg10[%iota3A, %broadcast_in_dim3A_313] : memref<16x2048xf32, #tpu.memory_space<vmem>>[vector<16xi32>, vector<16xi32>], vector<16xf32>,
          %gather3A_322 = tpu.vector_load_idx %arg11[%iota3A, %broadcast_in_dim3A_320] : memref<16x640xf32, #tpu.memory_space<vmem>>[vector<16xi32>, vector<16xi32>], vector<16xf32>,
          %select_n3A_323 = arith.select %eq3A_176, %gather3A, %gather3A_321 : vector<16xf32>
          %select_n3A_324 = arith.select %eq3A_178, %gather3A_322, %select_n3A_323 : vector<16xf32>
          %mul3A_325 = arith.constant 16 : i32
          %mul3A_326 = arith.muli %scan3A_79, %mul3A_325 : i32
          %add3A_327 = arith.constant 12 : i32
          %add3A_328 = arith.addi %mul3A_326, %add3A_327 : i32
          %mul3A_329 = arith.constant 16 : i32
          %mul3A_330 = arith.muli %add3A_328, %mul3A_329 : i32
          %swap3A = arith.index_cast %mul3A_330 : i32 to index
          %swap3A_331 = tpu.vector_load %arg12[%swap3A] {strides = array<i32>} : memref<16384xf32, #tpu.memory_space<vmem>>, vector<16xf32>,
          tpu.vector_store %arg12[%swap3A], %select_n3A_324 {strides = array<i32>} : memref<16384xf32, #tpu.memory_space<vmem>>, vector<16xf32>,
          %mul3A_332 = arith.constant 16 : i32
          %mul3A_333 = arith.muli %add3A_328, %mul3A_332 : i32
          %slice3A_334 = vector.extract_strided_slice %get3A_89 {offsets = [12], sizes = [1], strides = [1]} : vector<16xi32> to vector<1xi32>
          %squeeze3A_335 = vector.extract %slice3A_334[0] : i32 from vector<1xi32>
          %mul3A_336 = arith.constant 16 : i32
          %mul3A_337 = arith.muli %squeeze3A_335, %mul3A_336 : i32
          %dma_start3A = tpu.memref_slice %arg12[%mul3A_333] : memref<16384xf32, #tpu.memory_space<vmem>> -> memref<16xf32, #tpu.memory_space<vmem>>
          %dma_start3A_338 = tpu.memref_slice %arg6[%mul3A_337] : memref<524288xf32, #tpu.memory_space<hbm>> -> memref<16xf32, #tpu.memory_space<hbm>>
          %dma_start3A_339 = tpu.memref_slice %arg6[%mul3A_337] : memref<524288xf32, #tpu.memory_space<hbm>> -> memref<16xf32, #tpu.memory_space<hbm>>
          %dma_start3A_340 = tpu.memref_slice %arg12[%mul3A_333] : memref<16384xf32, #tpu.memory_space<vmem>> -> memref<16xf32, #tpu.memory_space<vmem>>
          tpu.enqueue_dma source(%dma_start3A_340 : memref<16xf32, #tpu.memory_space<vmem>>) target(%dma_start3A_339 : memref<16xf32, #tpu.memory_space<hbm>>) target_semaphore(%arg15 : memref<!tpu.dma_semaphore, #tpu.memory_space<semaphore_mem>>)
        } else {
        }
        %slice3A_283 = vector.extract_strided_slice %get3A_85 {offsets = [13], sizes = [1], strides = [1]} : vector<16xi32> to vector<1xi32>
        %squeeze3A_284 = vector.extract %slice3A_283[0] : i32 from vector<1xi32>
        %slice3A_285 = vector.extract_strided_slice %select_n3A_124 {offsets = [13], sizes = [1], strides = [1]} : vector<16xi32> to vector<1xi32>
        %squeeze3A_286 = vector.extract %slice3A_285[0] : i32 from vector<1xi32>
        %eq3A_287 = arith.cmpi eq, %squeeze3A_286, %while3A_150 : i32
        %convert_element_type3A_288 = arith.extui %eq3A_287 : i1 to i32
        %cond3A_289 = arith.constant 0 : i32
        %cond3A_290 = arith.cmpi ne, %convert_element_type3A_288, %cond3A_289 : i32
        scf.if %cond3A_290 {
          %mul3A_307 = arith.constant 2048 : i32
          %mul3A_308 = arith.muli %while3A_150, %mul3A_307 : i32
          %sub3A_309 = arith.subi %squeeze3A_284, %mul3A_308 : i32
          %jit3A_310 = arith.constant 0 : i32
          %jit3A_311 = arith.constant 2047 : i32
          %max3A = arith.maxsi %jit3A_310, %sub3A_309 : i32
          %min3A_312 = arith.minsi %jit3A_311, %max3A : i32
          %broadcast_in_dim3A_313 = vector.broadcast %min3A_312 : i32 to vector<16xi32>
          %sub3A_314 = arith.constant 999360 : i32
          %sub3A_315 = arith.subi %squeeze3A_284, %sub3A_314 : i32
          %jit3A_316 = arith.constant 0 : i32
          %jit3A_317 = arith.constant 639 : i32
          %max3A_318 = arith.maxsi %jit3A_316, %sub3A_315 : i32
          %min3A_319 = arith.minsi %jit3A_317, %max3A_318 : i32
          %broadcast_in_dim3A_320 = vector.broadcast %min3A_319 : i32 to vector<16xi32>
          %gather3A = tpu.vector_load_idx %arg9[%iota3A, %broadcast_in_dim3A_313] : memref<16x2048xf32, #tpu.memory_space<vmem>>[vector<16xi32>, vector<16xi32>], vector<16xf32>,
          %gather3A_321 = tpu.vector_load_idx %arg10[%iota3A, %broadcast_in_dim3A_313] : memref<16x2048xf32, #tpu.memory_space<vmem>>[vector<16xi32>, vector<16xi32>], vector<16xf32>,
          %gather3A_322 = tpu.vector_load_idx %arg11[%iota3A, %broadcast_in_dim3A_320] : memref<16x640xf32, #tpu.memory_space<vmem>>[vector<16xi32>, vector<16xi32>], vector<16xf32>,
          %select_n3A_323 = arith.select %eq3A_176, %gather3A, %gather3A_321 : vector<16xf32>
          %select_n3A_324 = arith.select %eq3A_178, %gather3A_322, %select_n3A_323 : vector<16xf32>
          %mul3A_325 = arith.constant 16 : i32
          %mul3A_326 = arith.muli %scan3A_79, %mul3A_325 : i32
          %add3A_327 = arith.constant 13 : i32
          %add3A_328 = arith.addi %mul3A_326, %add3A_327 : i32
          %mul3A_329 = arith.constant 16 : i32
          %mul3A_330 = arith.muli %add3A_328, %mul3A_329 : i32
          %swap3A = arith.index_cast %mul3A_330 : i32 to index
          %swap3A_331 = tpu.vector_load %arg12[%swap3A] {strides = array<i32>} : memref<16384xf32, #tpu.memory_space<vmem>>, vector<16xf32>,
          tpu.vector_store %arg12[%swap3A], %select_n3A_324 {strides = array<i32>} : memref<16384xf32, #tpu.memory_space<vmem>>, vector<16xf32>,
          %mul3A_332 = arith.constant 16 : i32
          %mul3A_333 = arith.muli %add3A_328, %mul3A_332 : i32
          %slice3A_334 = vector.extract_strided_slice %get3A_89 {offsets = [13], sizes = [1], strides = [1]} : vector<16xi32> to vector<1xi32>
          %squeeze3A_335 = vector.extract %slice3A_334[0] : i32 from vector<1xi32>
          %mul3A_336 = arith.constant 16 : i32
          %mul3A_337 = arith.muli %squeeze3A_335, %mul3A_336 : i32
          %dma_start3A = tpu.memref_slice %arg12[%mul3A_333] : memref<16384xf32, #tpu.memory_space<vmem>> -> memref<16xf32, #tpu.memory_space<vmem>>
          %dma_start3A_338 = tpu.memref_slice %arg6[%mul3A_337] : memref<524288xf32, #tpu.memory_space<hbm>> -> memref<16xf32, #tpu.memory_space<hbm>>
          %dma_start3A_339 = tpu.memref_slice %arg6[%mul3A_337] : memref<524288xf32, #tpu.memory_space<hbm>> -> memref<16xf32, #tpu.memory_space<hbm>>
          %dma_start3A_340 = tpu.memref_slice %arg12[%mul3A_333] : memref<16384xf32, #tpu.memory_space<vmem>> -> memref<16xf32, #tpu.memory_space<vmem>>
          tpu.enqueue_dma source(%dma_start3A_340 : memref<16xf32, #tpu.memory_space<vmem>>) target(%dma_start3A_339 : memref<16xf32, #tpu.memory_space<hbm>>) target_semaphore(%arg15 : memref<!tpu.dma_semaphore, #tpu.memory_space<semaphore_mem>>)
        } else {
        }
        %slice3A_291 = vector.extract_strided_slice %get3A_85 {offsets = [14], sizes = [1], strides = [1]} : vector<16xi32> to vector<1xi32>
        %squeeze3A_292 = vector.extract %slice3A_291[0] : i32 from vector<1xi32>
        %slice3A_293 = vector.extract_strided_slice %select_n3A_124 {offsets = [14], sizes = [1], strides = [1]} : vector<16xi32> to vector<1xi32>
        %squeeze3A_294 = vector.extract %slice3A_293[0] : i32 from vector<1xi32>
        %eq3A_295 = arith.cmpi eq, %squeeze3A_294, %while3A_150 : i32
        %convert_element_type3A_296 = arith.extui %eq3A_295 : i1 to i32
        %cond3A_297 = arith.constant 0 : i32
        %cond3A_298 = arith.cmpi ne, %convert_element_type3A_296, %cond3A_297 : i32
        scf.if %cond3A_298 {
          %mul3A_307 = arith.constant 2048 : i32
          %mul3A_308 = arith.muli %while3A_150, %mul3A_307 : i32
          %sub3A_309 = arith.subi %squeeze3A_292, %mul3A_308 : i32
          %jit3A_310 = arith.constant 0 : i32
          %jit3A_311 = arith.constant 2047 : i32
          %max3A = arith.maxsi %jit3A_310, %sub3A_309 : i32
          %min3A_312 = arith.minsi %jit3A_311, %max3A : i32
          %broadcast_in_dim3A_313 = vector.broadcast %min3A_312 : i32 to vector<16xi32>
          %sub3A_314 = arith.constant 999360 : i32
          %sub3A_315 = arith.subi %squeeze3A_292, %sub3A_314 : i32
          %jit3A_316 = arith.constant 0 : i32
          %jit3A_317 = arith.constant 639 : i32
          %max3A_318 = arith.maxsi %jit3A_316, %sub3A_315 : i32
          %min3A_319 = arith.minsi %jit3A_317, %max3A_318 : i32
          %broadcast_in_dim3A_320 = vector.broadcast %min3A_319 : i32 to vector<16xi32>
          %gather3A = tpu.vector_load_idx %arg9[%iota3A, %broadcast_in_dim3A_313] : memref<16x2048xf32, #tpu.memory_space<vmem>>[vector<16xi32>, vector<16xi32>], vector<16xf32>,
          %gather3A_321 = tpu.vector_load_idx %arg10[%iota3A, %broadcast_in_dim3A_313] : memref<16x2048xf32, #tpu.memory_space<vmem>>[vector<16xi32>, vector<16xi32>], vector<16xf32>,
          %gather3A_322 = tpu.vector_load_idx %arg11[%iota3A, %broadcast_in_dim3A_320] : memref<16x640xf32, #tpu.memory_space<vmem>>[vector<16xi32>, vector<16xi32>], vector<16xf32>,
          %select_n3A_323 = arith.select %eq3A_176, %gather3A, %gather3A_321 : vector<16xf32>
          %select_n3A_324 = arith.select %eq3A_178, %gather3A_322, %select_n3A_323 : vector<16xf32>
          %mul3A_325 = arith.constant 16 : i32
          %mul3A_326 = arith.muli %scan3A_79, %mul3A_325 : i32
          %add3A_327 = arith.constant 14 : i32
          %add3A_328 = arith.addi %mul3A_326, %add3A_327 : i32
          %mul3A_329 = arith.constant 16 : i32
          %mul3A_330 = arith.muli %add3A_328, %mul3A_329 : i32
          %swap3A = arith.index_cast %mul3A_330 : i32 to index
          %swap3A_331 = tpu.vector_load %arg12[%swap3A] {strides = array<i32>} : memref<16384xf32, #tpu.memory_space<vmem>>, vector<16xf32>,
          tpu.vector_store %arg12[%swap3A], %select_n3A_324 {strides = array<i32>} : memref<16384xf32, #tpu.memory_space<vmem>>, vector<16xf32>,
          %mul3A_332 = arith.constant 16 : i32
          %mul3A_333 = arith.muli %add3A_328, %mul3A_332 : i32
          %slice3A_334 = vector.extract_strided_slice %get3A_89 {offsets = [14], sizes = [1], strides = [1]} : vector<16xi32> to vector<1xi32>
          %squeeze3A_335 = vector.extract %slice3A_334[0] : i32 from vector<1xi32>
          %mul3A_336 = arith.constant 16 : i32
          %mul3A_337 = arith.muli %squeeze3A_335, %mul3A_336 : i32
          %dma_start3A = tpu.memref_slice %arg12[%mul3A_333] : memref<16384xf32, #tpu.memory_space<vmem>> -> memref<16xf32, #tpu.memory_space<vmem>>
          %dma_start3A_338 = tpu.memref_slice %arg6[%mul3A_337] : memref<524288xf32, #tpu.memory_space<hbm>> -> memref<16xf32, #tpu.memory_space<hbm>>
          %dma_start3A_339 = tpu.memref_slice %arg6[%mul3A_337] : memref<524288xf32, #tpu.memory_space<hbm>> -> memref<16xf32, #tpu.memory_space<hbm>>
          %dma_start3A_340 = tpu.memref_slice %arg12[%mul3A_333] : memref<16384xf32, #tpu.memory_space<vmem>> -> memref<16xf32, #tpu.memory_space<vmem>>
          tpu.enqueue_dma source(%dma_start3A_340 : memref<16xf32, #tpu.memory_space<vmem>>) target(%dma_start3A_339 : memref<16xf32, #tpu.memory_space<hbm>>) target_semaphore(%arg15 : memref<!tpu.dma_semaphore, #tpu.memory_space<semaphore_mem>>)
        } else {
        }
        %slice3A_299 = vector.extract_strided_slice %get3A_85 {offsets = [15], sizes = [1], strides = [1]} : vector<16xi32> to vector<1xi32>
        %squeeze3A_300 = vector.extract %slice3A_299[0] : i32 from vector<1xi32>
        %slice3A_301 = vector.extract_strided_slice %select_n3A_124 {offsets = [15], sizes = [1], strides = [1]} : vector<16xi32> to vector<1xi32>
        %squeeze3A_302 = vector.extract %slice3A_301[0] : i32 from vector<1xi32>
        %eq3A_303 = arith.cmpi eq, %squeeze3A_302, %while3A_150 : i32
        %convert_element_type3A_304 = arith.extui %eq3A_303 : i1 to i32
        %cond3A_305 = arith.constant 0 : i32
        %cond3A_306 = arith.cmpi ne, %convert_element_type3A_304, %cond3A_305 : i32
        scf.if %cond3A_306 {
          %mul3A_307 = arith.constant 2048 : i32
          %mul3A_308 = arith.muli %while3A_150, %mul3A_307 : i32
          %sub3A_309 = arith.subi %squeeze3A_300, %mul3A_308 : i32
          %jit3A_310 = arith.constant 0 : i32
          %jit3A_311 = arith.constant 2047 : i32
          %max3A = arith.maxsi %jit3A_310, %sub3A_309 : i32
          %min3A_312 = arith.minsi %jit3A_311, %max3A : i32
          %broadcast_in_dim3A_313 = vector.broadcast %min3A_312 : i32 to vector<16xi32>
          %sub3A_314 = arith.constant 999360 : i32
          %sub3A_315 = arith.subi %squeeze3A_300, %sub3A_314 : i32
          %jit3A_316 = arith.constant 0 : i32
          %jit3A_317 = arith.constant 639 : i32
          %max3A_318 = arith.maxsi %jit3A_316, %sub3A_315 : i32
          %min3A_319 = arith.minsi %jit3A_317, %max3A_318 : i32
          %broadcast_in_dim3A_320 = vector.broadcast %min3A_319 : i32 to vector<16xi32>
          %gather3A = tpu.vector_load_idx %arg9[%iota3A, %broadcast_in_dim3A_313] : memref<16x2048xf32, #tpu.memory_space<vmem>>[vector<16xi32>, vector<16xi32>], vector<16xf32>,
          %gather3A_321 = tpu.vector_load_idx %arg10[%iota3A, %broadcast_in_dim3A_313] : memref<16x2048xf32, #tpu.memory_space<vmem>>[vector<16xi32>, vector<16xi32>], vector<16xf32>,
          %gather3A_322 = tpu.vector_load_idx %arg11[%iota3A, %broadcast_in_dim3A_320] : memref<16x640xf32, #tpu.memory_space<vmem>>[vector<16xi32>, vector<16xi32>], vector<16xf32>,
          %select_n3A_323 = arith.select %eq3A_176, %gather3A, %gather3A_321 : vector<16xf32>
          %select_n3A_324 = arith.select %eq3A_178, %gather3A_322, %select_n3A_323 : vector<16xf32>
          %mul3A_325 = arith.constant 16 : i32
          %mul3A_326 = arith.muli %scan3A_79, %mul3A_325 : i32
          %add3A_327 = arith.constant 15 : i32
          %add3A_328 = arith.addi %mul3A_326, %add3A_327 : i32
          %mul3A_329 = arith.constant 16 : i32
          %mul3A_330 = arith.muli %add3A_328, %mul3A_329 : i32
          %swap3A = arith.index_cast %mul3A_330 : i32 to index
          %swap3A_331 = tpu.vector_load %arg12[%swap3A] {strides = array<i32>} : memref<16384xf32, #tpu.memory_space<vmem>>, vector<16xf32>,
          tpu.vector_store %arg12[%swap3A], %select_n3A_324 {strides = array<i32>} : memref<16384xf32, #tpu.memory_space<vmem>>, vector<16xf32>,
          %mul3A_332 = arith.constant 16 : i32
          %mul3A_333 = arith.muli %add3A_328, %mul3A_332 : i32
          %slice3A_334 = vector.extract_strided_slice %get3A_89 {offsets = [15], sizes = [1], strides = [1]} : vector<16xi32> to vector<1xi32>
          %squeeze3A_335 = vector.extract %slice3A_334[0] : i32 from vector<1xi32>
          %mul3A_336 = arith.constant 16 : i32
          %mul3A_337 = arith.muli %squeeze3A_335, %mul3A_336 : i32
          %dma_start3A = tpu.memref_slice %arg12[%mul3A_333] : memref<16384xf32, #tpu.memory_space<vmem>> -> memref<16xf32, #tpu.memory_space<vmem>>
          %dma_start3A_338 = tpu.memref_slice %arg6[%mul3A_337] : memref<524288xf32, #tpu.memory_space<hbm>> -> memref<16xf32, #tpu.memory_space<hbm>>
          %dma_start3A_339 = tpu.memref_slice %arg6[%mul3A_337] : memref<524288xf32, #tpu.memory_space<hbm>> -> memref<16xf32, #tpu.memory_space<hbm>>
          %dma_start3A_340 = tpu.memref_slice %arg12[%mul3A_333] : memref<16384xf32, #tpu.memory_space<vmem>> -> memref<16xf32, #tpu.memory_space<vmem>>
          tpu.enqueue_dma source(%dma_start3A_340 : memref<16xf32, #tpu.memory_space<vmem>>) target(%dma_start3A_339 : memref<16xf32, #tpu.memory_space<hbm>>) target_semaphore(%arg15 : memref<!tpu.dma_semaphore, #tpu.memory_space<semaphore_mem>>)
        } else {
        }
        scf.yield %select_n3A_171, %select_n3A_172 : i32, i32
      }
      %while3A_148 = arith.constant 1 : i32
      %while3A_149:2 = scf.for %while3A_150 = %while3A_145 to %while3A_141 step %while3A_148 iter_args(%while3A_151 = %while3A_147#0, %while3A_152 = %while3A_147#1) -> (i32, i32)  : i32 {
        %le3A = arith.constant 487 : i32
        %le3A_153 = arith.cmpi sle, %while3A_150, %le3A : i32
        %ne3A_154 = arith.cmpi ne, %while3A_150, %while3A_151 : i32
        %and3A_155 = arith.andi %le3A_153, %ne3A_154 : i1
        %convert_element_type3A_156 = arith.extui %and3A_155 : i1 to i32
        %cond3A_157 = arith.constant 0 : i32
        %cond3A_158 = arith.cmpi ne, %convert_element_type3A_156, %cond3A_157 : i32
        scf.if %cond3A_158 {
          %rem3A_307 = arith.constant 2 : i32
          %rem3A_308 = arith.remsi %while3A_152, %rem3A_307 : i32
          %eq3A_309 = arith.constant 0 : i32
          %eq3A_310 = arith.cmpi eq, %rem3A_308, %eq3A_309 : i32
          %convert_element_type3A_311 = arith.extui %eq3A_310 : i1 to i32
          %cond3A_312 = arith.constant 0 : i32
          %cond3A_313 = arith.cmpi ne, %convert_element_type3A_311, %cond3A_312 : i32
          scf.if %cond3A_313 {
            %dma_wait3A = arith.constant 0 : i32
            %dma_wait3A_321 = arith.constant 0 : i32
            %dma_wait3A_322 = tpu.memref_slice %arg2[%dma_wait3A, %dma_wait3A_321] : memref<16x1000000xf32, #tpu.memory_space<hbm>> -> memref<16x2048xf32, #tpu.memory_space<hbm>>
            %dma_wait3A_323 = arith.constant 0 : i32
            %dma_wait3A_324 = arith.constant 0 : i32
            %dma_wait3A_325 = tpu.memref_slice %arg2[%dma_wait3A_323, %dma_wait3A_324] : memref<16x1000000xf32, #tpu.memory_space<hbm>> -> memref<16x2048xf32, #tpu.memory_space<hbm>>
            tpu.wait_dma2 semaphore(%arg13 : memref<!tpu.dma_semaphore, #tpu.memory_space<semaphore_mem>>) src(%dma_wait3A_325 : memref<16x2048xf32, #tpu.memory_space<hbm>>) dst(%arg9 : memref<16x2048xf32, #tpu.memory_space<vmem>>)
          } else {
          }
          %rem3A_314 = arith.constant 2 : i32
          %rem3A_315 = arith.remsi %while3A_152, %rem3A_314 : i32
          %eq3A_316 = arith.constant 1 : i32
          %eq3A_317 = arith.cmpi eq, %rem3A_315, %eq3A_316 : i32
          %convert_element_type3A_318 = arith.extui %eq3A_317 : i1 to i32
          %cond3A_319 = arith.constant 0 : i32
          %cond3A_320 = arith.cmpi ne, %convert_element_type3A_318, %cond3A_319 : i32
          scf.if %cond3A_320 {
            %dma_wait3A = arith.constant 0 : i32
            %dma_wait3A_321 = arith.constant 0 : i32
            %dma_wait3A_322 = tpu.memref_slice %arg2[%dma_wait3A, %dma_wait3A_321] : memref<16x1000000xf32, #tpu.memory_space<hbm>> -> memref<16x2048xf32, #tpu.memory_space<hbm>>
            %dma_wait3A_323 = arith.constant 0 : i32
            %dma_wait3A_324 = arith.constant 0 : i32
            %dma_wait3A_325 = tpu.memref_slice %arg2[%dma_wait3A_323, %dma_wait3A_324] : memref<16x1000000xf32, #tpu.memory_space<hbm>> -> memref<16x2048xf32, #tpu.memory_space<hbm>>
            tpu.wait_dma2 semaphore(%arg14 : memref<!tpu.dma_semaphore, #tpu.memory_space<semaphore_mem>>) src(%dma_wait3A_325 : memref<16x2048xf32, #tpu.memory_space<hbm>>) dst(%arg10 : memref<16x2048xf32, #tpu.memory_space<vmem>>)
          } else {
          }
        } else {
        }
        %ne3A_159 = arith.cmpi ne, %while3A_150, %while3A_152 : i32
        %and3A_160 = arith.andi %and3A_155, %ne3A_159 : i1
        %convert_element_type3A_161 = arith.extui %and3A_160 : i1 to i32
        %cond3A_162 = arith.constant 0 : i32
        %cond3A_163 = arith.cmpi ne, %convert_element_type3A_161, %cond3A_162 : i32
        scf.if %cond3A_163 {
          %mul3A_307 = arith.constant 2048 : i32
          %mul3A_308 = arith.muli %while3A_150, %mul3A_307 : i32
          %multiple_of3A_309 = tpu.assume_multiple %mul3A_308, 128 : i32
          %rem3A_310 = arith.constant 2 : i32
          %rem3A_311 = arith.remsi %while3A_150, %rem3A_310 : i32
          %eq3A_312 = arith.constant 0 : i32
          %eq3A_313 = arith.cmpi eq, %rem3A_311, %eq3A_312 : i32
          %convert_element_type3A_314 = arith.extui %eq3A_313 : i1 to i32
          %cond3A_315 = arith.constant 0 : i32
          %cond3A_316 = arith.cmpi ne, %convert_element_type3A_314, %cond3A_315 : i32
          scf.if %cond3A_316 {
            "tpu.region"() ({
              %run_scoped3A = tpu.sem_alloc : memref<!tpu.dma_semaphore, #tpu.memory_space<semaphore_mem>>
              %dma_start3A = arith.constant 0 : i32
              %dma_start3A_324 = tpu.memref_slice %arg2[%dma_start3A, %multiple_of3A_309] : memref<16x1000000xf32, #tpu.memory_space<hbm>> -> memref<16x2048xf32, #tpu.memory_space<hbm>>
              %dma_start3A_325 = arith.constant 0 : i32
              %dma_start3A_326 = tpu.memref_slice %arg2[%dma_start3A_325, %multiple_of3A_309] : memref<16x1000000xf32, #tpu.memory_space<hbm>> -> memref<16x2048xf32, #tpu.memory_space<hbm>>
              tpu.enqueue_dma source(%dma_start3A_326 : memref<16x2048xf32, #tpu.memory_space<hbm>>) target(%arg9 : memref<16x2048xf32, #tpu.memory_space<vmem>>) target_semaphore(%run_scoped3A : memref<!tpu.dma_semaphore, #tpu.memory_space<semaphore_mem>>)
              %dma_wait3A = arith.constant 0 : i32
              %dma_wait3A_327 = tpu.memref_slice %arg2[%dma_wait3A, %multiple_of3A_309] : memref<16x1000000xf32, #tpu.memory_space<hbm>> -> memref<16x2048xf32, #tpu.memory_space<hbm>>
              %dma_wait3A_328 = arith.constant 0 : i32
              %dma_wait3A_329 = tpu.memref_slice %arg2[%dma_wait3A_328, %multiple_of3A_309] : memref<16x1000000xf32, #tpu.memory_space<hbm>> -> memref<16x2048xf32, #tpu.memory_space<hbm>>
              tpu.wait_dma2 semaphore(%run_scoped3A : memref<!tpu.dma_semaphore, #tpu.memory_space<semaphore_mem>>) src(%dma_wait3A_329 : memref<16x2048xf32, #tpu.memory_space<hbm>>) dst(%arg9 : memref<16x2048xf32, #tpu.memory_space<vmem>>)
              tpu.yield
            }) : () -> ()
          } else {
          }
          %rem3A_317 = arith.constant 2 : i32
          %rem3A_318 = arith.remsi %while3A_150, %rem3A_317 : i32
          %eq3A_319 = arith.constant 1 : i32
          %eq3A_320 = arith.cmpi eq, %rem3A_318, %eq3A_319 : i32
          %convert_element_type3A_321 = arith.extui %eq3A_320 : i1 to i32
          %cond3A_322 = arith.constant 0 : i32
          %cond3A_323 = arith.cmpi ne, %convert_element_type3A_321, %cond3A_322 : i32
          scf.if %cond3A_323 {
            "tpu.region"() ({
              %run_scoped3A = tpu.sem_alloc : memref<!tpu.dma_semaphore, #tpu.memory_space<semaphore_mem>>
              %dma_start3A = arith.constant 0 : i32
              %dma_start3A_324 = tpu.memref_slice %arg2[%dma_start3A, %multiple_of3A_309] : memref<16x1000000xf32, #tpu.memory_space<hbm>> -> memref<16x2048xf32, #tpu.memory_space<hbm>>
              %dma_start3A_325 = arith.constant 0 : i32
              %dma_start3A_326 = tpu.memref_slice %arg2[%dma_start3A_325, %multiple_of3A_309] : memref<16x1000000xf32, #tpu.memory_space<hbm>> -> memref<16x2048xf32, #tpu.memory_space<hbm>>
              tpu.enqueue_dma source(%dma_start3A_326 : memref<16x2048xf32, #tpu.memory_space<hbm>>) target(%arg10 : memref<16x2048xf32, #tpu.memory_space<vmem>>) target_semaphore(%run_scoped3A : memref<!tpu.dma_semaphore, #tpu.memory_space<semaphore_mem>>)
              %dma_wait3A = arith.constant 0 : i32
              %dma_wait3A_327 = tpu.memref_slice %arg2[%dma_wait3A, %multiple_of3A_309] : memref<16x1000000xf32, #tpu.memory_space<hbm>> -> memref<16x2048xf32, #tpu.memory_space<hbm>>
              %dma_wait3A_328 = arith.constant 0 : i32
              %dma_wait3A_329 = tpu.memref_slice %arg2[%dma_wait3A_328, %multiple_of3A_309] : memref<16x1000000xf32, #tpu.memory_space<hbm>> -> memref<16x2048xf32, #tpu.memory_space<hbm>>
              tpu.wait_dma2 semaphore(%run_scoped3A : memref<!tpu.dma_semaphore, #tpu.memory_space<semaphore_mem>>) src(%dma_wait3A_329 : memref<16x2048xf32, #tpu.memory_space<hbm>>) dst(%arg10 : memref<16x2048xf32, #tpu.memory_space<vmem>>)
              tpu.yield
            }) : () -> ()
          } else {
          }
        } else {
        }
        %add3A_164 = arith.constant 1 : i32
        %add3A_165 = arith.addi %while3A_150, %add3A_164 : i32
        %min3A_166 = arith.constant 487 : i32
        %min3A_167 = arith.minsi %add3A_165, %min3A_166 : i32
        %convert_element_type3A_168 = arith.extui %and3A_155 : i1 to i32
        %cond3A_169 = arith.constant 0 : i32
        %cond3A_170 = arith.cmpi ne, %convert_element_type3A_168, %cond3A_169 : i32
        scf.if %cond3A_170 {
          %mul3A_307 = arith.constant 2048 : i32
          %mul3A_308 = arith.muli %min3A_167, %mul3A_307 : i32
          %multiple_of3A_309 = tpu.assume_multiple %mul3A_308, 128 : i32
          %rem3A_310 = arith.constant 2 : i32
          %rem3A_311 = arith.remsi %min3A_167, %rem3A_310 : i32
          %eq3A_312 = arith.constant 0 : i32
          %eq3A_313 = arith.cmpi eq, %rem3A_311, %eq3A_312 : i32
          %convert_element_type3A_314 = arith.extui %eq3A_313 : i1 to i32
          %cond3A_315 = arith.constant 0 : i32
          %cond3A_316 = arith.cmpi ne, %convert_element_type3A_314, %cond3A_315 : i32
          scf.if %cond3A_316 {
            %dma_start3A = arith.constant 0 : i32
            %dma_start3A_324 = tpu.memref_slice %arg2[%dma_start3A, %multiple_of3A_309] : memref<16x1000000xf32, #tpu.memory_space<hbm>> -> memref<16x2048xf32, #tpu.memory_space<hbm>>
            %dma_start3A_325 = arith.constant 0 : i32
            %dma_start3A_326 = tpu.memref_slice %arg2[%dma_start3A_325, %multiple_of3A_309] : memref<16x1000000xf32, #tpu.memory_space<hbm>> -> memref<16x2048xf32, #tpu.memory_space<hbm>>
            tpu.enqueue_dma source(%dma_start3A_326 : memref<16x2048xf32, #tpu.memory_space<hbm>>) target(%arg9 : memref<16x2048xf32, #tpu.memory_space<vmem>>) target_semaphore(%arg13 : memref<!tpu.dma_semaphore, #tpu.memory_space<semaphore_mem>>)
          } else {
          }
          %rem3A_317 = arith.constant 2 : i32
          %rem3A_318 = arith.remsi %min3A_167, %rem3A_317 : i32
          %eq3A_319 = arith.constant 1 : i32
          %eq3A_320 = arith.cmpi eq, %rem3A_318, %eq3A_319 : i32
          %convert_element_type3A_321 = arith.extui %eq3A_320 : i1 to i32
          %cond3A_322 = arith.constant 0 : i32
          %cond3A_323 = arith.cmpi ne, %convert_element_type3A_321, %cond3A_322 : i32
          scf.if %cond3A_323 {
            %dma_start3A = arith.constant 0 : i32
            %dma_start3A_324 = tpu.memref_slice %arg2[%dma_start3A, %multiple_of3A_309] : memref<16x1000000xf32, #tpu.memory_space<hbm>> -> memref<16x2048xf32, #tpu.memory_space<hbm>>
            %dma_start3A_325 = arith.constant 0 : i32
            %dma_start3A_326 = tpu.memref_slice %arg2[%dma_start3A_325, %multiple_of3A_309] : memref<16x1000000xf32, #tpu.memory_space<hbm>> -> memref<16x2048xf32, #tpu.memory_space<hbm>>
            tpu.enqueue_dma source(%dma_start3A_326 : memref<16x2048xf32, #tpu.memory_space<hbm>>) target(%arg10 : memref<16x2048xf32, #tpu.memory_space<vmem>>) target_semaphore(%arg14 : memref<!tpu.dma_semaphore, #tpu.memory_space<semaphore_mem>>)
          } else {
          }
        } else {
        }
        %select_n3A_171 = arith.select %and3A_155, %while3A_150, %while3A_151 : i32
        %select_n3A_172 = arith.select %and3A_155, %min3A_167, %while3A_152 : i32
        %rem3A_173 = arith.constant 2 : i32
        %rem3A_174 = arith.remsi %while3A_150, %rem3A_173 : i32
        %eq3A_175 = arith.constant 0 : i32
        %eq3A_176 = arith.cmpi eq, %rem3A_174, %eq3A_175 : i32
        %eq3A_177 = arith.constant 488 : i32
        %eq3A_178 = arith.cmpi eq, %while3A_150, %eq3A_177 : i32
        %slice3A_179 = vector.extract_strided_slice %get3A_85 {offsets = [0], sizes = [1], strides = [1]} : vector<16xi32> to vector<1xi32>
        %squeeze3A_180 = vector.extract %slice3A_179[0] : i32 from vector<1xi32>
        %slice3A_181 = vector.extract_strided_slice %select_n3A_124 {offsets = [0], sizes = [1], strides = [1]} : vector<16xi32> to vector<1xi32>
        %squeeze3A_182 = vector.extract %slice3A_181[0] : i32 from vector<1xi32>
        %eq3A_183 = arith.cmpi eq, %squeeze3A_182, %while3A_150 : i32
        %convert_element_type3A_184 = arith.extui %eq3A_183 : i1 to i32
        %cond3A_185 = arith.constant 0 : i32
        %cond3A_186 = arith.cmpi ne, %convert_element_type3A_184, %cond3A_185 : i32
        scf.if %cond3A_186 {
          %mul3A_307 = arith.constant 2048 : i32
          %mul3A_308 = arith.muli %while3A_150, %mul3A_307 : i32
          %sub3A_309 = arith.subi %squeeze3A_180, %mul3A_308 : i32
          %jit3A_310 = arith.constant 0 : i32
          %jit3A_311 = arith.constant 2047 : i32
          %max3A = arith.maxsi %jit3A_310, %sub3A_309 : i32
          %min3A_312 = arith.minsi %jit3A_311, %max3A : i32
          %broadcast_in_dim3A_313 = vector.broadcast %min3A_312 : i32 to vector<16xi32>
          %sub3A_314 = arith.constant 999360 : i32
          %sub3A_315 = arith.subi %squeeze3A_180, %sub3A_314 : i32
          %jit3A_316 = arith.constant 0 : i32
          %jit3A_317 = arith.constant 639 : i32
          %max3A_318 = arith.maxsi %jit3A_316, %sub3A_315 : i32
          %min3A_319 = arith.minsi %jit3A_317, %max3A_318 : i32
          %broadcast_in_dim3A_320 = vector.broadcast %min3A_319 : i32 to vector<16xi32>
          %gather3A = tpu.vector_load_idx %arg9[%iota3A, %broadcast_in_dim3A_313] : memref<16x2048xf32, #tpu.memory_space<vmem>>[vector<16xi32>, vector<16xi32>], vector<16xf32>,
          %gather3A_321 = tpu.vector_load_idx %arg10[%iota3A, %broadcast_in_dim3A_313] : memref<16x2048xf32, #tpu.memory_space<vmem>>[vector<16xi32>, vector<16xi32>], vector<16xf32>,
          %gather3A_322 = tpu.vector_load_idx %arg11[%iota3A, %broadcast_in_dim3A_320] : memref<16x640xf32, #tpu.memory_space<vmem>>[vector<16xi32>, vector<16xi32>], vector<16xf32>,
          %select_n3A_323 = arith.select %eq3A_176, %gather3A, %gather3A_321 : vector<16xf32>
          %select_n3A_324 = arith.select %eq3A_178, %gather3A_322, %select_n3A_323 : vector<16xf32>
          %mul3A_325 = arith.constant 16 : i32
          %mul3A_326 = arith.muli %scan3A_79, %mul3A_325 : i32
          %add3A_327 = arith.constant 0 : i32
          %add3A_328 = arith.addi %mul3A_326, %add3A_327 : i32
          %mul3A_329 = arith.constant 16 : i32
          %mul3A_330 = arith.muli %add3A_328, %mul3A_329 : i32
          %swap3A = arith.index_cast %mul3A_330 : i32 to index
          %swap3A_331 = tpu.vector_load %arg12[%swap3A] {strides = array<i32>} : memref<16384xf32, #tpu.memory_space<vmem>>, vector<16xf32>,
          tpu.vector_store %arg12[%swap3A], %select_n3A_324 {strides = array<i32>} : memref<16384xf32, #tpu.memory_space<vmem>>, vector<16xf32>,
          %mul3A_332 = arith.constant 16 : i32
          %mul3A_333 = arith.muli %add3A_328, %mul3A_332 : i32
          %slice3A_334 = vector.extract_strided_slice %get3A_89 {offsets = [0], sizes = [1], strides = [1]} : vector<16xi32> to vector<1xi32>
          %squeeze3A_335 = vector.extract %slice3A_334[0] : i32 from vector<1xi32>
          %mul3A_336 = arith.constant 16 : i32
          %mul3A_337 = arith.muli %squeeze3A_335, %mul3A_336 : i32
          %dma_start3A = tpu.memref_slice %arg12[%mul3A_333] : memref<16384xf32, #tpu.memory_space<vmem>> -> memref<16xf32, #tpu.memory_space<vmem>>
          %dma_start3A_338 = tpu.memref_slice %arg6[%mul3A_337] : memref<524288xf32, #tpu.memory_space<hbm>> -> memref<16xf32, #tpu.memory_space<hbm>>
          %dma_start3A_339 = tpu.memref_slice %arg6[%mul3A_337] : memref<524288xf32, #tpu.memory_space<hbm>> -> memref<16xf32, #tpu.memory_space<hbm>>
          %dma_start3A_340 = tpu.memref_slice %arg12[%mul3A_333] : memref<16384xf32, #tpu.memory_space<vmem>> -> memref<16xf32, #tpu.memory_space<vmem>>
          tpu.enqueue_dma source(%dma_start3A_340 : memref<16xf32, #tpu.memory_space<vmem>>) target(%dma_start3A_339 : memref<16xf32, #tpu.memory_space<hbm>>) target_semaphore(%arg15 : memref<!tpu.dma_semaphore, #tpu.memory_space<semaphore_mem>>)
        } else {
        }
        %slice3A_187 = vector.extract_strided_slice %get3A_85 {offsets = [1], sizes = [1], strides = [1]} : vector<16xi32> to vector<1xi32>
        %squeeze3A_188 = vector.extract %slice3A_187[0] : i32 from vector<1xi32>
        %slice3A_189 = vector.extract_strided_slice %select_n3A_124 {offsets = [1], sizes = [1], strides = [1]} : vector<16xi32> to vector<1xi32>
        %squeeze3A_190 = vector.extract %slice3A_189[0] : i32 from vector<1xi32>
        %eq3A_191 = arith.cmpi eq, %squeeze3A_190, %while3A_150 : i32
        %convert_element_type3A_192 = arith.extui %eq3A_191 : i1 to i32
        %cond3A_193 = arith.constant 0 : i32
        %cond3A_194 = arith.cmpi ne, %convert_element_type3A_192, %cond3A_193 : i32
        scf.if %cond3A_194 {
          %mul3A_307 = arith.constant 2048 : i32
          %mul3A_308 = arith.muli %while3A_150, %mul3A_307 : i32
          %sub3A_309 = arith.subi %squeeze3A_188, %mul3A_308 : i32
          %jit3A_310 = arith.constant 0 : i32
          %jit3A_311 = arith.constant 2047 : i32
          %max3A = arith.maxsi %jit3A_310, %sub3A_309 : i32
          %min3A_312 = arith.minsi %jit3A_311, %max3A : i32
          %broadcast_in_dim3A_313 = vector.broadcast %min3A_312 : i32 to vector<16xi32>
          %sub3A_314 = arith.constant 999360 : i32
          %sub3A_315 = arith.subi %squeeze3A_188, %sub3A_314 : i32
          %jit3A_316 = arith.constant 0 : i32
          %jit3A_317 = arith.constant 639 : i32
          %max3A_318 = arith.maxsi %jit3A_316, %sub3A_315 : i32
          %min3A_319 = arith.minsi %jit3A_317, %max3A_318 : i32
          %broadcast_in_dim3A_320 = vector.broadcast %min3A_319 : i32 to vector<16xi32>
          %gather3A = tpu.vector_load_idx %arg9[%iota3A, %broadcast_in_dim3A_313] : memref<16x2048xf32, #tpu.memory_space<vmem>>[vector<16xi32>, vector<16xi32>], vector<16xf32>,
          %gather3A_321 = tpu.vector_load_idx %arg10[%iota3A, %broadcast_in_dim3A_313] : memref<16x2048xf32, #tpu.memory_space<vmem>>[vector<16xi32>, vector<16xi32>], vector<16xf32>,
          %gather3A_322 = tpu.vector_load_idx %arg11[%iota3A, %broadcast_in_dim3A_320] : memref<16x640xf32, #tpu.memory_space<vmem>>[vector<16xi32>, vector<16xi32>], vector<16xf32>,
          %select_n3A_323 = arith.select %eq3A_176, %gather3A, %gather3A_321 : vector<16xf32>
          %select_n3A_324 = arith.select %eq3A_178, %gather3A_322, %select_n3A_323 : vector<16xf32>
          %mul3A_325 = arith.constant 16 : i32
          %mul3A_326 = arith.muli %scan3A_79, %mul3A_325 : i32
          %add3A_327 = arith.constant 1 : i32
          %add3A_328 = arith.addi %mul3A_326, %add3A_327 : i32
          %mul3A_329 = arith.constant 16 : i32
          %mul3A_330 = arith.muli %add3A_328, %mul3A_329 : i32
          %swap3A = arith.index_cast %mul3A_330 : i32 to index
          %swap3A_331 = tpu.vector_load %arg12[%swap3A] {strides = array<i32>} : memref<16384xf32, #tpu.memory_space<vmem>>, vector<16xf32>,
          tpu.vector_store %arg12[%swap3A], %select_n3A_324 {strides = array<i32>} : memref<16384xf32, #tpu.memory_space<vmem>>, vector<16xf32>,
          %mul3A_332 = arith.constant 16 : i32
          %mul3A_333 = arith.muli %add3A_328, %mul3A_332 : i32
          %slice3A_334 = vector.extract_strided_slice %get3A_89 {offsets = [1], sizes = [1], strides = [1]} : vector<16xi32> to vector<1xi32>
          %squeeze3A_335 = vector.extract %slice3A_334[0] : i32 from vector<1xi32>
          %mul3A_336 = arith.constant 16 : i32
          %mul3A_337 = arith.muli %squeeze3A_335, %mul3A_336 : i32
          %dma_start3A = tpu.memref_slice %arg12[%mul3A_333] : memref<16384xf32, #tpu.memory_space<vmem>> -> memref<16xf32, #tpu.memory_space<vmem>>
          %dma_start3A_338 = tpu.memref_slice %arg6[%mul3A_337] : memref<524288xf32, #tpu.memory_space<hbm>> -> memref<16xf32, #tpu.memory_space<hbm>>
          %dma_start3A_339 = tpu.memref_slice %arg6[%mul3A_337] : memref<524288xf32, #tpu.memory_space<hbm>> -> memref<16xf32, #tpu.memory_space<hbm>>
          %dma_start3A_340 = tpu.memref_slice %arg12[%mul3A_333] : memref<16384xf32, #tpu.memory_space<vmem>> -> memref<16xf32, #tpu.memory_space<vmem>>
          tpu.enqueue_dma source(%dma_start3A_340 : memref<16xf32, #tpu.memory_space<vmem>>) target(%dma_start3A_339 : memref<16xf32, #tpu.memory_space<hbm>>) target_semaphore(%arg15 : memref<!tpu.dma_semaphore, #tpu.memory_space<semaphore_mem>>)
        } else {
        }
        %slice3A_195 = vector.extract_strided_slice %get3A_85 {offsets = [2], sizes = [1], strides = [1]} : vector<16xi32> to vector<1xi32>
        %squeeze3A_196 = vector.extract %slice3A_195[0] : i32 from vector<1xi32>
        %slice3A_197 = vector.extract_strided_slice %select_n3A_124 {offsets = [2], sizes = [1], strides = [1]} : vector<16xi32> to vector<1xi32>
        %squeeze3A_198 = vector.extract %slice3A_197[0] : i32 from vector<1xi32>
        %eq3A_199 = arith.cmpi eq, %squeeze3A_198, %while3A_150 : i32
        %convert_element_type3A_200 = arith.extui %eq3A_199 : i1 to i32
        %cond3A_201 = arith.constant 0 : i32
        %cond3A_202 = arith.cmpi ne, %convert_element_type3A_200, %cond3A_201 : i32
        scf.if %cond3A_202 {
          %mul3A_307 = arith.constant 2048 : i32
          %mul3A_308 = arith.muli %while3A_150, %mul3A_307 : i32
          %sub3A_309 = arith.subi %squeeze3A_196, %mul3A_308 : i32
          %jit3A_310 = arith.constant 0 : i32
          %jit3A_311 = arith.constant 2047 : i32
          %max3A = arith.maxsi %jit3A_310, %sub3A_309 : i32
          %min3A_312 = arith.minsi %jit3A_311, %max3A : i32
          %broadcast_in_dim3A_313 = vector.broadcast %min3A_312 : i32 to vector<16xi32>
          %sub3A_314 = arith.constant 999360 : i32
          %sub3A_315 = arith.subi %squeeze3A_196, %sub3A_314 : i32
          %jit3A_316 = arith.constant 0 : i32
          %jit3A_317 = arith.constant 639 : i32
          %max3A_318 = arith.maxsi %jit3A_316, %sub3A_315 : i32
          %min3A_319 = arith.minsi %jit3A_317, %max3A_318 : i32
          %broadcast_in_dim3A_320 = vector.broadcast %min3A_319 : i32 to vector<16xi32>
          %gather3A = tpu.vector_load_idx %arg9[%iota3A, %broadcast_in_dim3A_313] : memref<16x2048xf32, #tpu.memory_space<vmem>>[vector<16xi32>, vector<16xi32>], vector<16xf32>,
          %gather3A_321 = tpu.vector_load_idx %arg10[%iota3A, %broadcast_in_dim3A_313] : memref<16x2048xf32, #tpu.memory_space<vmem>>[vector<16xi32>, vector<16xi32>], vector<16xf32>,
          %gather3A_322 = tpu.vector_load_idx %arg11[%iota3A, %broadcast_in_dim3A_320] : memref<16x640xf32, #tpu.memory_space<vmem>>[vector<16xi32>, vector<16xi32>], vector<16xf32>,
          %select_n3A_323 = arith.select %eq3A_176, %gather3A, %gather3A_321 : vector<16xf32>
          %select_n3A_324 = arith.select %eq3A_178, %gather3A_322, %select_n3A_323 : vector<16xf32>
          %mul3A_325 = arith.constant 16 : i32
          %mul3A_326 = arith.muli %scan3A_79, %mul3A_325 : i32
          %add3A_327 = arith.constant 2 : i32
          %add3A_328 = arith.addi %mul3A_326, %add3A_327 : i32
          %mul3A_329 = arith.constant 16 : i32
          %mul3A_330 = arith.muli %add3A_328, %mul3A_329 : i32
          %swap3A = arith.index_cast %mul3A_330 : i32 to index
          %swap3A_331 = tpu.vector_load %arg12[%swap3A] {strides = array<i32>} : memref<16384xf32, #tpu.memory_space<vmem>>, vector<16xf32>,
          tpu.vector_store %arg12[%swap3A], %select_n3A_324 {strides = array<i32>} : memref<16384xf32, #tpu.memory_space<vmem>>, vector<16xf32>,
          %mul3A_332 = arith.constant 16 : i32
          %mul3A_333 = arith.muli %add3A_328, %mul3A_332 : i32
          %slice3A_334 = vector.extract_strided_slice %get3A_89 {offsets = [2], sizes = [1], strides = [1]} : vector<16xi32> to vector<1xi32>
          %squeeze3A_335 = vector.extract %slice3A_334[0] : i32 from vector<1xi32>
          %mul3A_336 = arith.constant 16 : i32
          %mul3A_337 = arith.muli %squeeze3A_335, %mul3A_336 : i32
          %dma_start3A = tpu.memref_slice %arg12[%mul3A_333] : memref<16384xf32, #tpu.memory_space<vmem>> -> memref<16xf32, #tpu.memory_space<vmem>>
          %dma_start3A_338 = tpu.memref_slice %arg6[%mul3A_337] : memref<524288xf32, #tpu.memory_space<hbm>> -> memref<16xf32, #tpu.memory_space<hbm>>
          %dma_start3A_339 = tpu.memref_slice %arg6[%mul3A_337] : memref<524288xf32, #tpu.memory_space<hbm>> -> memref<16xf32, #tpu.memory_space<hbm>>
          %dma_start3A_340 = tpu.memref_slice %arg12[%mul3A_333] : memref<16384xf32, #tpu.memory_space<vmem>> -> memref<16xf32, #tpu.memory_space<vmem>>
          tpu.enqueue_dma source(%dma_start3A_340 : memref<16xf32, #tpu.memory_space<vmem>>) target(%dma_start3A_339 : memref<16xf32, #tpu.memory_space<hbm>>) target_semaphore(%arg15 : memref<!tpu.dma_semaphore, #tpu.memory_space<semaphore_mem>>)
        } else {
        }
        %slice3A_203 = vector.extract_strided_slice %get3A_85 {offsets = [3], sizes = [1], strides = [1]} : vector<16xi32> to vector<1xi32>
        %squeeze3A_204 = vector.extract %slice3A_203[0] : i32 from vector<1xi32>
        %slice3A_205 = vector.extract_strided_slice %select_n3A_124 {offsets = [3], sizes = [1], strides = [1]} : vector<16xi32> to vector<1xi32>
        %squeeze3A_206 = vector.extract %slice3A_205[0] : i32 from vector<1xi32>
        %eq3A_207 = arith.cmpi eq, %squeeze3A_206, %while3A_150 : i32
        %convert_element_type3A_208 = arith.extui %eq3A_207 : i1 to i32
        %cond3A_209 = arith.constant 0 : i32
        %cond3A_210 = arith.cmpi ne, %convert_element_type3A_208, %cond3A_209 : i32
        scf.if %cond3A_210 {
          %mul3A_307 = arith.constant 2048 : i32
          %mul3A_308 = arith.muli %while3A_150, %mul3A_307 : i32
          %sub3A_309 = arith.subi %squeeze3A_204, %mul3A_308 : i32
          %jit3A_310 = arith.constant 0 : i32
          %jit3A_311 = arith.constant 2047 : i32
          %max3A = arith.maxsi %jit3A_310, %sub3A_309 : i32
          %min3A_312 = arith.minsi %jit3A_311, %max3A : i32
          %broadcast_in_dim3A_313 = vector.broadcast %min3A_312 : i32 to vector<16xi32>
          %sub3A_314 = arith.constant 999360 : i32
          %sub3A_315 = arith.subi %squeeze3A_204, %sub3A_314 : i32
          %jit3A_316 = arith.constant 0 : i32
          %jit3A_317 = arith.constant 639 : i32
          %max3A_318 = arith.maxsi %jit3A_316, %sub3A_315 : i32
          %min3A_319 = arith.minsi %jit3A_317, %max3A_318 : i32
          %broadcast_in_dim3A_320 = vector.broadcast %min3A_319 : i32 to vector<16xi32>
          %gather3A = tpu.vector_load_idx %arg9[%iota3A, %broadcast_in_dim3A_313] : memref<16x2048xf32, #tpu.memory_space<vmem>>[vector<16xi32>, vector<16xi32>], vector<16xf32>,
          %gather3A_321 = tpu.vector_load_idx %arg10[%iota3A, %broadcast_in_dim3A_313] : memref<16x2048xf32, #tpu.memory_space<vmem>>[vector<16xi32>, vector<16xi32>], vector<16xf32>,
          %gather3A_322 = tpu.vector_load_idx %arg11[%iota3A, %broadcast_in_dim3A_320] : memref<16x640xf32, #tpu.memory_space<vmem>>[vector<16xi32>, vector<16xi32>], vector<16xf32>,
          %select_n3A_323 = arith.select %eq3A_176, %gather3A, %gather3A_321 : vector<16xf32>
          %select_n3A_324 = arith.select %eq3A_178, %gather3A_322, %select_n3A_323 : vector<16xf32>
          %mul3A_325 = arith.constant 16 : i32
          %mul3A_326 = arith.muli %scan3A_79, %mul3A_325 : i32
          %add3A_327 = arith.constant 3 : i32
          %add3A_328 = arith.addi %mul3A_326, %add3A_327 : i32
          %mul3A_329 = arith.constant 16 : i32
          %mul3A_330 = arith.muli %add3A_328, %mul3A_329 : i32
          %swap3A = arith.index_cast %mul3A_330 : i32 to index
          %swap3A_331 = tpu.vector_load %arg12[%swap3A] {strides = array<i32>} : memref<16384xf32, #tpu.memory_space<vmem>>, vector<16xf32>,
          tpu.vector_store %arg12[%swap3A], %select_n3A_324 {strides = array<i32>} : memref<16384xf32, #tpu.memory_space<vmem>>, vector<16xf32>,
          %mul3A_332 = arith.constant 16 : i32
          %mul3A_333 = arith.muli %add3A_328, %mul3A_332 : i32
          %slice3A_334 = vector.extract_strided_slice %get3A_89 {offsets = [3], sizes = [1], strides = [1]} : vector<16xi32> to vector<1xi32>
          %squeeze3A_335 = vector.extract %slice3A_334[0] : i32 from vector<1xi32>
          %mul3A_336 = arith.constant 16 : i32
          %mul3A_337 = arith.muli %squeeze3A_335, %mul3A_336 : i32
          %dma_start3A = tpu.memref_slice %arg12[%mul3A_333] : memref<16384xf32, #tpu.memory_space<vmem>> -> memref<16xf32, #tpu.memory_space<vmem>>
          %dma_start3A_338 = tpu.memref_slice %arg6[%mul3A_337] : memref<524288xf32, #tpu.memory_space<hbm>> -> memref<16xf32, #tpu.memory_space<hbm>>
          %dma_start3A_339 = tpu.memref_slice %arg6[%mul3A_337] : memref<524288xf32, #tpu.memory_space<hbm>> -> memref<16xf32, #tpu.memory_space<hbm>>
          %dma_start3A_340 = tpu.memref_slice %arg12[%mul3A_333] : memref<16384xf32, #tpu.memory_space<vmem>> -> memref<16xf32, #tpu.memory_space<vmem>>
          tpu.enqueue_dma source(%dma_start3A_340 : memref<16xf32, #tpu.memory_space<vmem>>) target(%dma_start3A_339 : memref<16xf32, #tpu.memory_space<hbm>>) target_semaphore(%arg15 : memref<!tpu.dma_semaphore, #tpu.memory_space<semaphore_mem>>)
        } else {
        }
        %slice3A_211 = vector.extract_strided_slice %get3A_85 {offsets = [4], sizes = [1], strides = [1]} : vector<16xi32> to vector<1xi32>
        %squeeze3A_212 = vector.extract %slice3A_211[0] : i32 from vector<1xi32>
        %slice3A_213 = vector.extract_strided_slice %select_n3A_124 {offsets = [4], sizes = [1], strides = [1]} : vector<16xi32> to vector<1xi32>
        %squeeze3A_214 = vector.extract %slice3A_213[0] : i32 from vector<1xi32>
        %eq3A_215 = arith.cmpi eq, %squeeze3A_214, %while3A_150 : i32
        %convert_element_type3A_216 = arith.extui %eq3A_215 : i1 to i32
        %cond3A_217 = arith.constant 0 : i32
        %cond3A_218 = arith.cmpi ne, %convert_element_type3A_216, %cond3A_217 : i32
        scf.if %cond3A_218 {
          %mul3A_307 = arith.constant 2048 : i32
          %mul3A_308 = arith.muli %while3A_150, %mul3A_307 : i32
          %sub3A_309 = arith.subi %squeeze3A_212, %mul3A_308 : i32
          %jit3A_310 = arith.constant 0 : i32
          %jit3A_311 = arith.constant 2047 : i32
          %max3A = arith.maxsi %jit3A_310, %sub3A_309 : i32
          %min3A_312 = arith.minsi %jit3A_311, %max3A : i32
          %broadcast_in_dim3A_313 = vector.broadcast %min3A_312 : i32 to vector<16xi32>
          %sub3A_314 = arith.constant 999360 : i32
          %sub3A_315 = arith.subi %squeeze3A_212, %sub3A_314 : i32
          %jit3A_316 = arith.constant 0 : i32
          %jit3A_317 = arith.constant 639 : i32
          %max3A_318 = arith.maxsi %jit3A_316, %sub3A_315 : i32
          %min3A_319 = arith.minsi %jit3A_317, %max3A_318 : i32
          %broadcast_in_dim3A_320 = vector.broadcast %min3A_319 : i32 to vector<16xi32>
          %gather3A = tpu.vector_load_idx %arg9[%iota3A, %broadcast_in_dim3A_313] : memref<16x2048xf32, #tpu.memory_space<vmem>>[vector<16xi32>, vector<16xi32>], vector<16xf32>,
          %gather3A_321 = tpu.vector_load_idx %arg10[%iota3A, %broadcast_in_dim3A_313] : memref<16x2048xf32, #tpu.memory_space<vmem>>[vector<16xi32>, vector<16xi32>], vector<16xf32>,
          %gather3A_322 = tpu.vector_load_idx %arg11[%iota3A, %broadcast_in_dim3A_320] : memref<16x640xf32, #tpu.memory_space<vmem>>[vector<16xi32>, vector<16xi32>], vector<16xf32>,
          %select_n3A_323 = arith.select %eq3A_176, %gather3A, %gather3A_321 : vector<16xf32>
          %select_n3A_324 = arith.select %eq3A_178, %gather3A_322, %select_n3A_323 : vector<16xf32>
          %mul3A_325 = arith.constant 16 : i32
          %mul3A_326 = arith.muli %scan3A_79, %mul3A_325 : i32
          %add3A_327 = arith.constant 4 : i32
          %add3A_328 = arith.addi %mul3A_326, %add3A_327 : i32
          %mul3A_329 = arith.constant 16 : i32
          %mul3A_330 = arith.muli %add3A_328, %mul3A_329 : i32
          %swap3A = arith.index_cast %mul3A_330 : i32 to index
          %swap3A_331 = tpu.vector_load %arg12[%swap3A] {strides = array<i32>} : memref<16384xf32, #tpu.memory_space<vmem>>, vector<16xf32>,
          tpu.vector_store %arg12[%swap3A], %select_n3A_324 {strides = array<i32>} : memref<16384xf32, #tpu.memory_space<vmem>>, vector<16xf32>,
          %mul3A_332 = arith.constant 16 : i32
          %mul3A_333 = arith.muli %add3A_328, %mul3A_332 : i32
          %slice3A_334 = vector.extract_strided_slice %get3A_89 {offsets = [4], sizes = [1], strides = [1]} : vector<16xi32> to vector<1xi32>
          %squeeze3A_335 = vector.extract %slice3A_334[0] : i32 from vector<1xi32>
          %mul3A_336 = arith.constant 16 : i32
          %mul3A_337 = arith.muli %squeeze3A_335, %mul3A_336 : i32
          %dma_start3A = tpu.memref_slice %arg12[%mul3A_333] : memref<16384xf32, #tpu.memory_space<vmem>> -> memref<16xf32, #tpu.memory_space<vmem>>
          %dma_start3A_338 = tpu.memref_slice %arg6[%mul3A_337] : memref<524288xf32, #tpu.memory_space<hbm>> -> memref<16xf32, #tpu.memory_space<hbm>>
          %dma_start3A_339 = tpu.memref_slice %arg6[%mul3A_337] : memref<524288xf32, #tpu.memory_space<hbm>> -> memref<16xf32, #tpu.memory_space<hbm>>
          %dma_start3A_340 = tpu.memref_slice %arg12[%mul3A_333] : memref<16384xf32, #tpu.memory_space<vmem>> -> memref<16xf32, #tpu.memory_space<vmem>>
          tpu.enqueue_dma source(%dma_start3A_340 : memref<16xf32, #tpu.memory_space<vmem>>) target(%dma_start3A_339 : memref<16xf32, #tpu.memory_space<hbm>>) target_semaphore(%arg15 : memref<!tpu.dma_semaphore, #tpu.memory_space<semaphore_mem>>)
        } else {
        }
        %slice3A_219 = vector.extract_strided_slice %get3A_85 {offsets = [5], sizes = [1], strides = [1]} : vector<16xi32> to vector<1xi32>
        %squeeze3A_220 = vector.extract %slice3A_219[0] : i32 from vector<1xi32>
        %slice3A_221 = vector.extract_strided_slice %select_n3A_124 {offsets = [5], sizes = [1], strides = [1]} : vector<16xi32> to vector<1xi32>
        %squeeze3A_222 = vector.extract %slice3A_221[0] : i32 from vector<1xi32>
        %eq3A_223 = arith.cmpi eq, %squeeze3A_222, %while3A_150 : i32
        %convert_element_type3A_224 = arith.extui %eq3A_223 : i1 to i32
        %cond3A_225 = arith.constant 0 : i32
        %cond3A_226 = arith.cmpi ne, %convert_element_type3A_224, %cond3A_225 : i32
        scf.if %cond3A_226 {
          %mul3A_307 = arith.constant 2048 : i32
          %mul3A_308 = arith.muli %while3A_150, %mul3A_307 : i32
          %sub3A_309 = arith.subi %squeeze3A_220, %mul3A_308 : i32
          %jit3A_310 = arith.constant 0 : i32
          %jit3A_311 = arith.constant 2047 : i32
          %max3A = arith.maxsi %jit3A_310, %sub3A_309 : i32
          %min3A_312 = arith.minsi %jit3A_311, %max3A : i32
          %broadcast_in_dim3A_313 = vector.broadcast %min3A_312 : i32 to vector<16xi32>
          %sub3A_314 = arith.constant 999360 : i32
          %sub3A_315 = arith.subi %squeeze3A_220, %sub3A_314 : i32
          %jit3A_316 = arith.constant 0 : i32
          %jit3A_317 = arith.constant 639 : i32
          %max3A_318 = arith.maxsi %jit3A_316, %sub3A_315 : i32
          %min3A_319 = arith.minsi %jit3A_317, %max3A_318 : i32
          %broadcast_in_dim3A_320 = vector.broadcast %min3A_319 : i32 to vector<16xi32>
          %gather3A = tpu.vector_load_idx %arg9[%iota3A, %broadcast_in_dim3A_313] : memref<16x2048xf32, #tpu.memory_space<vmem>>[vector<16xi32>, vector<16xi32>], vector<16xf32>,
          %gather3A_321 = tpu.vector_load_idx %arg10[%iota3A, %broadcast_in_dim3A_313] : memref<16x2048xf32, #tpu.memory_space<vmem>>[vector<16xi32>, vector<16xi32>], vector<16xf32>,
          %gather3A_322 = tpu.vector_load_idx %arg11[%iota3A, %broadcast_in_dim3A_320] : memref<16x640xf32, #tpu.memory_space<vmem>>[vector<16xi32>, vector<16xi32>], vector<16xf32>,
          %select_n3A_323 = arith.select %eq3A_176, %gather3A, %gather3A_321 : vector<16xf32>
          %select_n3A_324 = arith.select %eq3A_178, %gather3A_322, %select_n3A_323 : vector<16xf32>
          %mul3A_325 = arith.constant 16 : i32
          %mul3A_326 = arith.muli %scan3A_79, %mul3A_325 : i32
          %add3A_327 = arith.constant 5 : i32
          %add3A_328 = arith.addi %mul3A_326, %add3A_327 : i32
          %mul3A_329 = arith.constant 16 : i32
          %mul3A_330 = arith.muli %add3A_328, %mul3A_329 : i32
          %swap3A = arith.index_cast %mul3A_330 : i32 to index
          %swap3A_331 = tpu.vector_load %arg12[%swap3A] {strides = array<i32>} : memref<16384xf32, #tpu.memory_space<vmem>>, vector<16xf32>,
          tpu.vector_store %arg12[%swap3A], %select_n3A_324 {strides = array<i32>} : memref<16384xf32, #tpu.memory_space<vmem>>, vector<16xf32>,
          %mul3A_332 = arith.constant 16 : i32
          %mul3A_333 = arith.muli %add3A_328, %mul3A_332 : i32
          %slice3A_334 = vector.extract_strided_slice %get3A_89 {offsets = [5], sizes = [1], strides = [1]} : vector<16xi32> to vector<1xi32>
          %squeeze3A_335 = vector.extract %slice3A_334[0] : i32 from vector<1xi32>
          %mul3A_336 = arith.constant 16 : i32
          %mul3A_337 = arith.muli %squeeze3A_335, %mul3A_336 : i32
          %dma_start3A = tpu.memref_slice %arg12[%mul3A_333] : memref<16384xf32, #tpu.memory_space<vmem>> -> memref<16xf32, #tpu.memory_space<vmem>>
          %dma_start3A_338 = tpu.memref_slice %arg6[%mul3A_337] : memref<524288xf32, #tpu.memory_space<hbm>> -> memref<16xf32, #tpu.memory_space<hbm>>
          %dma_start3A_339 = tpu.memref_slice %arg6[%mul3A_337] : memref<524288xf32, #tpu.memory_space<hbm>> -> memref<16xf32, #tpu.memory_space<hbm>>
          %dma_start3A_340 = tpu.memref_slice %arg12[%mul3A_333] : memref<16384xf32, #tpu.memory_space<vmem>> -> memref<16xf32, #tpu.memory_space<vmem>>
          tpu.enqueue_dma source(%dma_start3A_340 : memref<16xf32, #tpu.memory_space<vmem>>) target(%dma_start3A_339 : memref<16xf32, #tpu.memory_space<hbm>>) target_semaphore(%arg15 : memref<!tpu.dma_semaphore, #tpu.memory_space<semaphore_mem>>)
        } else {
        }
        %slice3A_227 = vector.extract_strided_slice %get3A_85 {offsets = [6], sizes = [1], strides = [1]} : vector<16xi32> to vector<1xi32>
        %squeeze3A_228 = vector.extract %slice3A_227[0] : i32 from vector<1xi32>
        %slice3A_229 = vector.extract_strided_slice %select_n3A_124 {offsets = [6], sizes = [1], strides = [1]} : vector<16xi32> to vector<1xi32>
        %squeeze3A_230 = vector.extract %slice3A_229[0] : i32 from vector<1xi32>
        %eq3A_231 = arith.cmpi eq, %squeeze3A_230, %while3A_150 : i32
        %convert_element_type3A_232 = arith.extui %eq3A_231 : i1 to i32
        %cond3A_233 = arith.constant 0 : i32
        %cond3A_234 = arith.cmpi ne, %convert_element_type3A_232, %cond3A_233 : i32
        scf.if %cond3A_234 {
          %mul3A_307 = arith.constant 2048 : i32
          %mul3A_308 = arith.muli %while3A_150, %mul3A_307 : i32
          %sub3A_309 = arith.subi %squeeze3A_228, %mul3A_308 : i32
          %jit3A_310 = arith.constant 0 : i32
          %jit3A_311 = arith.constant 2047 : i32
          %max3A = arith.maxsi %jit3A_310, %sub3A_309 : i32
          %min3A_312 = arith.minsi %jit3A_311, %max3A : i32
          %broadcast_in_dim3A_313 = vector.broadcast %min3A_312 : i32 to vector<16xi32>
          %sub3A_314 = arith.constant 999360 : i32
          %sub3A_315 = arith.subi %squeeze3A_228, %sub3A_314 : i32
          %jit3A_316 = arith.constant 0 : i32
          %jit3A_317 = arith.constant 639 : i32
          %max3A_318 = arith.maxsi %jit3A_316, %sub3A_315 : i32
          %min3A_319 = arith.minsi %jit3A_317, %max3A_318 : i32
          %broadcast_in_dim3A_320 = vector.broadcast %min3A_319 : i32 to vector<16xi32>
          %gather3A = tpu.vector_load_idx %arg9[%iota3A, %broadcast_in_dim3A_313] : memref<16x2048xf32, #tpu.memory_space<vmem>>[vector<16xi32>, vector<16xi32>], vector<16xf32>,
          %gather3A_321 = tpu.vector_load_idx %arg10[%iota3A, %broadcast_in_dim3A_313] : memref<16x2048xf32, #tpu.memory_space<vmem>>[vector<16xi32>, vector<16xi32>], vector<16xf32>,
          %gather3A_322 = tpu.vector_load_idx %arg11[%iota3A, %broadcast_in_dim3A_320] : memref<16x640xf32, #tpu.memory_space<vmem>>[vector<16xi32>, vector<16xi32>], vector<16xf32>,
          %select_n3A_323 = arith.select %eq3A_176, %gather3A, %gather3A_321 : vector<16xf32>
          %select_n3A_324 = arith.select %eq3A_178, %gather3A_322, %select_n3A_323 : vector<16xf32>
          %mul3A_325 = arith.constant 16 : i32
          %mul3A_326 = arith.muli %scan3A_79, %mul3A_325 : i32
          %add3A_327 = arith.constant 6 : i32
          %add3A_328 = arith.addi %mul3A_326, %add3A_327 : i32
          %mul3A_329 = arith.constant 16 : i32
          %mul3A_330 = arith.muli %add3A_328, %mul3A_329 : i32
          %swap3A = arith.index_cast %mul3A_330 : i32 to index
          %swap3A_331 = tpu.vector_load %arg12[%swap3A] {strides = array<i32>} : memref<16384xf32, #tpu.memory_space<vmem>>, vector<16xf32>,
          tpu.vector_store %arg12[%swap3A], %select_n3A_324 {strides = array<i32>} : memref<16384xf32, #tpu.memory_space<vmem>>, vector<16xf32>,
          %mul3A_332 = arith.constant 16 : i32
          %mul3A_333 = arith.muli %add3A_328, %mul3A_332 : i32
          %slice3A_334 = vector.extract_strided_slice %get3A_89 {offsets = [6], sizes = [1], strides = [1]} : vector<16xi32> to vector<1xi32>
          %squeeze3A_335 = vector.extract %slice3A_334[0] : i32 from vector<1xi32>
          %mul3A_336 = arith.constant 16 : i32
          %mul3A_337 = arith.muli %squeeze3A_335, %mul3A_336 : i32
          %dma_start3A = tpu.memref_slice %arg12[%mul3A_333] : memref<16384xf32, #tpu.memory_space<vmem>> -> memref<16xf32, #tpu.memory_space<vmem>>
          %dma_start3A_338 = tpu.memref_slice %arg6[%mul3A_337] : memref<524288xf32, #tpu.memory_space<hbm>> -> memref<16xf32, #tpu.memory_space<hbm>>
          %dma_start3A_339 = tpu.memref_slice %arg6[%mul3A_337] : memref<524288xf32, #tpu.memory_space<hbm>> -> memref<16xf32, #tpu.memory_space<hbm>>
          %dma_start3A_340 = tpu.memref_slice %arg12[%mul3A_333] : memref<16384xf32, #tpu.memory_space<vmem>> -> memref<16xf32, #tpu.memory_space<vmem>>
          tpu.enqueue_dma source(%dma_start3A_340 : memref<16xf32, #tpu.memory_space<vmem>>) target(%dma_start3A_339 : memref<16xf32, #tpu.memory_space<hbm>>) target_semaphore(%arg15 : memref<!tpu.dma_semaphore, #tpu.memory_space<semaphore_mem>>)
        } else {
        }
        %slice3A_235 = vector.extract_strided_slice %get3A_85 {offsets = [7], sizes = [1], strides = [1]} : vector<16xi32> to vector<1xi32>
        %squeeze3A_236 = vector.extract %slice3A_235[0] : i32 from vector<1xi32>
        %slice3A_237 = vector.extract_strided_slice %select_n3A_124 {offsets = [7], sizes = [1], strides = [1]} : vector<16xi32> to vector<1xi32>
        %squeeze3A_238 = vector.extract %slice3A_237[0] : i32 from vector<1xi32>
        %eq3A_239 = arith.cmpi eq, %squeeze3A_238, %while3A_150 : i32
        %convert_element_type3A_240 = arith.extui %eq3A_239 : i1 to i32
        %cond3A_241 = arith.constant 0 : i32
        %cond3A_242 = arith.cmpi ne, %convert_element_type3A_240, %cond3A_241 : i32
        scf.if %cond3A_242 {
          %mul3A_307 = arith.constant 2048 : i32
          %mul3A_308 = arith.muli %while3A_150, %mul3A_307 : i32
          %sub3A_309 = arith.subi %squeeze3A_236, %mul3A_308 : i32
          %jit3A_310 = arith.constant 0 : i32
          %jit3A_311 = arith.constant 2047 : i32
          %max3A = arith.maxsi %jit3A_310, %sub3A_309 : i32
          %min3A_312 = arith.minsi %jit3A_311, %max3A : i32
          %broadcast_in_dim3A_313 = vector.broadcast %min3A_312 : i32 to vector<16xi32>
          %sub3A_314 = arith.constant 999360 : i32
          %sub3A_315 = arith.subi %squeeze3A_236, %sub3A_314 : i32
          %jit3A_316 = arith.constant 0 : i32
          %jit3A_317 = arith.constant 639 : i32
          %max3A_318 = arith.maxsi %jit3A_316, %sub3A_315 : i32
          %min3A_319 = arith.minsi %jit3A_317, %max3A_318 : i32
          %broadcast_in_dim3A_320 = vector.broadcast %min3A_319 : i32 to vector<16xi32>
          %gather3A = tpu.vector_load_idx %arg9[%iota3A, %broadcast_in_dim3A_313] : memref<16x2048xf32, #tpu.memory_space<vmem>>[vector<16xi32>, vector<16xi32>], vector<16xf32>,
          %gather3A_321 = tpu.vector_load_idx %arg10[%iota3A, %broadcast_in_dim3A_313] : memref<16x2048xf32, #tpu.memory_space<vmem>>[vector<16xi32>, vector<16xi32>], vector<16xf32>,
          %gather3A_322 = tpu.vector_load_idx %arg11[%iota3A, %broadcast_in_dim3A_320] : memref<16x640xf32, #tpu.memory_space<vmem>>[vector<16xi32>, vector<16xi32>], vector<16xf32>,
          %select_n3A_323 = arith.select %eq3A_176, %gather3A, %gather3A_321 : vector<16xf32>
          %select_n3A_324 = arith.select %eq3A_178, %gather3A_322, %select_n3A_323 : vector<16xf32>
          %mul3A_325 = arith.constant 16 : i32
          %mul3A_326 = arith.muli %scan3A_79, %mul3A_325 : i32
          %add3A_327 = arith.constant 7 : i32
          %add3A_328 = arith.addi %mul3A_326, %add3A_327 : i32
          %mul3A_329 = arith.constant 16 : i32
          %mul3A_330 = arith.muli %add3A_328, %mul3A_329 : i32
          %swap3A = arith.index_cast %mul3A_330 : i32 to index
          %swap3A_331 = tpu.vector_load %arg12[%swap3A] {strides = array<i32>} : memref<16384xf32, #tpu.memory_space<vmem>>, vector<16xf32>,
          tpu.vector_store %arg12[%swap3A], %select_n3A_324 {strides = array<i32>} : memref<16384xf32, #tpu.memory_space<vmem>>, vector<16xf32>,
          %mul3A_332 = arith.constant 16 : i32
          %mul3A_333 = arith.muli %add3A_328, %mul3A_332 : i32
          %slice3A_334 = vector.extract_strided_slice %get3A_89 {offsets = [7], sizes = [1], strides = [1]} : vector<16xi32> to vector<1xi32>
          %squeeze3A_335 = vector.extract %slice3A_334[0] : i32 from vector<1xi32>
          %mul3A_336 = arith.constant 16 : i32
          %mul3A_337 = arith.muli %squeeze3A_335, %mul3A_336 : i32
          %dma_start3A = tpu.memref_slice %arg12[%mul3A_333] : memref<16384xf32, #tpu.memory_space<vmem>> -> memref<16xf32, #tpu.memory_space<vmem>>
          %dma_start3A_338 = tpu.memref_slice %arg6[%mul3A_337] : memref<524288xf32, #tpu.memory_space<hbm>> -> memref<16xf32, #tpu.memory_space<hbm>>
          %dma_start3A_339 = tpu.memref_slice %arg6[%mul3A_337] : memref<524288xf32, #tpu.memory_space<hbm>> -> memref<16xf32, #tpu.memory_space<hbm>>
          %dma_start3A_340 = tpu.memref_slice %arg12[%mul3A_333] : memref<16384xf32, #tpu.memory_space<vmem>> -> memref<16xf32, #tpu.memory_space<vmem>>
          tpu.enqueue_dma source(%dma_start3A_340 : memref<16xf32, #tpu.memory_space<vmem>>) target(%dma_start3A_339 : memref<16xf32, #tpu.memory_space<hbm>>) target_semaphore(%arg15 : memref<!tpu.dma_semaphore, #tpu.memory_space<semaphore_mem>>)
        } else {
        }
        %slice3A_243 = vector.extract_strided_slice %get3A_85 {offsets = [8], sizes = [1], strides = [1]} : vector<16xi32> to vector<1xi32>
        %squeeze3A_244 = vector.extract %slice3A_243[0] : i32 from vector<1xi32>
        %slice3A_245 = vector.extract_strided_slice %select_n3A_124 {offsets = [8], sizes = [1], strides = [1]} : vector<16xi32> to vector<1xi32>
        %squeeze3A_246 = vector.extract %slice3A_245[0] : i32 from vector<1xi32>
        %eq3A_247 = arith.cmpi eq, %squeeze3A_246, %while3A_150 : i32
        %convert_element_type3A_248 = arith.extui %eq3A_247 : i1 to i32
        %cond3A_249 = arith.constant 0 : i32
        %cond3A_250 = arith.cmpi ne, %convert_element_type3A_248, %cond3A_249 : i32
        scf.if %cond3A_250 {
          %mul3A_307 = arith.constant 2048 : i32
          %mul3A_308 = arith.muli %while3A_150, %mul3A_307 : i32
          %sub3A_309 = arith.subi %squeeze3A_244, %mul3A_308 : i32
          %jit3A_310 = arith.constant 0 : i32
          %jit3A_311 = arith.constant 2047 : i32
          %max3A = arith.maxsi %jit3A_310, %sub3A_309 : i32
          %min3A_312 = arith.minsi %jit3A_311, %max3A : i32
          %broadcast_in_dim3A_313 = vector.broadcast %min3A_312 : i32 to vector<16xi32>
          %sub3A_314 = arith.constant 999360 : i32
          %sub3A_315 = arith.subi %squeeze3A_244, %sub3A_314 : i32
          %jit3A_316 = arith.constant 0 : i32
          %jit3A_317 = arith.constant 639 : i32
          %max3A_318 = arith.maxsi %jit3A_316, %sub3A_315 : i32
          %min3A_319 = arith.minsi %jit3A_317, %max3A_318 : i32
          %broadcast_in_dim3A_320 = vector.broadcast %min3A_319 : i32 to vector<16xi32>
          %gather3A = tpu.vector_load_idx %arg9[%iota3A, %broadcast_in_dim3A_313] : memref<16x2048xf32, #tpu.memory_space<vmem>>[vector<16xi32>, vector<16xi32>], vector<16xf32>,
          %gather3A_321 = tpu.vector_load_idx %arg10[%iota3A, %broadcast_in_dim3A_313] : memref<16x2048xf32, #tpu.memory_space<vmem>>[vector<16xi32>, vector<16xi32>], vector<16xf32>,
          %gather3A_322 = tpu.vector_load_idx %arg11[%iota3A, %broadcast_in_dim3A_320] : memref<16x640xf32, #tpu.memory_space<vmem>>[vector<16xi32>, vector<16xi32>], vector<16xf32>,
          %select_n3A_323 = arith.select %eq3A_176, %gather3A, %gather3A_321 : vector<16xf32>
          %select_n3A_324 = arith.select %eq3A_178, %gather3A_322, %select_n3A_323 : vector<16xf32>
          %mul3A_325 = arith.constant 16 : i32
          %mul3A_326 = arith.muli %scan3A_79, %mul3A_325 : i32
          %add3A_327 = arith.constant 8 : i32
          %add3A_328 = arith.addi %mul3A_326, %add3A_327 : i32
          %mul3A_329 = arith.constant 16 : i32
          %mul3A_330 = arith.muli %add3A_328, %mul3A_329 : i32
          %swap3A = arith.index_cast %mul3A_330 : i32 to index
          %swap3A_331 = tpu.vector_load %arg12[%swap3A] {strides = array<i32>} : memref<16384xf32, #tpu.memory_space<vmem>>, vector<16xf32>,
          tpu.vector_store %arg12[%swap3A], %select_n3A_324 {strides = array<i32>} : memref<16384xf32, #tpu.memory_space<vmem>>, vector<16xf32>,
          %mul3A_332 = arith.constant 16 : i32
          %mul3A_333 = arith.muli %add3A_328, %mul3A_332 : i32
          %slice3A_334 = vector.extract_strided_slice %get3A_89 {offsets = [8], sizes = [1], strides = [1]} : vector<16xi32> to vector<1xi32>
          %squeeze3A_335 = vector.extract %slice3A_334[0] : i32 from vector<1xi32>
          %mul3A_336 = arith.constant 16 : i32
          %mul3A_337 = arith.muli %squeeze3A_335, %mul3A_336 : i32
          %dma_start3A = tpu.memref_slice %arg12[%mul3A_333] : memref<16384xf32, #tpu.memory_space<vmem>> -> memref<16xf32, #tpu.memory_space<vmem>>
          %dma_start3A_338 = tpu.memref_slice %arg6[%mul3A_337] : memref<524288xf32, #tpu.memory_space<hbm>> -> memref<16xf32, #tpu.memory_space<hbm>>
          %dma_start3A_339 = tpu.memref_slice %arg6[%mul3A_337] : memref<524288xf32, #tpu.memory_space<hbm>> -> memref<16xf32, #tpu.memory_space<hbm>>
          %dma_start3A_340 = tpu.memref_slice %arg12[%mul3A_333] : memref<16384xf32, #tpu.memory_space<vmem>> -> memref<16xf32, #tpu.memory_space<vmem>>
          tpu.enqueue_dma source(%dma_start3A_340 : memref<16xf32, #tpu.memory_space<vmem>>) target(%dma_start3A_339 : memref<16xf32, #tpu.memory_space<hbm>>) target_semaphore(%arg15 : memref<!tpu.dma_semaphore, #tpu.memory_space<semaphore_mem>>)
        } else {
        }
        %slice3A_251 = vector.extract_strided_slice %get3A_85 {offsets = [9], sizes = [1], strides = [1]} : vector<16xi32> to vector<1xi32>
        %squeeze3A_252 = vector.extract %slice3A_251[0] : i32 from vector<1xi32>
        %slice3A_253 = vector.extract_strided_slice %select_n3A_124 {offsets = [9], sizes = [1], strides = [1]} : vector<16xi32> to vector<1xi32>
        %squeeze3A_254 = vector.extract %slice3A_253[0] : i32 from vector<1xi32>
        %eq3A_255 = arith.cmpi eq, %squeeze3A_254, %while3A_150 : i32
        %convert_element_type3A_256 = arith.extui %eq3A_255 : i1 to i32
        %cond3A_257 = arith.constant 0 : i32
        %cond3A_258 = arith.cmpi ne, %convert_element_type3A_256, %cond3A_257 : i32
        scf.if %cond3A_258 {
          %mul3A_307 = arith.constant 2048 : i32
          %mul3A_308 = arith.muli %while3A_150, %mul3A_307 : i32
          %sub3A_309 = arith.subi %squeeze3A_252, %mul3A_308 : i32
          %jit3A_310 = arith.constant 0 : i32
          %jit3A_311 = arith.constant 2047 : i32
          %max3A = arith.maxsi %jit3A_310, %sub3A_309 : i32
          %min3A_312 = arith.minsi %jit3A_311, %max3A : i32
          %broadcast_in_dim3A_313 = vector.broadcast %min3A_312 : i32 to vector<16xi32>
          %sub3A_314 = arith.constant 999360 : i32
          %sub3A_315 = arith.subi %squeeze3A_252, %sub3A_314 : i32
          %jit3A_316 = arith.constant 0 : i32
          %jit3A_317 = arith.constant 639 : i32
          %max3A_318 = arith.maxsi %jit3A_316, %sub3A_315 : i32
          %min3A_319 = arith.minsi %jit3A_317, %max3A_318 : i32
          %broadcast_in_dim3A_320 = vector.broadcast %min3A_319 : i32 to vector<16xi32>
          %gather3A = tpu.vector_load_idx %arg9[%iota3A, %broadcast_in_dim3A_313] : memref<16x2048xf32, #tpu.memory_space<vmem>>[vector<16xi32>, vector<16xi32>], vector<16xf32>,
          %gather3A_321 = tpu.vector_load_idx %arg10[%iota3A, %broadcast_in_dim3A_313] : memref<16x2048xf32, #tpu.memory_space<vmem>>[vector<16xi32>, vector<16xi32>], vector<16xf32>,
          %gather3A_322 = tpu.vector_load_idx %arg11[%iota3A, %broadcast_in_dim3A_320] : memref<16x640xf32, #tpu.memory_space<vmem>>[vector<16xi32>, vector<16xi32>], vector<16xf32>,
          %select_n3A_323 = arith.select %eq3A_176, %gather3A, %gather3A_321 : vector<16xf32>
          %select_n3A_324 = arith.select %eq3A_178, %gather3A_322, %select_n3A_323 : vector<16xf32>
          %mul3A_325 = arith.constant 16 : i32
          %mul3A_326 = arith.muli %scan3A_79, %mul3A_325 : i32
          %add3A_327 = arith.constant 9 : i32
          %add3A_328 = arith.addi %mul3A_326, %add3A_327 : i32
          %mul3A_329 = arith.constant 16 : i32
          %mul3A_330 = arith.muli %add3A_328, %mul3A_329 : i32
          %swap3A = arith.index_cast %mul3A_330 : i32 to index
          %swap3A_331 = tpu.vector_load %arg12[%swap3A] {strides = array<i32>} : memref<16384xf32, #tpu.memory_space<vmem>>, vector<16xf32>,
          tpu.vector_store %arg12[%swap3A], %select_n3A_324 {strides = array<i32>} : memref<16384xf32, #tpu.memory_space<vmem>>, vector<16xf32>,
          %mul3A_332 = arith.constant 16 : i32
          %mul3A_333 = arith.muli %add3A_328, %mul3A_332 : i32
          %slice3A_334 = vector.extract_strided_slice %get3A_89 {offsets = [9], sizes = [1], strides = [1]} : vector<16xi32> to vector<1xi32>
          %squeeze3A_335 = vector.extract %slice3A_334[0] : i32 from vector<1xi32>
          %mul3A_336 = arith.constant 16 : i32
          %mul3A_337 = arith.muli %squeeze3A_335, %mul3A_336 : i32
          %dma_start3A = tpu.memref_slice %arg12[%mul3A_333] : memref<16384xf32, #tpu.memory_space<vmem>> -> memref<16xf32, #tpu.memory_space<vmem>>
          %dma_start3A_338 = tpu.memref_slice %arg6[%mul3A_337] : memref<524288xf32, #tpu.memory_space<hbm>> -> memref<16xf32, #tpu.memory_space<hbm>>
          %dma_start3A_339 = tpu.memref_slice %arg6[%mul3A_337] : memref<524288xf32, #tpu.memory_space<hbm>> -> memref<16xf32, #tpu.memory_space<hbm>>
          %dma_start3A_340 = tpu.memref_slice %arg12[%mul3A_333] : memref<16384xf32, #tpu.memory_space<vmem>> -> memref<16xf32, #tpu.memory_space<vmem>>
          tpu.enqueue_dma source(%dma_start3A_340 : memref<16xf32, #tpu.memory_space<vmem>>) target(%dma_start3A_339 : memref<16xf32, #tpu.memory_space<hbm>>) target_semaphore(%arg15 : memref<!tpu.dma_semaphore, #tpu.memory_space<semaphore_mem>>)
        } else {
        }
        %slice3A_259 = vector.extract_strided_slice %get3A_85 {offsets = [10], sizes = [1], strides = [1]} : vector<16xi32> to vector<1xi32>
        %squeeze3A_260 = vector.extract %slice3A_259[0] : i32 from vector<1xi32>
        %slice3A_261 = vector.extract_strided_slice %select_n3A_124 {offsets = [10], sizes = [1], strides = [1]} : vector<16xi32> to vector<1xi32>
        %squeeze3A_262 = vector.extract %slice3A_261[0] : i32 from vector<1xi32>
        %eq3A_263 = arith.cmpi eq, %squeeze3A_262, %while3A_150 : i32
        %convert_element_type3A_264 = arith.extui %eq3A_263 : i1 to i32
        %cond3A_265 = arith.constant 0 : i32
        %cond3A_266 = arith.cmpi ne, %convert_element_type3A_264, %cond3A_265 : i32
        scf.if %cond3A_266 {
          %mul3A_307 = arith.constant 2048 : i32
          %mul3A_308 = arith.muli %while3A_150, %mul3A_307 : i32
          %sub3A_309 = arith.subi %squeeze3A_260, %mul3A_308 : i32
          %jit3A_310 = arith.constant 0 : i32
          %jit3A_311 = arith.constant 2047 : i32
          %max3A = arith.maxsi %jit3A_310, %sub3A_309 : i32
          %min3A_312 = arith.minsi %jit3A_311, %max3A : i32
          %broadcast_in_dim3A_313 = vector.broadcast %min3A_312 : i32 to vector<16xi32>
          %sub3A_314 = arith.constant 999360 : i32
          %sub3A_315 = arith.subi %squeeze3A_260, %sub3A_314 : i32
          %jit3A_316 = arith.constant 0 : i32
          %jit3A_317 = arith.constant 639 : i32
          %max3A_318 = arith.maxsi %jit3A_316, %sub3A_315 : i32
          %min3A_319 = arith.minsi %jit3A_317, %max3A_318 : i32
          %broadcast_in_dim3A_320 = vector.broadcast %min3A_319 : i32 to vector<16xi32>
          %gather3A = tpu.vector_load_idx %arg9[%iota3A, %broadcast_in_dim3A_313] : memref<16x2048xf32, #tpu.memory_space<vmem>>[vector<16xi32>, vector<16xi32>], vector<16xf32>,
          %gather3A_321 = tpu.vector_load_idx %arg10[%iota3A, %broadcast_in_dim3A_313] : memref<16x2048xf32, #tpu.memory_space<vmem>>[vector<16xi32>, vector<16xi32>], vector<16xf32>,
          %gather3A_322 = tpu.vector_load_idx %arg11[%iota3A, %broadcast_in_dim3A_320] : memref<16x640xf32, #tpu.memory_space<vmem>>[vector<16xi32>, vector<16xi32>], vector<16xf32>,
          %select_n3A_323 = arith.select %eq3A_176, %gather3A, %gather3A_321 : vector<16xf32>
          %select_n3A_324 = arith.select %eq3A_178, %gather3A_322, %select_n3A_323 : vector<16xf32>
          %mul3A_325 = arith.constant 16 : i32
          %mul3A_326 = arith.muli %scan3A_79, %mul3A_325 : i32
          %add3A_327 = arith.constant 10 : i32
          %add3A_328 = arith.addi %mul3A_326, %add3A_327 : i32
          %mul3A_329 = arith.constant 16 : i32
          %mul3A_330 = arith.muli %add3A_328, %mul3A_329 : i32
          %swap3A = arith.index_cast %mul3A_330 : i32 to index
          %swap3A_331 = tpu.vector_load %arg12[%swap3A] {strides = array<i32>} : memref<16384xf32, #tpu.memory_space<vmem>>, vector<16xf32>,
          tpu.vector_store %arg12[%swap3A], %select_n3A_324 {strides = array<i32>} : memref<16384xf32, #tpu.memory_space<vmem>>, vector<16xf32>,
          %mul3A_332 = arith.constant 16 : i32
          %mul3A_333 = arith.muli %add3A_328, %mul3A_332 : i32
          %slice3A_334 = vector.extract_strided_slice %get3A_89 {offsets = [10], sizes = [1], strides = [1]} : vector<16xi32> to vector<1xi32>
          %squeeze3A_335 = vector.extract %slice3A_334[0] : i32 from vector<1xi32>
          %mul3A_336 = arith.constant 16 : i32
          %mul3A_337 = arith.muli %squeeze3A_335, %mul3A_336 : i32
          %dma_start3A = tpu.memref_slice %arg12[%mul3A_333] : memref<16384xf32, #tpu.memory_space<vmem>> -> memref<16xf32, #tpu.memory_space<vmem>>
          %dma_start3A_338 = tpu.memref_slice %arg6[%mul3A_337] : memref<524288xf32, #tpu.memory_space<hbm>> -> memref<16xf32, #tpu.memory_space<hbm>>
          %dma_start3A_339 = tpu.memref_slice %arg6[%mul3A_337] : memref<524288xf32, #tpu.memory_space<hbm>> -> memref<16xf32, #tpu.memory_space<hbm>>
          %dma_start3A_340 = tpu.memref_slice %arg12[%mul3A_333] : memref<16384xf32, #tpu.memory_space<vmem>> -> memref<16xf32, #tpu.memory_space<vmem>>
          tpu.enqueue_dma source(%dma_start3A_340 : memref<16xf32, #tpu.memory_space<vmem>>) target(%dma_start3A_339 : memref<16xf32, #tpu.memory_space<hbm>>) target_semaphore(%arg15 : memref<!tpu.dma_semaphore, #tpu.memory_space<semaphore_mem>>)
        } else {
        }
        %slice3A_267 = vector.extract_strided_slice %get3A_85 {offsets = [11], sizes = [1], strides = [1]} : vector<16xi32> to vector<1xi32>
        %squeeze3A_268 = vector.extract %slice3A_267[0] : i32 from vector<1xi32>
        %slice3A_269 = vector.extract_strided_slice %select_n3A_124 {offsets = [11], sizes = [1], strides = [1]} : vector<16xi32> to vector<1xi32>
        %squeeze3A_270 = vector.extract %slice3A_269[0] : i32 from vector<1xi32>
        %eq3A_271 = arith.cmpi eq, %squeeze3A_270, %while3A_150 : i32
        %convert_element_type3A_272 = arith.extui %eq3A_271 : i1 to i32
        %cond3A_273 = arith.constant 0 : i32
        %cond3A_274 = arith.cmpi ne, %convert_element_type3A_272, %cond3A_273 : i32
        scf.if %cond3A_274 {
          %mul3A_307 = arith.constant 2048 : i32
          %mul3A_308 = arith.muli %while3A_150, %mul3A_307 : i32
          %sub3A_309 = arith.subi %squeeze3A_268, %mul3A_308 : i32
          %jit3A_310 = arith.constant 0 : i32
          %jit3A_311 = arith.constant 2047 : i32
          %max3A = arith.maxsi %jit3A_310, %sub3A_309 : i32
          %min3A_312 = arith.minsi %jit3A_311, %max3A : i32
          %broadcast_in_dim3A_313 = vector.broadcast %min3A_312 : i32 to vector<16xi32>
          %sub3A_314 = arith.constant 999360 : i32
          %sub3A_315 = arith.subi %squeeze3A_268, %sub3A_314 : i32
          %jit3A_316 = arith.constant 0 : i32
          %jit3A_317 = arith.constant 639 : i32
          %max3A_318 = arith.maxsi %jit3A_316, %sub3A_315 : i32
          %min3A_319 = arith.minsi %jit3A_317, %max3A_318 : i32
          %broadcast_in_dim3A_320 = vector.broadcast %min3A_319 : i32 to vector<16xi32>
          %gather3A = tpu.vector_load_idx %arg9[%iota3A, %broadcast_in_dim3A_313] : memref<16x2048xf32, #tpu.memory_space<vmem>>[vector<16xi32>, vector<16xi32>], vector<16xf32>,
          %gather3A_321 = tpu.vector_load_idx %arg10[%iota3A, %broadcast_in_dim3A_313] : memref<16x2048xf32, #tpu.memory_space<vmem>>[vector<16xi32>, vector<16xi32>], vector<16xf32>,
          %gather3A_322 = tpu.vector_load_idx %arg11[%iota3A, %broadcast_in_dim3A_320] : memref<16x640xf32, #tpu.memory_space<vmem>>[vector<16xi32>, vector<16xi32>], vector<16xf32>,
          %select_n3A_323 = arith.select %eq3A_176, %gather3A, %gather3A_321 : vector<16xf32>
          %select_n3A_324 = arith.select %eq3A_178, %gather3A_322, %select_n3A_323 : vector<16xf32>
          %mul3A_325 = arith.constant 16 : i32
          %mul3A_326 = arith.muli %scan3A_79, %mul3A_325 : i32
          %add3A_327 = arith.constant 11 : i32
          %add3A_328 = arith.addi %mul3A_326, %add3A_327 : i32
          %mul3A_329 = arith.constant 16 : i32
          %mul3A_330 = arith.muli %add3A_328, %mul3A_329 : i32
          %swap3A = arith.index_cast %mul3A_330 : i32 to index
          %swap3A_331 = tpu.vector_load %arg12[%swap3A] {strides = array<i32>} : memref<16384xf32, #tpu.memory_space<vmem>>, vector<16xf32>,
          tpu.vector_store %arg12[%swap3A], %select_n3A_324 {strides = array<i32>} : memref<16384xf32, #tpu.memory_space<vmem>>, vector<16xf32>,
          %mul3A_332 = arith.constant 16 : i32
          %mul3A_333 = arith.muli %add3A_328, %mul3A_332 : i32
          %slice3A_334 = vector.extract_strided_slice %get3A_89 {offsets = [11], sizes = [1], strides = [1]} : vector<16xi32> to vector<1xi32>
          %squeeze3A_335 = vector.extract %slice3A_334[0] : i32 from vector<1xi32>
          %mul3A_336 = arith.constant 16 : i32
          %mul3A_337 = arith.muli %squeeze3A_335, %mul3A_336 : i32
          %dma_start3A = tpu.memref_slice %arg12[%mul3A_333] : memref<16384xf32, #tpu.memory_space<vmem>> -> memref<16xf32, #tpu.memory_space<vmem>>
          %dma_start3A_338 = tpu.memref_slice %arg6[%mul3A_337] : memref<524288xf32, #tpu.memory_space<hbm>> -> memref<16xf32, #tpu.memory_space<hbm>>
          %dma_start3A_339 = tpu.memref_slice %arg6[%mul3A_337] : memref<524288xf32, #tpu.memory_space<hbm>> -> memref<16xf32, #tpu.memory_space<hbm>>
          %dma_start3A_340 = tpu.memref_slice %arg12[%mul3A_333] : memref<16384xf32, #tpu.memory_space<vmem>> -> memref<16xf32, #tpu.memory_space<vmem>>
          tpu.enqueue_dma source(%dma_start3A_340 : memref<16xf32, #tpu.memory_space<vmem>>) target(%dma_start3A_339 : memref<16xf32, #tpu.memory_space<hbm>>) target_semaphore(%arg15 : memref<!tpu.dma_semaphore, #tpu.memory_space<semaphore_mem>>)
        } else {
        }
        %slice3A_275 = vector.extract_strided_slice %get3A_85 {offsets = [12], sizes = [1], strides = [1]} : vector<16xi32> to vector<1xi32>
        %squeeze3A_276 = vector.extract %slice3A_275[0] : i32 from vector<1xi32>
        %slice3A_277 = vector.extract_strided_slice %select_n3A_124 {offsets = [12], sizes = [1], strides = [1]} : vector<16xi32> to vector<1xi32>
        %squeeze3A_278 = vector.extract %slice3A_277[0] : i32 from vector<1xi32>
        %eq3A_279 = arith.cmpi eq, %squeeze3A_278, %while3A_150 : i32
        %convert_element_type3A_280 = arith.extui %eq3A_279 : i1 to i32
        %cond3A_281 = arith.constant 0 : i32
        %cond3A_282 = arith.cmpi ne, %convert_element_type3A_280, %cond3A_281 : i32
        scf.if %cond3A_282 {
          %mul3A_307 = arith.constant 2048 : i32
          %mul3A_308 = arith.muli %while3A_150, %mul3A_307 : i32
          %sub3A_309 = arith.subi %squeeze3A_276, %mul3A_308 : i32
          %jit3A_310 = arith.constant 0 : i32
          %jit3A_311 = arith.constant 2047 : i32
          %max3A = arith.maxsi %jit3A_310, %sub3A_309 : i32
          %min3A_312 = arith.minsi %jit3A_311, %max3A : i32
          %broadcast_in_dim3A_313 = vector.broadcast %min3A_312 : i32 to vector<16xi32>
          %sub3A_314 = arith.constant 999360 : i32
          %sub3A_315 = arith.subi %squeeze3A_276, %sub3A_314 : i32
          %jit3A_316 = arith.constant 0 : i32
          %jit3A_317 = arith.constant 639 : i32
          %max3A_318 = arith.maxsi %jit3A_316, %sub3A_315 : i32
          %min3A_319 = arith.minsi %jit3A_317, %max3A_318 : i32
          %broadcast_in_dim3A_320 = vector.broadcast %min3A_319 : i32 to vector<16xi32>
          %gather3A = tpu.vector_load_idx %arg9[%iota3A, %broadcast_in_dim3A_313] : memref<16x2048xf32, #tpu.memory_space<vmem>>[vector<16xi32>, vector<16xi32>], vector<16xf32>,
          %gather3A_321 = tpu.vector_load_idx %arg10[%iota3A, %broadcast_in_dim3A_313] : memref<16x2048xf32, #tpu.memory_space<vmem>>[vector<16xi32>, vector<16xi32>], vector<16xf32>,
          %gather3A_322 = tpu.vector_load_idx %arg11[%iota3A, %broadcast_in_dim3A_320] : memref<16x640xf32, #tpu.memory_space<vmem>>[vector<16xi32>, vector<16xi32>], vector<16xf32>,
          %select_n3A_323 = arith.select %eq3A_176, %gather3A, %gather3A_321 : vector<16xf32>
          %select_n3A_324 = arith.select %eq3A_178, %gather3A_322, %select_n3A_323 : vector<16xf32>
          %mul3A_325 = arith.constant 16 : i32
          %mul3A_326 = arith.muli %scan3A_79, %mul3A_325 : i32
          %add3A_327 = arith.constant 12 : i32
          %add3A_328 = arith.addi %mul3A_326, %add3A_327 : i32
          %mul3A_329 = arith.constant 16 : i32
          %mul3A_330 = arith.muli %add3A_328, %mul3A_329 : i32
          %swap3A = arith.index_cast %mul3A_330 : i32 to index
          %swap3A_331 = tpu.vector_load %arg12[%swap3A] {strides = array<i32>} : memref<16384xf32, #tpu.memory_space<vmem>>, vector<16xf32>,
          tpu.vector_store %arg12[%swap3A], %select_n3A_324 {strides = array<i32>} : memref<16384xf32, #tpu.memory_space<vmem>>, vector<16xf32>,
          %mul3A_332 = arith.constant 16 : i32
          %mul3A_333 = arith.muli %add3A_328, %mul3A_332 : i32
          %slice3A_334 = vector.extract_strided_slice %get3A_89 {offsets = [12], sizes = [1], strides = [1]} : vector<16xi32> to vector<1xi32>
          %squeeze3A_335 = vector.extract %slice3A_334[0] : i32 from vector<1xi32>
          %mul3A_336 = arith.constant 16 : i32
          %mul3A_337 = arith.muli %squeeze3A_335, %mul3A_336 : i32
          %dma_start3A = tpu.memref_slice %arg12[%mul3A_333] : memref<16384xf32, #tpu.memory_space<vmem>> -> memref<16xf32, #tpu.memory_space<vmem>>
          %dma_start3A_338 = tpu.memref_slice %arg6[%mul3A_337] : memref<524288xf32, #tpu.memory_space<hbm>> -> memref<16xf32, #tpu.memory_space<hbm>>
          %dma_start3A_339 = tpu.memref_slice %arg6[%mul3A_337] : memref<524288xf32, #tpu.memory_space<hbm>> -> memref<16xf32, #tpu.memory_space<hbm>>
          %dma_start3A_340 = tpu.memref_slice %arg12[%mul3A_333] : memref<16384xf32, #tpu.memory_space<vmem>> -> memref<16xf32, #tpu.memory_space<vmem>>
          tpu.enqueue_dma source(%dma_start3A_340 : memref<16xf32, #tpu.memory_space<vmem>>) target(%dma_start3A_339 : memref<16xf32, #tpu.memory_space<hbm>>) target_semaphore(%arg15 : memref<!tpu.dma_semaphore, #tpu.memory_space<semaphore_mem>>)
        } else {
        }
        %slice3A_283 = vector.extract_strided_slice %get3A_85 {offsets = [13], sizes = [1], strides = [1]} : vector<16xi32> to vector<1xi32>
        %squeeze3A_284 = vector.extract %slice3A_283[0] : i32 from vector<1xi32>
        %slice3A_285 = vector.extract_strided_slice %select_n3A_124 {offsets = [13], sizes = [1], strides = [1]} : vector<16xi32> to vector<1xi32>
        %squeeze3A_286 = vector.extract %slice3A_285[0] : i32 from vector<1xi32>
        %eq3A_287 = arith.cmpi eq, %squeeze3A_286, %while3A_150 : i32
        %convert_element_type3A_288 = arith.extui %eq3A_287 : i1 to i32
        %cond3A_289 = arith.constant 0 : i32
        %cond3A_290 = arith.cmpi ne, %convert_element_type3A_288, %cond3A_289 : i32
        scf.if %cond3A_290 {
          %mul3A_307 = arith.constant 2048 : i32
          %mul3A_308 = arith.muli %while3A_150, %mul3A_307 : i32
          %sub3A_309 = arith.subi %squeeze3A_284, %mul3A_308 : i32
          %jit3A_310 = arith.constant 0 : i32
          %jit3A_311 = arith.constant 2047 : i32
          %max3A = arith.maxsi %jit3A_310, %sub3A_309 : i32
          %min3A_312 = arith.minsi %jit3A_311, %max3A : i32
          %broadcast_in_dim3A_313 = vector.broadcast %min3A_312 : i32 to vector<16xi32>
          %sub3A_314 = arith.constant 999360 : i32
          %sub3A_315 = arith.subi %squeeze3A_284, %sub3A_314 : i32
          %jit3A_316 = arith.constant 0 : i32
          %jit3A_317 = arith.constant 639 : i32
          %max3A_318 = arith.maxsi %jit3A_316, %sub3A_315 : i32
          %min3A_319 = arith.minsi %jit3A_317, %max3A_318 : i32
          %broadcast_in_dim3A_320 = vector.broadcast %min3A_319 : i32 to vector<16xi32>
          %gather3A = tpu.vector_load_idx %arg9[%iota3A, %broadcast_in_dim3A_313] : memref<16x2048xf32, #tpu.memory_space<vmem>>[vector<16xi32>, vector<16xi32>], vector<16xf32>,
          %gather3A_321 = tpu.vector_load_idx %arg10[%iota3A, %broadcast_in_dim3A_313] : memref<16x2048xf32, #tpu.memory_space<vmem>>[vector<16xi32>, vector<16xi32>], vector<16xf32>,
          %gather3A_322 = tpu.vector_load_idx %arg11[%iota3A, %broadcast_in_dim3A_320] : memref<16x640xf32, #tpu.memory_space<vmem>>[vector<16xi32>, vector<16xi32>], vector<16xf32>,
          %select_n3A_323 = arith.select %eq3A_176, %gather3A, %gather3A_321 : vector<16xf32>
          %select_n3A_324 = arith.select %eq3A_178, %gather3A_322, %select_n3A_323 : vector<16xf32>
          %mul3A_325 = arith.constant 16 : i32
          %mul3A_326 = arith.muli %scan3A_79, %mul3A_325 : i32
          %add3A_327 = arith.constant 13 : i32
          %add3A_328 = arith.addi %mul3A_326, %add3A_327 : i32
          %mul3A_329 = arith.constant 16 : i32
          %mul3A_330 = arith.muli %add3A_328, %mul3A_329 : i32
          %swap3A = arith.index_cast %mul3A_330 : i32 to index
          %swap3A_331 = tpu.vector_load %arg12[%swap3A] {strides = array<i32>} : memref<16384xf32, #tpu.memory_space<vmem>>, vector<16xf32>,
          tpu.vector_store %arg12[%swap3A], %select_n3A_324 {strides = array<i32>} : memref<16384xf32, #tpu.memory_space<vmem>>, vector<16xf32>,
          %mul3A_332 = arith.constant 16 : i32
          %mul3A_333 = arith.muli %add3A_328, %mul3A_332 : i32
          %slice3A_334 = vector.extract_strided_slice %get3A_89 {offsets = [13], sizes = [1], strides = [1]} : vector<16xi32> to vector<1xi32>
          %squeeze3A_335 = vector.extract %slice3A_334[0] : i32 from vector<1xi32>
          %mul3A_336 = arith.constant 16 : i32
          %mul3A_337 = arith.muli %squeeze3A_335, %mul3A_336 : i32
          %dma_start3A = tpu.memref_slice %arg12[%mul3A_333] : memref<16384xf32, #tpu.memory_space<vmem>> -> memref<16xf32, #tpu.memory_space<vmem>>
          %dma_start3A_338 = tpu.memref_slice %arg6[%mul3A_337] : memref<524288xf32, #tpu.memory_space<hbm>> -> memref<16xf32, #tpu.memory_space<hbm>>
          %dma_start3A_339 = tpu.memref_slice %arg6[%mul3A_337] : memref<524288xf32, #tpu.memory_space<hbm>> -> memref<16xf32, #tpu.memory_space<hbm>>
          %dma_start3A_340 = tpu.memref_slice %arg12[%mul3A_333] : memref<16384xf32, #tpu.memory_space<vmem>> -> memref<16xf32, #tpu.memory_space<vmem>>
          tpu.enqueue_dma source(%dma_start3A_340 : memref<16xf32, #tpu.memory_space<vmem>>) target(%dma_start3A_339 : memref<16xf32, #tpu.memory_space<hbm>>) target_semaphore(%arg15 : memref<!tpu.dma_semaphore, #tpu.memory_space<semaphore_mem>>)
        } else {
        }
        %slice3A_291 = vector.extract_strided_slice %get3A_85 {offsets = [14], sizes = [1], strides = [1]} : vector<16xi32> to vector<1xi32>
        %squeeze3A_292 = vector.extract %slice3A_291[0] : i32 from vector<1xi32>
        %slice3A_293 = vector.extract_strided_slice %select_n3A_124 {offsets = [14], sizes = [1], strides = [1]} : vector<16xi32> to vector<1xi32>
        %squeeze3A_294 = vector.extract %slice3A_293[0] : i32 from vector<1xi32>
        %eq3A_295 = arith.cmpi eq, %squeeze3A_294, %while3A_150 : i32
        %convert_element_type3A_296 = arith.extui %eq3A_295 : i1 to i32
        %cond3A_297 = arith.constant 0 : i32
        %cond3A_298 = arith.cmpi ne, %convert_element_type3A_296, %cond3A_297 : i32
        scf.if %cond3A_298 {
          %mul3A_307 = arith.constant 2048 : i32
          %mul3A_308 = arith.muli %while3A_150, %mul3A_307 : i32
          %sub3A_309 = arith.subi %squeeze3A_292, %mul3A_308 : i32
          %jit3A_310 = arith.constant 0 : i32
          %jit3A_311 = arith.constant 2047 : i32
          %max3A = arith.maxsi %jit3A_310, %sub3A_309 : i32
          %min3A_312 = arith.minsi %jit3A_311, %max3A : i32
          %broadcast_in_dim3A_313 = vector.broadcast %min3A_312 : i32 to vector<16xi32>
          %sub3A_314 = arith.constant 999360 : i32
          %sub3A_315 = arith.subi %squeeze3A_292, %sub3A_314 : i32
          %jit3A_316 = arith.constant 0 : i32
          %jit3A_317 = arith.constant 639 : i32
          %max3A_318 = arith.maxsi %jit3A_316, %sub3A_315 : i32
          %min3A_319 = arith.minsi %jit3A_317, %max3A_318 : i32
          %broadcast_in_dim3A_320 = vector.broadcast %min3A_319 : i32 to vector<16xi32>
          %gather3A = tpu.vector_load_idx %arg9[%iota3A, %broadcast_in_dim3A_313] : memref<16x2048xf32, #tpu.memory_space<vmem>>[vector<16xi32>, vector<16xi32>], vector<16xf32>,
          %gather3A_321 = tpu.vector_load_idx %arg10[%iota3A, %broadcast_in_dim3A_313] : memref<16x2048xf32, #tpu.memory_space<vmem>>[vector<16xi32>, vector<16xi32>], vector<16xf32>,
          %gather3A_322 = tpu.vector_load_idx %arg11[%iota3A, %broadcast_in_dim3A_320] : memref<16x640xf32, #tpu.memory_space<vmem>>[vector<16xi32>, vector<16xi32>], vector<16xf32>,
          %select_n3A_323 = arith.select %eq3A_176, %gather3A, %gather3A_321 : vector<16xf32>
          %select_n3A_324 = arith.select %eq3A_178, %gather3A_322, %select_n3A_323 : vector<16xf32>
          %mul3A_325 = arith.constant 16 : i32
          %mul3A_326 = arith.muli %scan3A_79, %mul3A_325 : i32
          %add3A_327 = arith.constant 14 : i32
          %add3A_328 = arith.addi %mul3A_326, %add3A_327 : i32
          %mul3A_329 = arith.constant 16 : i32
          %mul3A_330 = arith.muli %add3A_328, %mul3A_329 : i32
          %swap3A = arith.index_cast %mul3A_330 : i32 to index
          %swap3A_331 = tpu.vector_load %arg12[%swap3A] {strides = array<i32>} : memref<16384xf32, #tpu.memory_space<vmem>>, vector<16xf32>,
          tpu.vector_store %arg12[%swap3A], %select_n3A_324 {strides = array<i32>} : memref<16384xf32, #tpu.memory_space<vmem>>, vector<16xf32>,
          %mul3A_332 = arith.constant 16 : i32
          %mul3A_333 = arith.muli %add3A_328, %mul3A_332 : i32
          %slice3A_334 = vector.extract_strided_slice %get3A_89 {offsets = [14], sizes = [1], strides = [1]} : vector<16xi32> to vector<1xi32>
          %squeeze3A_335 = vector.extract %slice3A_334[0] : i32 from vector<1xi32>
          %mul3A_336 = arith.constant 16 : i32
          %mul3A_337 = arith.muli %squeeze3A_335, %mul3A_336 : i32
          %dma_start3A = tpu.memref_slice %arg12[%mul3A_333] : memref<16384xf32, #tpu.memory_space<vmem>> -> memref<16xf32, #tpu.memory_space<vmem>>
          %dma_start3A_338 = tpu.memref_slice %arg6[%mul3A_337] : memref<524288xf32, #tpu.memory_space<hbm>> -> memref<16xf32, #tpu.memory_space<hbm>>
          %dma_start3A_339 = tpu.memref_slice %arg6[%mul3A_337] : memref<524288xf32, #tpu.memory_space<hbm>> -> memref<16xf32, #tpu.memory_space<hbm>>
          %dma_start3A_340 = tpu.memref_slice %arg12[%mul3A_333] : memref<16384xf32, #tpu.memory_space<vmem>> -> memref<16xf32, #tpu.memory_space<vmem>>
          tpu.enqueue_dma source(%dma_start3A_340 : memref<16xf32, #tpu.memory_space<vmem>>) target(%dma_start3A_339 : memref<16xf32, #tpu.memory_space<hbm>>) target_semaphore(%arg15 : memref<!tpu.dma_semaphore, #tpu.memory_space<semaphore_mem>>)
        } else {
        }
        %slice3A_299 = vector.extract_strided_slice %get3A_85 {offsets = [15], sizes = [1], strides = [1]} : vector<16xi32> to vector<1xi32>
        %squeeze3A_300 = vector.extract %slice3A_299[0] : i32 from vector<1xi32>
        %slice3A_301 = vector.extract_strided_slice %select_n3A_124 {offsets = [15], sizes = [1], strides = [1]} : vector<16xi32> to vector<1xi32>
        %squeeze3A_302 = vector.extract %slice3A_301[0] : i32 from vector<1xi32>
        %eq3A_303 = arith.cmpi eq, %squeeze3A_302, %while3A_150 : i32
        %convert_element_type3A_304 = arith.extui %eq3A_303 : i1 to i32
        %cond3A_305 = arith.constant 0 : i32
        %cond3A_306 = arith.cmpi ne, %convert_element_type3A_304, %cond3A_305 : i32
        scf.if %cond3A_306 {
          %mul3A_307 = arith.constant 2048 : i32
          %mul3A_308 = arith.muli %while3A_150, %mul3A_307 : i32
          %sub3A_309 = arith.subi %squeeze3A_300, %mul3A_308 : i32
          %jit3A_310 = arith.constant 0 : i32
          %jit3A_311 = arith.constant 2047 : i32
          %max3A = arith.maxsi %jit3A_310, %sub3A_309 : i32
          %min3A_312 = arith.minsi %jit3A_311, %max3A : i32
          %broadcast_in_dim3A_313 = vector.broadcast %min3A_312 : i32 to vector<16xi32>
          %sub3A_314 = arith.constant 999360 : i32
          %sub3A_315 = arith.subi %squeeze3A_300, %sub3A_314 : i32
          %jit3A_316 = arith.constant 0 : i32
          %jit3A_317 = arith.constant 639 : i32
          %max3A_318 = arith.maxsi %jit3A_316, %sub3A_315 : i32
          %min3A_319 = arith.minsi %jit3A_317, %max3A_318 : i32
          %broadcast_in_dim3A_320 = vector.broadcast %min3A_319 : i32 to vector<16xi32>
          %gather3A = tpu.vector_load_idx %arg9[%iota3A, %broadcast_in_dim3A_313] : memref<16x2048xf32, #tpu.memory_space<vmem>>[vector<16xi32>, vector<16xi32>], vector<16xf32>,
          %gather3A_321 = tpu.vector_load_idx %arg10[%iota3A, %broadcast_in_dim3A_313] : memref<16x2048xf32, #tpu.memory_space<vmem>>[vector<16xi32>, vector<16xi32>], vector<16xf32>,
          %gather3A_322 = tpu.vector_load_idx %arg11[%iota3A, %broadcast_in_dim3A_320] : memref<16x640xf32, #tpu.memory_space<vmem>>[vector<16xi32>, vector<16xi32>], vector<16xf32>,
          %select_n3A_323 = arith.select %eq3A_176, %gather3A, %gather3A_321 : vector<16xf32>
          %select_n3A_324 = arith.select %eq3A_178, %gather3A_322, %select_n3A_323 : vector<16xf32>
          %mul3A_325 = arith.constant 16 : i32
          %mul3A_326 = arith.muli %scan3A_79, %mul3A_325 : i32
          %add3A_327 = arith.constant 15 : i32
          %add3A_328 = arith.addi %mul3A_326, %add3A_327 : i32
          %mul3A_329 = arith.constant 16 : i32
          %mul3A_330 = arith.muli %add3A_328, %mul3A_329 : i32
          %swap3A = arith.index_cast %mul3A_330 : i32 to index
          %swap3A_331 = tpu.vector_load %arg12[%swap3A] {strides = array<i32>} : memref<16384xf32, #tpu.memory_space<vmem>>, vector<16xf32>,
          tpu.vector_store %arg12[%swap3A], %select_n3A_324 {strides = array<i32>} : memref<16384xf32, #tpu.memory_space<vmem>>, vector<16xf32>,
          %mul3A_332 = arith.constant 16 : i32
          %mul3A_333 = arith.muli %add3A_328, %mul3A_332 : i32
          %slice3A_334 = vector.extract_strided_slice %get3A_89 {offsets = [15], sizes = [1], strides = [1]} : vector<16xi32> to vector<1xi32>
          %squeeze3A_335 = vector.extract %slice3A_334[0] : i32 from vector<1xi32>
          %mul3A_336 = arith.constant 16 : i32
          %mul3A_337 = arith.muli %squeeze3A_335, %mul3A_336 : i32
          %dma_start3A = tpu.memref_slice %arg12[%mul3A_333] : memref<16384xf32, #tpu.memory_space<vmem>> -> memref<16xf32, #tpu.memory_space<vmem>>
          %dma_start3A_338 = tpu.memref_slice %arg6[%mul3A_337] : memref<524288xf32, #tpu.memory_space<hbm>> -> memref<16xf32, #tpu.memory_space<hbm>>
          %dma_start3A_339 = tpu.memref_slice %arg6[%mul3A_337] : memref<524288xf32, #tpu.memory_space<hbm>> -> memref<16xf32, #tpu.memory_space<hbm>>
          %dma_start3A_340 = tpu.memref_slice %arg12[%mul3A_333] : memref<16384xf32, #tpu.memory_space<vmem>> -> memref<16xf32, #tpu.memory_space<vmem>>
          tpu.enqueue_dma source(%dma_start3A_340 : memref<16xf32, #tpu.memory_space<vmem>>) target(%dma_start3A_339 : memref<16xf32, #tpu.memory_space<hbm>>) target_semaphore(%arg15 : memref<!tpu.dma_semaphore, #tpu.memory_space<semaphore_mem>>)
        } else {
        }
        scf.yield %select_n3A_171, %select_n3A_172 : i32, i32
      }
      scf.yield %while3A_149#0, %while3A_149#1 : i32, i32
    }
    %scan3A_59 = arith.constant 64 : i32
    %rem3A_60 = arith.constant 2 : i32
    %rem3A_61 = arith.remsi %scan3A_58#1, %rem3A_60 : i32
    %eq3A_62 = arith.constant 0 : i32
    %eq3A_63 = arith.cmpi eq, %rem3A_61, %eq3A_62 : i32
    %convert_element_type3A_64 = arith.extui %eq3A_63 : i1 to i32
    %cond3A_65 = arith.constant 0 : i32
    %cond3A_66 = arith.cmpi ne, %convert_element_type3A_64, %cond3A_65 : i32
    scf.if %cond3A_66 {
      %dma_wait3A = arith.constant 0 : i32
      %dma_wait3A_79 = arith.constant 0 : i32
      %dma_wait3A_80 = tpu.memref_slice %arg2[%dma_wait3A, %dma_wait3A_79] : memref<16x1000000xf32, #tpu.memory_space<hbm>> -> memref<16x2048xf32, #tpu.memory_space<hbm>>
      %dma_wait3A_81 = arith.constant 0 : i32
      %dma_wait3A_82 = arith.constant 0 : i32
      %dma_wait3A_83 = tpu.memref_slice %arg2[%dma_wait3A_81, %dma_wait3A_82] : memref<16x1000000xf32, #tpu.memory_space<hbm>> -> memref<16x2048xf32, #tpu.memory_space<hbm>>
      tpu.wait_dma2 semaphore(%arg13 : memref<!tpu.dma_semaphore, #tpu.memory_space<semaphore_mem>>) src(%dma_wait3A_83 : memref<16x2048xf32, #tpu.memory_space<hbm>>) dst(%arg9 : memref<16x2048xf32, #tpu.memory_space<vmem>>)
    } else {
    }
    %rem3A_67 = arith.constant 2 : i32
    %rem3A_68 = arith.remsi %scan3A_58#1, %rem3A_67 : i32
    %eq3A_69 = arith.constant 1 : i32
    %eq3A_70 = arith.cmpi eq, %rem3A_68, %eq3A_69 : i32
    %convert_element_type3A_71 = arith.extui %eq3A_70 : i1 to i32
    %cond3A_72 = arith.constant 0 : i32
    %cond3A_73 = arith.cmpi ne, %convert_element_type3A_71, %cond3A_72 : i32
    scf.if %cond3A_73 {
      %dma_wait3A = arith.constant 0 : i32
      %dma_wait3A_79 = arith.constant 0 : i32
      %dma_wait3A_80 = tpu.memref_slice %arg2[%dma_wait3A, %dma_wait3A_79] : memref<16x1000000xf32, #tpu.memory_space<hbm>> -> memref<16x2048xf32, #tpu.memory_space<hbm>>
      %dma_wait3A_81 = arith.constant 0 : i32
      %dma_wait3A_82 = arith.constant 0 : i32
      %dma_wait3A_83 = tpu.memref_slice %arg2[%dma_wait3A_81, %dma_wait3A_82] : memref<16x1000000xf32, #tpu.memory_space<hbm>> -> memref<16x2048xf32, #tpu.memory_space<hbm>>
      tpu.wait_dma2 semaphore(%arg14 : memref<!tpu.dma_semaphore, #tpu.memory_space<semaphore_mem>>) src(%dma_wait3A_83 : memref<16x2048xf32, #tpu.memory_space<hbm>>) dst(%arg10 : memref<16x2048xf32, #tpu.memory_space<vmem>>)
    } else {
    }
    %scan3A_74 = arith.constant 0 : i32
    %scan3A_75 = arith.constant 1024 : i32
    %scan3A_76 = arith.addi %scan3A_74, %scan3A_75 : i32
    %scan3A_77 = arith.constant 1 : i32
    scf.for %scan3A_79 = %scan3A_74 to %scan3A_76 step %scan3A_77  : i32 {
      %dma_wait3A = arith.constant 0 : i32
      %dma_wait3A_80 = tpu.memref_slice %arg12[%dma_wait3A] : memref<16384xf32, #tpu.memory_space<vmem>> -> memref<16xf32, #tpu.memory_space<vmem>>
      %dma_wait3A_81 = arith.constant 0 : i32
      %dma_wait3A_82 = tpu.memref_slice %arg6[%dma_wait3A_81] : memref<524288xf32, #tpu.memory_space<hbm>> -> memref<16xf32, #tpu.memory_space<hbm>>
      %dma_wait3A_83 = arith.constant 0 : i32
      %dma_wait3A_84 = tpu.memref_slice %arg6[%dma_wait3A_83] : memref<524288xf32, #tpu.memory_space<hbm>> -> memref<16xf32, #tpu.memory_space<hbm>>
      %dma_wait3A_85 = arith.constant 0 : i32
      %dma_wait3A_86 = tpu.memref_slice %arg12[%dma_wait3A_85] : memref<16384xf32, #tpu.memory_space<vmem>> -> memref<16xf32, #tpu.memory_space<vmem>>
      tpu.wait_dma2 semaphore(%arg15 : memref<!tpu.dma_semaphore, #tpu.memory_space<semaphore_mem>>) src(%dma_wait3A_86 : memref<16xf32, #tpu.memory_space<vmem>>) dst(%dma_wait3A_84 : memref<16xf32, #tpu.memory_space<hbm>>)
    }
    %scan3A_78 = arith.constant 1024 : i32
    return
  }
}

module attributes {stable_mosaic.version = 14 : i64} {
  func.func @body(%arg0: i32, %arg1: memref<1xf32, #tpu.memory_space<smem>>, %arg2: memref<32768xf32, #tpu.memory_space<vmem>>, %arg3: memref<32768xf32, #tpu.memory_space<vmem>>, %arg4: memref<256x8xi32, #tpu.memory_space<vmem>>, %arg5: memref<256x8xf32, #tpu.memory_space<vmem>>) attributes {dimension_semantics = [#tpu.dimension_semantics<arbitrary>], iteration_bounds = array<i64: 8>, scalar_prefetch = 0 : i64, scratch_operands = 0 : i64, tpu.core_type = #tpu.core_type<tc>, window_params = [{transform_indices = @transform_0, window_bounds = array<i64: 1>}, {transform_indices = @transform_1, window_bounds = array<i64: 32768>}, {transform_indices = @transform_2, window_bounds = array<i64: 32768>}, {transform_indices = @transform_3, window_bounds = array<i64: 256, 8>}, {transform_indices = @transform_4, window_bounds = array<i64: 256, 8>}]} {
    %get3A = arith.constant 0 : index
    %get3A_0 = vector.load %arg2[%get3A] : memref<32768xf32, #tpu.memory_space<vmem>>, vector<32768xf32>
    %reshape3A = vector.shape_cast %get3A_0 : vector<32768xf32> to vector<256x128xf32>
    %get3A_1 = arith.constant 0 : index
    %get3A_2 = vector.load %arg3[%get3A_1] : memref<32768xf32, #tpu.memory_space<vmem>>, vector<32768xf32>
    %reshape3A_3 = vector.shape_cast %get3A_2 : vector<32768xf32> to vector<256x128xf32>
    %iota3A = tpu.iota {dimensions = array<i32: 0>} : vector<128x8xi32>
    %jit3A = arith.constant 16 : i32
    %div3A = vector.broadcast %jit3A : i32 to vector<128x8xi32>
    %div3A_4 = arith.divsi %iota3A, %div3A : vector<128x8xi32>
    %sign3A = arith.constant 0 : i32
    %sign3A_5 = vector.broadcast %sign3A : i32 to vector<128x8xi32>
    %sign3A_6 = arith.cmpi sgt, %iota3A, %sign3A_5 : vector<128x8xi32>
    %sign3A_7 = arith.extui %sign3A_6 : vector<128x8xi1> to vector<128x8xi32>
    %sign3A_8 = arith.constant 0 : i32
    %sign3A_9 = vector.broadcast %sign3A_8 : i32 to vector<128x8xi32>
    %sign3A_10 = arith.cmpi slt, %iota3A, %sign3A_9 : vector<128x8xi32>
    %sign3A_11 = arith.extui %sign3A_10 : vector<128x8xi1> to vector<128x8xi32>
    %sign3A_12 = arith.subi %sign3A_7, %sign3A_11 : vector<128x8xi32>
    %sign3A_13 = arith.constant 0 : i32
    %sign3A_14 = arith.cmpi sgt, %jit3A, %sign3A_13 : i32
    %sign3A_15 = arith.extui %sign3A_14 : i1 to i32
    %sign3A_16 = arith.constant 0 : i32
    %sign3A_17 = arith.cmpi slt, %jit3A, %sign3A_16 : i32
    %sign3A_18 = arith.extui %sign3A_17 : i1 to i32
    %sign3A_19 = arith.subi %sign3A_15, %sign3A_18 : i32
    %ne3A = vector.broadcast %sign3A_19 : i32 to vector<128x8xi32>
    %ne3A_20 = arith.cmpi ne, %sign3A_12, %ne3A : vector<128x8xi32>
    %rem3A = vector.broadcast %jit3A : i32 to vector<128x8xi32>
    %rem3A_21 = arith.remsi %iota3A, %rem3A : vector<128x8xi32>
    %ne3A_22 = arith.constant 0 : i32
    %ne3A_23 = vector.broadcast %ne3A_22 : i32 to vector<128x8xi32>
    %ne3A_24 = arith.cmpi ne, %rem3A_21, %ne3A_23 : vector<128x8xi32>
    %and3A = arith.andi %ne3A_20, %ne3A_24 : vector<128x8xi1>
    %sub3A = arith.constant 1 : i32
    %sub3A_25 = vector.broadcast %sub3A : i32 to vector<128x8xi32>
    %sub3A_26 = arith.subi %div3A_4, %sub3A_25 : vector<128x8xi32>
    %select_n3A = arith.select %and3A, %sub3A_26, %div3A_4 : vector<128x8xi1>, vector<128x8xi32>
    %iota3A_27 = tpu.iota {dimensions = array<i32: 1>} : vector<128x8xi32>
    %eq3A = arith.cmpi eq, %select_n3A, %iota3A_27 : vector<128x8xi32>
    %convert_element_type3A = arith.extui %eq3A : vector<128x8xi1> to vector<128x8xi32>
    %convert_element_type3A_28 = arith.sitofp %convert_element_type3A : vector<128x8xi32> to vector<128x8xf32>
    %sub3A_29 = arith.subf %reshape3A, %reshape3A_3 : vector<256x128xf32>
    %mul3A = arith.mulf %sub3A_29, %sub3A_29 : vector<256x128xf32>
    %dot_general3A = arith.constant dense<0.000000e+00> : vector<256x8xf32>
    %dot_general3A_30 = tpu.matmul %mul3A, %convert_element_type3A_28, %dot_general3A {dimension_numbers = #tpu.dot_dimension_numbers<[1], [0], [0], [1], [0, 0, 1, 1], [], []>, transpose_lhs_hint = false} : vector<256x128xf32>, vector<128x8xf32>, vector<256x8xf32> -> vector<256x8xf32>
    %mul3A_31 = arith.mulf %reshape3A, %reshape3A : vector<256x128xf32>
    %mul3A_32 = arith.mulf %reshape3A_3, %reshape3A_3 : vector<256x128xf32>
    %add3A = arith.addf %mul3A_31, %mul3A_32 : vector<256x128xf32>
    %dot_general3A_33 = arith.constant dense<0.000000e+00> : vector<256x8xf32>
    %dot_general3A_34 = tpu.matmul %add3A, %convert_element_type3A_28, %dot_general3A_33 {dimension_numbers = #tpu.dot_dimension_numbers<[1], [0], [0], [1], [0, 0, 1, 1], [], []>, transpose_lhs_hint = false} : vector<256x128xf32>, vector<128x8xf32>, vector<256x8xf32> -> vector<256x8xf32>
    %add3A_35 = arith.constant 9.99999996E-13 : f32
    %add3A_36 = vector.broadcast %add3A_35 : f32 to vector<256x8xf32>
    %add3A_37 = arith.addf %dot_general3A_30, %add3A_36 : vector<256x8xf32>
    %sqrt3A = math.sqrt %add3A_37 : vector<256x8xf32>
    %get3A_38 = arith.constant 0 : index
    %get3A_39 = memref.load %arg1[%get3A_38] : memref<1xf32, #tpu.memory_space<smem>>
    %sub3A_40 = arith.constant 1.000000e+01 : f32
    %sub3A_41 = vector.broadcast %sub3A_40 : f32 to vector<256x8xf32>
    %sub3A_42 = arith.subf %sqrt3A, %sub3A_41 : vector<256x8xf32>
    %mul3A_43 = vector.broadcast %get3A_39 : f32 to vector<256x8xf32>
    %mul3A_44 = arith.mulf %mul3A_43, %sub3A_42 : vector<256x8xf32>
    %get3A_45 = arith.constant 0 : index
    %get3A_46 = arith.constant 0 : index
    %get3A_47 = vector.load %arg4[%get3A_45, %get3A_46] : memref<256x8xi32, #tpu.memory_space<vmem>>, vector<256x8xi32>
    %convert_element_type3A_48 = arith.sitofp %get3A_47 : vector<256x8xi32> to vector<256x8xf32>
    %custom_jvp_call3A = arith.constant 0.000000e+00 : f32
    %max3A = vector.broadcast %custom_jvp_call3A : f32 to vector<256x8xf32>
    %max3A_49 = arith.maximumf %max3A, %mul3A_44 : vector<256x8xf32>
    %sub3A_50 = vector.broadcast %custom_jvp_call3A : f32 to vector<256x8xf32>
    %sub3A_51 = arith.subf %sub3A_50, %mul3A_44 : vector<256x8xf32>
    %ne3A_52 = arith.cmpf one, %sub3A_51, %sub3A_51 : vector<256x8xf32>
    %add3A_53 = vector.broadcast %custom_jvp_call3A : f32 to vector<256x8xf32>
    %add3A_54 = arith.addf %add3A_53, %mul3A_44 : vector<256x8xf32>
    %abs3A = math.absf %sub3A_51 : vector<256x8xf32>
    %neg3A = arith.constant 0.000000e+00 : f32
    %neg3A_55 = vector.broadcast %neg3A : f32 to vector<256x8xf32>
    %neg3A_56 = arith.subf %neg3A_55, %abs3A : vector<256x8xf32>
    %exp3A = math.exp %neg3A_56 : vector<256x8xf32>
    %log1p3A = math.log1p %exp3A : vector<256x8xf32>
    %add3A_57 = arith.addf %max3A_49, %log1p3A : vector<256x8xf32>
    %select_n3A_58 = arith.select %ne3A_52, %add3A_54, %add3A_57 : vector<256x8xi1>, vector<256x8xf32>
    %mul3A_59 = arith.mulf %convert_element_type3A_48, %select_n3A_58 : vector<256x8xf32>
    %sub3A_60 = arith.constant 1.000000e+00 : f32
    %sub3A_61 = vector.broadcast %sub3A_60 : f32 to vector<256x8xf32>
    %sub3A_62 = arith.subf %sub3A_61, %convert_element_type3A_48 : vector<256x8xf32>
    %neg3A_63 = arith.constant 0.000000e+00 : f32
    %neg3A_64 = vector.broadcast %neg3A_63 : f32 to vector<256x8xf32>
    %neg3A_65 = arith.subf %neg3A_64, %mul3A_44 : vector<256x8xf32>
    %custom_jvp_call3A_66 = arith.constant 0.000000e+00 : f32
    %max3A_67 = vector.broadcast %custom_jvp_call3A_66 : f32 to vector<256x8xf32>
    %max3A_68 = arith.maximumf %max3A_67, %neg3A_65 : vector<256x8xf32>
    %sub3A_69 = vector.broadcast %custom_jvp_call3A_66 : f32 to vector<256x8xf32>
    %sub3A_70 = arith.subf %sub3A_69, %neg3A_65 : vector<256x8xf32>
    %ne3A_71 = arith.cmpf one, %sub3A_70, %sub3A_70 : vector<256x8xf32>
    %add3A_72 = vector.broadcast %custom_jvp_call3A_66 : f32 to vector<256x8xf32>
    %add3A_73 = arith.addf %add3A_72, %neg3A_65 : vector<256x8xf32>
    %abs3A_74 = math.absf %sub3A_70 : vector<256x8xf32>
    %neg3A_75 = arith.constant 0.000000e+00 : f32
    %neg3A_76 = vector.broadcast %neg3A_75 : f32 to vector<256x8xf32>
    %neg3A_77 = arith.subf %neg3A_76, %abs3A_74 : vector<256x8xf32>
    %exp3A_78 = math.exp %neg3A_77 : vector<256x8xf32>
    %log1p3A_79 = math.log1p %exp3A_78 : vector<256x8xf32>
    %add3A_80 = arith.addf %max3A_68, %log1p3A_79 : vector<256x8xf32>
    %select_n3A_81 = arith.select %ne3A_71, %add3A_73, %add3A_80 : vector<256x8xi1>, vector<256x8xf32>
    %mul3A_82 = arith.mulf %sub3A_62, %select_n3A_81 : vector<256x8xf32>
    %add3A_83 = arith.addf %mul3A_59, %mul3A_82 : vector<256x8xf32>
    %mul3A_84 = arith.constant 5.000000e-01 : f32
    %mul3A_85 = vector.broadcast %mul3A_84 : f32 to vector<256x8xf32>
    %mul3A_86 = arith.mulf %mul3A_85, %dot_general3A_34 : vector<256x8xf32>
    %add3A_87 = arith.constant 29.4060326 : f32
    %add3A_88 = vector.broadcast %add3A_87 : f32 to vector<256x8xf32>
    %add3A_89 = arith.addf %add3A_88, %mul3A_86 : vector<256x8xf32>
    %mul3A_90 = arith.constant 1.00000102E-6 : f32
    %mul3A_91 = vector.broadcast %mul3A_90 : f32 to vector<256x8xf32>
    %mul3A_92 = arith.mulf %add3A_89, %mul3A_91 : vector<256x8xf32>
    %add3A_93 = arith.addf %add3A_83, %mul3A_92 : vector<256x8xf32>
    %swap3A = arith.constant 0 : index
    %swap3A_94 = arith.constant 0 : index
    %swap3A_95 = vector.load %arg5[%swap3A, %swap3A_94] : memref<256x8xf32, #tpu.memory_space<vmem>>, vector<256x8xf32>
    tpu.vector_store %arg5[%swap3A, %swap3A_94], %add3A_93 {strides = array<i32>} : memref<256x8xf32, #tpu.memory_space<vmem>>, vector<256x8xf32>,
    return
  }
  func.func @transform_0(%arg0: i32) -> i32 {
    %c0_i32 = arith.constant 0 : i32
    %c0_i32_0 = arith.constant 0 : i32
    return %c0_i32 : i32
  }
  func.func @transform_1(%arg0: i32) -> i32 {
    %c0_i32 = arith.constant 0 : i32
    return %arg0 : i32
  }
  func.func @transform_2(%arg0: i32) -> i32 {
    %add3A = arith.constant 8 : i32
    %add3A_0 = arith.addi %arg0, %add3A : i32
    %c0_i32 = arith.constant 0 : i32
    return %add3A_0 : i32
  }
  func.func @transform_3(%arg0: i32) -> (i32, i32) {
    %c0_i32 = arith.constant 0 : i32
    %c0_i32_0 = arith.constant 0 : i32
    return %arg0, %c0_i32 : i32, i32
  }
  func.func @transform_4(%arg0: i32) -> (i32, i32) {
    %c0_i32 = arith.constant 0 : i32
    %c0_i32_0 = arith.constant 0 : i32
    return %arg0, %c0_i32 : i32, i32
  }
}

</mosaic_0001>

<sc_bundles>
// kernel: kernel.4.cloned.1.call-start
scs
__scs_entry_jumppad:
0x0: {  	(pc) =	sbr.rel $0x88, $3  }
0x1: {  	(tag) =	ssettag $0x0;
	lr =	simm.s32 $0x1  }
0x2: {  	[smem:$0x3F9D] =	sst lr;
	_ =	strace $0xD0000000  }
0x3: {  	_ = 	snop  }
0x4: {  	_ = 	snop  }
0x5: {  	_ = 	snop  }
0x6: {  	_ = 	snop  }
0x7: {  	_ = 	snop  }
__scs_overlays_trampoline_lowered:
0x8: {  	[smem:$0x3FAC] =	sst s0  }
0x9: {  	[smem:$0x3FAD] =	sst s1  }
0xa: {  	[smem:$0x3FAE] =	sst s2  }
0xb: {  	[smem:$0x3FAF] =	sst s3  }
0xc: {  	[smem:$0x3FB0] =	sst s4  }
0xd: {  	[smem:$0x3FB1] =	sst s5  }
0xe: {  	[smem:$0x3FB2] =	sst s6  }
0xf: {  	[smem:$0x3FB3] =	sst s7  }
0x10: {  	[smem:$0x3FB4] =	sst s8  }
0x11: {  	[smem:$0x3FB5] =	sst s9;
	s0 =	simm.s32 @!p0 $0x0  }
0x12: {  	s1 =	sld [smem:$0x3F9B];
	s0 =	simm.s32 @p0 $0x1  }
0x13: {  	[smem:$0x3FB6] =	sst s0;
	s0 =	simm.s32 @!p1 $0x0  }
0x14: {  	s2 =	sld [smem:$0x3F9A];
	s0 =	simm.s32 @p1 $0x1  }
0x15: {  	[smem:$0x3FB7] =	sst s0;
	s0 =	simm.s32 @!p2 $0x0  }
0x16: {  	s3 =	sld [smem:$0x3FDB];
	s0 =	simm.s32 @p2 $0x1  }
0x17: {  	s4 =	simm.s32 $0x1BF5;
	[smem:$0x3FB9] =	sst s0  }
0x18: {  	s0 =	sld [smem:$0x3F9C];
	_ =	swait.ge [sflag:s4], $0x0  }
0x19: {  	s7 =	sld [smem:$0x3F9D]  }
0x1a: {  	s8 =	sadd.s32 $0xFFFFE003, lr  }
0x1b: {  	s9 =	sadd.s32 $0xFFFFFEF7, lr;
	s5 =	simm.s32 $0xFFFFFFFF;
	p2 =	slt.u32 s8, $0xFFFFF086  }
0x1c: {  	p1 =	slt.u32 s9, $0xF7A;
	s5 =	simm.s32 @!p2 $0x0  }
0x1d: {  	s5 =	simm.s32 @p1 $0x1;
	p0 =	seq.s32 s7, s2  }
0x1e: {  	s7 =	smul.u32 @!p0 $0xF7A, s2;
	p2 =	seq.s32 @!p0 s5, $0x0  }
0x1f: {  	s9 =	smul.u32 $0xF7A, s1;
	s8 =	simm.s32 @!p0 $0x1BF5;
	p2 =	por !p2, p0  }
0x20: {  	[sflag:s8] =	ssyncset.s32 @!p0 $0xFFFFF086;
	s6 =	sadd.s32 @!p0 s3, s7;
	s7 =	simm.s32 @!p0 $0x108  }
0x21: {  	s3 =	sadd.s32 s3, s9;
	s6 =	sadd.s32 @!p0 $0x88, s6;
	s7 =	simm.s32 @p2 $0x1082  }
0x22: {  	[simem:s7], [sflag:s8] =	dma.local @!p0 [hbm:s6], $0xF7A  }
0x23: {  	s9 =	sor.u32 $0xD0000000, s2;
	s6 =	simm.s32 $0x108;
	_ =	swait.ge @!p0 [sflag:s8], $0x0  }
0x24: {  	s3 =	sadd.s32 $0x88, s3;
	s6 =	simm.s32 @!p1 $0x1082;
	[sflag:s4] =	ssyncset.s32 $0xFFFFF086  }
0x25: {  	[simem:s6], [sflag:s4] =	dma.local [hbm:s3], $0xF7A  }
0x26: {  	[smem:$0x3F9D] =	sst s1;
	(tag) =	ssettag s2;
	_ =	strace s9  }
0x27: {  	s1 =	sld [smem:$0x3FAD]  }
0x28: {  	s2 =	sld [smem:$0x3FAE]  }
0x29: {  	s4 =	sld [smem:$0x3FB0]  }
0x2a: {  	p0 =	seq.s32 s5, $0x0;
	s5 =	sld [smem:$0x3FB1]  }
0x2b: {  	s6 =	sld [smem:$0x3FB2]  }
0x2c: {  	s7 =	sld [smem:$0x3FB3]  }
0x2d: {  	s3 =	simm.s32 $0x108;
	s8 =	sld [smem:$0x3FB4]  }
0x2e: {  	s3 =	simm.s32 @!p0 $0x1082;
	s9 =	sld [smem:$0x3FB5]  }
0x2f: {  	lr =	sadd.s32 s0, s3;
	s0 =	sld [smem:$0x3FAC]  }
0x30: {  	s3 =	sld [smem:$0x3FAF]  }
0x31: {  	[smem:$0x3FB8] =	sst s10  }
0x32: {  	s10 =	sld [smem:$0x3FB6];
	_ =	sdelay $0x3  }
0x33: {  	p0 =	seq.s32 s10, $0x1;
	s10 =	sld [smem:$0x3FB8];
	_ =	sdelay $0x3  }
0x34: {  	[smem:$0x3FB8] =	sst s10  }
0x35: {  	s10 =	sld [smem:$0x3FB7];
	_ =	sdelay $0x3  }
0x36: {  	p1 =	seq.s32 s10, $0x1;
	s10 =	sld [smem:$0x3FB8];
	_ =	sdelay $0x3  }
0x37: {  	[smem:$0x3FB8] =	sst s10  }
0x38: {  	s10 =	sld [smem:$0x3FB9]  }
0x39: {  	_ = 	snop;
	(pc) =	sbr.ind lr, $3  }
0x3a: {  	_ = 	snop  }
0x3b: {  	_ = 	snop  }
0x3c: {  	p2 =	seq.s32 s10, $0x1;
	s10 =	sld [smem:$0x3FB8]  }
0x3d: {  	_ =	shalt  }
0x3e: {  	_ =	shalt  }
0x3f: {  	_ =	shalt  }
0x40: {  	_ =	shalt  }
0x41: {  	_ =	shalt  }
0x42: {  	_ =	shalt  }
0x43: {  	_ =	shalt  }
0x44: {  	_ =	shalt  }
0x45: {  	_ =	shalt  }
0x46: {  	_ =	shalt  }
0x47: {  	_ =	shalt  }
0x48: {  	_ =	shalt  }
0x49: {  	_ =	shalt  }
0x4a: {  	_ =	shalt  }
0x4b: {  	_ =	shalt  }
0x4c: {  	_ =	shalt  }
0x4d: {  	_ =	shalt  }
0x4e: {  	_ =	shalt  }
0x4f: {  	_ =	shalt  }
0x50: {  	_ =	shalt  }
0x51: {  	_ =	shalt  }
0x52: {  	_ =	shalt  }
0x53: {  	_ =	shalt  }
0x54: {  	_ =	shalt  }
0x55: {  	_ =	shalt  }
0x56: {  	_ =	shalt  }
0x57: {  	_ =	shalt  }
0x58: {  	_ =	shalt  }
0x59: {  	_ =	shalt  }
0x5a: {  	_ =	shalt  }
0x5b: {  	_ =	shalt  }
0x5c: {  	_ =	shalt  }
0x5d: {  	_ =	shalt  }
0x5e: {  	_ =	shalt  }
0x5f: {  	_ =	shalt  }
0x60: {  	_ =	shalt  }
0x61: {  	_ =	shalt  }
0x62: {  	_ =	shalt  }
0x63: {  	_ =	shalt  }
0x64: {  	_ =	shalt  }
0x65: {  	_ =	shalt  }
0x66: {  	_ =	shalt  }
0x67: {  	_ =	shalt  }
0x68: {  	_ =	shalt  }
0x69: {  	_ =	shalt  }
0x6a: {  	_ =	shalt  }
0x6b: {  	_ =	shalt  }
0x6c: {  	_ =	shalt  }
0x6d: {  	_ =	shalt  }
0x6e: {  	_ =	shalt  }
0x6f: {  	_ =	shalt  }
0x70: {  	_ =	shalt  }
0x71: {  	_ =	shalt  }
0x72: {  	_ =	shalt  }
0x73: {  	_ =	shalt  }
0x74: {  	_ =	shalt  }
0x75: {  	_ =	shalt  }
0x76: {  	_ =	shalt  }
0x77: {  	_ =	shalt  }
0x78: {  	_ =	shalt  }
0x79: {  	_ =	shalt  }
0x7a: {  	_ =	shalt  }
0x7b: {  	_ =	shalt  }
0x7c: {  	_ =	shalt  }
0x7d: {  	_ =	shalt  }
0x7e: {  	_ =	shalt  }
0x7f: {  	_ =	shalt  }
0x80: {  	_ =	shalt  }
0x81: {  	_ =	shalt  }
0x82: {  	_ =	shalt  }
0x83: {  	_ =	shalt  }
0x84: {  	_ =	shalt  }
0x85: {  	_ =	shalt  }
0x86: {  	_ =	shalt  }
0x87: {  	_ =	shalt  }
.Lfunc_end0:
.L_simem_size_0:
called_computation_lowered:
.L_overlay_start_0:
0x88: {  	s2 =	sld [smem:$0x3FD9]  }
0x89: {  	s3 =	sld [smem:$0x3FFE];
	_ =	sdelay $0x1  }
0x8a: {  	s1 =	srdreg.scid  }
0x8b: {  	s0 =	sand.u32 $0x1, s1  }
0x8c: {  	s17 =	sshll.u32 s0, $0xA;
	s2 =	sadd.s32 s3, s2  }
0x8d: {  	s2 =	sadd.s32 s2, s17  }
0x8e: {  	[smem:$0x3FC4] =	sst s2  }
0x8f: {  	_ = 	snop  }
0x90: {  	s2 =	sld [smem:$0x3FC7]  }
0x91: {  	s18 =	sld [smem:$0x3FD0];
	(tm) =	ssettm $0x1  }
0x92: {  	s4 =	sld [smem:$0x3FFB];
	_ =	sdelay $0x3  }
0x93: {  	_ =	strace s4  }
0x94: {  	s4 =	sld [smem:$0x3FFC];
	_ =	sdelay $0x3  }
0x95: {  	_ =	strace s4  }
0x96: {  	s4 =	sld [smem:$0x3FFD];
	_ =	sdelay $0x3  }
0x97: {  	_ =	strace s4  }
0x98: {  	_ =	strace $0x8FFFFFFF  }
0x99: {  	s19 =	sld [smem:$0x3FDB];
	_ =	sdelay $0x1  }
0x9a: {  	s5 =	simm.s32 $_scs_section_size  }
0x9b: {  	s6 =	simm.s32 $_size__tile_overlayer_lowered;
	s7 =	simm.s32 $_tile_overlayer_lowered  }
0x9c: {  	s22 =	simm.s32 $0x1BFF;
	s21 =	sshll.u32 s7, $0x1;
	s4 =	sadd.s32 s5, s19  }
0x9d: {  	s8 =	simm.s32 $0x0;
	s20 =	sshll.u32 s6, $0x1;
	s6 =	sadd.s32 s21, s4  }
0x9e: {  	[timem:s8], [sflag:s22] =	dma.local [hbm:s6], s20  }
0x9f: {  	_ =	swait.ge [sflag:s22], s20  }
0xa0: {  	s5 =	ssub.s32 $0x0, s20;
	[sflag:s22] =	ssyncset.done $0x0  }
0xa1: {  	[sflag:s22] =	ssyncadd.s32 s5;
	_ =	sdelay $0x1  }
0xa2: {  	s23 =	simm.s32 $0x1B8B  }
0xa3: {  	_ =	swait.ge [sflag:s23], $0x1  }
0xa4: {  	[sflag:s23] =	ssyncset.done $0x0  }
0xa5: {  	s25 =	simm.s32 $0x1B8E;
	s24 =	sld [smem:$0x3FFE];
	[sflag:s23] =	ssyncadd.s32 $0xFFFFFFFF  }
0xa6: {  	s26 =	simm.s32 $execute0_lowered;
	[smem:$0x3FD2] =	sst s25  }
0xa7: {  	s6 =	sshll.u32 s26, $0x1;
	_ =	strace $0x80000046;
	[dreg:$0x1] =	wrdreg $0xFFFFFFFF  }
0xa8: {  	s28 =	simm.s32 $_size_execute0_lowered;
	s4 =	sadd.s32 s4, s6;
	[dreg:$0x0] =	wrdreg $0x0  }
0xa9: {  	s6 =	sshll.u32 s28, $0x1;
	[dreg:$0x2] =	wrdreg s4  }
0xaa: {  	[dreg:$0x3] =	wrdreg s6  }
0xab: {  	[dreg:$0x4] =	wrdreg $0xC0  }
0xac: {  	_ =	task [dreg:s8], $0x5FFFF  }
0xad: {  	[dreg:$0x1] =	wrdreg $0xFFFFFFFF  }
0xae: {  	[dreg:$0x0] =	wrdreg $0x60  }
0xaf: {  	[dreg:$0x2] =	wrdreg s2  }
0xb0: {  	[dreg:$0x3] =	wrdreg s18  }
0xb1: {  	[dreg:$0x4] =	wrdreg s24  }
0xb2: {  	[dreg:$0x5] =	wrdreg $0x9  }
0xb3: {  	_ =	task.clear_ibuf [dreg:s8], $0x6FFFF;
	_ =	strace $0x90000046  }
0xb4: {  	s29 =	simm.s32 $0x9;
	_ =	strace $0x80000048  }
0xb5: {  	_ =	swait.ge [sflag:s29], $0x1  }
0xb6: {  	[sflag:s29] =	ssyncadd.s32 $0xFFFFFFFF  }
0xb7: {  	_ =	strace $0x90000048  }
0xb8: {  	_ =	sfence  }
0xb9: {  	s30 =	sld [smem:$0x0];
	_ =	sdelay $0x2  }
0xba: {  	s31 =	sshll.u32 s1, $0xD;
	s1 =	sshrl.u32 s1, $0x2  }
0xbb: {  	s3 =	sand.u32 $0x4000, s31;
	s1 =	sadd.s32 s1, s30  }
0xbc: {  	s0 =	sor.u32 s3, s0;
	s1 =	sshll.u32 s1, $0x11  }
0xbd: {  	s0 =	sor.u32 s1, s0  }
0xbe: {  	s0 =	sadd.s32 $0x8F2B, s0  }
0xbf: {  	[sflag:s0] =	ssyncadd.remote.s32 $0x1  }
0xc0: {  	_ =	sfence.sel $0xFFFF  }
0xc1: {  	[dreg:$0x0] =	wrdreg $0xFFFFFFFF;
	(pc) =	sbr.abs _section_cstart, $3  }
0xc2: {  	[dreg:$0x1] =	wrdreg $0xFFFFFFFF  }
0xc3: {  	_ =	task.clear_ibuf [dreg:s8], $0x2FFFF;
	_ =	strace $0x9FFFFFFF  }
0xc4: {  	(tm) =	ssettm $0x7FFFFFFF  }
0xc5: {  	_ =	shalt  }
tec
execute0_lowered:
.L_overlay_start_1:
0x0: {  	(tag) =	ssettag $0x1  }
0x1: {  	v0 =	vimm.s32 $0x1780;
	vm0 =	vcmask $0x300;
	v1 =	vimm.s32 $0x4380  }
0x2: {  	vm1 =	vcmask $0x704;
	v0 =	vsel vm0, $0x0, v0;
	v1 =	vsel vm0, $0x0, v1  }
0x3: {  	vm15 =	vcmask $0xB08;
	v0 =	vsel vm1, $0x80, v0;
	v1 =	vsel vm1, $0x80, v1  }
0x4: {  	vm4 =	vcmask $0xF0C;
	v0 =	vsel vm15, $0x100, v0;
	v1 =	vsel vm15, $0x100, v1  }
0x5: {  	vm5 =	vcmask $0x1310;
	v0 =	vsel vm4, $0x180, v0;
	v1 =	vsel vm4, $0x180, v1  }
0x6: {  	vm6 =	vcmask $0x1714;
	v0 =	vsel vm5, $0x200, v0;
	v1 =	vsel vm5, $0x200, v1  }
0x7: {  	vm7 =	vcmask $0x1B18;
	v0 =	vsel vm6, $0x280, v0;
	v1 =	vsel vm6, $0x280, v1  }
0x8: {  	vm8 =	vcmask $0x1F1C;
	v0 =	vsel vm7, $0x300, v0;
	v1 =	vsel vm7, $0x300, v1  }
0x9: {  	s0 =	rddreg [dreg:$0x2];
	s2 =	simm.s32 $0x0;
	s1 =	srdreg.scid;
	vm9 =	vcmask $0x2320;
	v0 =	vsel vm8, $0x380, v0;
	v1 =	vsel vm8, $0x380, v1  }
0xa: {  	s3 =	stileid.u32;
	vm10 =	vcmask $0x2724;
	[smem:$0x7FF] =	sst s2;
	s1 =	sand.u32 $0x1, s1;
	v0 =	vsel vm9, $0x1400, v0;
	v1 =	vsel vm9, $0x4000, v1  }
0xb: {  	vm11 =	vcmask $0x2B28;
	s3 =	sshll.u32 s3, $0x8;
	s29 =	ssub.s32 $0x2, s1;
	s1 =	sshll.u32 s1, $0x7;
	v0 =	vsel vm10, $0x1480, v0;
	v1 =	vsel vm10, $0x4080, v1  }
0xc: {  	vm12 =	vcmask $0x2F2C;
	s30 =	sadd.s32 $0x2000, s0;
	_ =	strace $0x80000047;
	s1 =	sor.u32 s1, s3;
	v0 =	vsel vm11, $0x1500, v0;
	v1 =	vsel vm11, $0x4100, v1  }
0xd: {  	vm13 =	vcmask $0x3330;
	[dreg:$0x4] =	wrdreg s30;
	s4 =	sshrl.u32 s29, $0x1;
	s0 =	sadd.s32 s0, s1;
	v0 =	vsel vm12, $0x1580, v0;
	v1 =	vsel vm12, $0x4180, v1  }
0xe: {  	vm14 =	vcmask $0x3734;
	s2 =	ssub.s32 s29, s4;
	[dreg:$0x5] =	wrdreg s0;
	s0 =	sadd.s32 $0x1000, s0;
	v0 =	vsel vm13, $0x1600, v0;
	v1 =	vsel vm13, $0x4200, v1  }
0xf: {  	vm15 =	vcmask $0x3B38;
	s31 =	smax.u32 s2, $0x1;
	[dreg:$0x6] =	wrdreg s0;
	v2 =	vsel vm14, $0x1680, v0;
	v3 =	vsel vm14, $0x4280, v1  }
0x10: {  	s14 =	simm.s32 $0x3;
	s5 =	simm.s32 $0x0;
	[dreg:$0x7] =	wrdreg s31;
	v0 =	vimm.s32 $0x0;
	v1 =	vsel vm15, $0x1700, v2;
	v2 =	vsel vm15, $0x4300, v3  }
.LBB2_1:
0x11: {  	s1 =	simm.s32 $0x0;
	s0 =	rddreg [dreg:$0x5];
	s2 =	simm.s32 $0x4  }
0x12: {  	[tilespmem:s1], [sflag:$0x4] =	stream.linear.gather [hbm4b:s0+s1], $0x400, $0x38;
	[tilespmem:$0x17000] =	vst v63  }
0x13: {  	_ =	swait.ge [sflag:s2], $0x400  }
0x14: {  	[sflag:s2] =	ssyncset.done $0x0  }
0x15: {  	s3 =	simm.s32 $0x400;
	s23 =	rddreg [dreg:$0x6];
	[sflag:s2] =	ssyncadd.s32 $0xFFFFFC00  }
0x16: {  	[tilespmem:s3], [sflag:$0x4] =	stream.linear.gather [hbm4b:s23+s1], $0x400, $0x38;
	[tilespmem:$0x17000] =	vst v63  }
0x17: {  	_ =	swait.ge [sflag:s2], $0x400  }
0x18: {  	[sflag:s2] =	ssyncset.done $0x0  }
0x19: {  	[sflag:s2] =	ssyncadd.s32 $0xFFFFFC00  }
0x1a: {  	s25 =	simm.s32 $0x10800;
	s24 =	rddreg [dreg:$0x1]  }
0x1b: {  	[tilespmem:s25], [sflag:$0x4] =	stream.linear.gather [hbm4b:s24+s1], $0x2800, $0x38;
	[tilespmem:$0x17000] =	vst v63  }
0x1c: {  	_ =	swait.ge [sflag:s2], $0x2800  }
0x1d: {  	[sflag:s2] =	ssyncset.done $0x0  }
0x1e: {  	[sflag:s2] =	ssyncadd.s32 $0xFFFFD800  }
0x1f: {  	v3 =	vld [tilespmem:$0x0];
	_ =	sdelay $0x4  }
0x20: {  	(v2sf) =	vpush v3, $0x0;
	_ =	sdelay $0xe  }
0x21: {  	s26 =	spop (v2sf)  }
0x22: {  	s28 =	sand.u32 $0x7FF, s26  }
0x23: {  	s29 =	sshra.s32 s26, $0x1F;
	p0 =	slt.s32 s26, $0x1;
	p1 =	sne.s32 s28, $0x0  }
0x24: {  	s30 =	sshrl.u32 s29, $0x15;
	p0 =	por !p0, !p1  }
0x25: {  	s1 =	simm.s32 $0x1;
	s0 =	sadd.s32 s30, s26;
	p0 =	por !p0, !p0  }
0x26: {  	s0 =	sshra.s32 s0, $0xB;
	s1 =	simm.s32 @!p0 $0x0  }
0x27: {  	s0 =	ssub.s32 s0, s1  }
0x28: {  	p0 =	slt.s32 s0, $0x1E7;
	s23 =	smov.u32 s0  }
0x29: {  	s23 =	simm.s32 @!p0 $0x1E7  }
0x2a: {  	s31 =	sshrl.u32 s23, $0x1F  }
0x2b: {  	s1 =	sadd.s32 s31, s23  }
0x2c: {  	s1 =	sand.u32 $0xFFFFFFFE, s1  }
0x2d: {  	s1 =	ssub.s32 s23, s1  }
0x2e: {  	p0 =	seq.s32 s1, $0x0  }
.Ltmp0:
0x2f: {  	_ = 	snop;
	(pc) =	sbr.rel @p0 .LBB2_2-.Ltmp0, $1  }
0x30: {  	_ =	sdelay $0x3  }
0x31: {  	p0 =	sne.s32 s1, $0x1  }
.Ltmp1:
0x32: {  	_ = 	snop;
	(pc) =	sbr.rel @p0 .LBB2_6-.Ltmp1, $1  }
0x33: {  	_ =	sdelay $0x3  }
.Ltmp2:
0x34: {  	(pc) =	sbr.rel .LBB2_5-.Ltmp2, $2  }
0x35: {  	_ =	sdelay $0x2  }
0x36: {  	s1 =	simm.s32 $0x8800  }
.LBB2_2:
0x37: {  	s1 =	simm.s32 $0x800  }
.LBB2_5:
0x38: {  	s2 =	sshll.u32 s23, $0xB  }
0x39: {  	s3 =	rddreg [dreg:$0x0];
	s30 =	simm.s32 $0x4000;
	s2 =	sand.u32 $0x1FFFF800, s2  }
0x3a: {  	s4 =	simm.s32 $0x7A1400;
	s31 =	simm.s32 $0x4;
	s2 =	sadd.s32 s3, s2  }
0x3b: {  	[tilespmem:s1], [sflag:$0x4] =	stream.strided.gather [hbm4b:s2+s30], $0x8000, s4, s30, $0x38;
	[tilespmem:$0x17000] =	vst v63  }
0x3c: {  	_ =	swait.ge [sflag:s31], $0x8000  }
0x3d: {  	[sflag:s31] =	ssyncset.done $0x0  }
0x3e: {  	[sflag:s31] =	ssyncadd.s32 $0xFFFF8000  }
.LBB2_6:
0x3f: {  	p0 =	slt.s32 s0, $0x1E6  }
0x40: {  	s0 =	simm.s32 @!p0 $0x1E6  }
0x41: {  	s17 =	sadd.s32 $0x1, s0  }
0x42: {  	s0 =	sshrl.u32 s17, $0x1F  }
0x43: {  	s0 =	sadd.s32 s0, s17  }
0x44: {  	s0 =	sand.u32 $0xFFFFFFFE, s0  }
0x45: {  	s0 =	ssub.s32 s17, s0  }
0x46: {  	p0 =	seq.s32 s0, $0x1  }
0x47: {  	[dreg:$0x8] =	wrdreg s5;
	s1 =	sshll.u32 @p0 s17, $0xB;
	s2 =	simm.s32 @p0 $0x4000  }
0x48: {  	s5 =	rddreg [dreg:$0x0];
	s3 =	simm.s32 @p0 $0x7A1400;
	s1 =	sand.u32 @p0 $0x1FFFF800, s1  }
0x49: {  	s4 =	simm.s32 @p0 $0x8800;
	p1 =	sne.s32 @!p0 s0, $0x0;
	s1 =	sadd.s32 @p0 s5, s1  }
0x4a: {  	[tilespmem:s4], [sflag:$0x2] =	stream.strided.gather @p0 [hbm4b:s1+s2], $0x8000, s3, s2, $0x38;
	[tilespmem:$0x17000] =	vst v63  }
.Ltmp3:
0x4b: {  	p0 =	por p1, p0;
	(pc) =	sbr.rel .LBB2_7-.Ltmp3, $4  }
0x4c: {  	s0 =	sshll.u32 @!p0 s17, $0xB  }
0x4d: {  	s20 =	simm.s32 $0x0;
	s1 =	simm.s32 @!p0 $0x4000;
	s0 =	sand.u32 @!p0 $0x1FFFF800, s0  }
0x4e: {  	s2 =	simm.s32 @!p0 $0x7A1400;
	s3 =	simm.s32 @!p0 $0x800;
	s0 =	sadd.s32 @!p0 s5, s0  }
0x4f: {  	[tilespmem:s3], [sflag:$0x1] =	stream.strided.gather @!p0 [hbm4b:s0+s1], $0x8000, s2, s1, $0x38;
	[tilespmem:$0x17000] =	vst v63  }
.LBB2_24:
0x50: {  	s20 =	rddreg [dreg:$0x9]  }
0x51: {  	s20 =	sadd.s32 $0x1, s20  }
0x52: {  	p0 =	sne.s32 s20, $0x40  }
.Ltmp4:
0x53: {  	_ = 	snop;
	(pc) =	sbr.rel @!p0 .LBB2_25-.Ltmp4, $1  }
0x54: {  	_ =	sdelay $0x3  }
.LBB2_7:
0x55: {  	s0 =	sshll.u32 s20, $0x4  }
0x56: {  	v4 =	vld [tilespmem:s0+$0x0];
	_ =	sdelay $0x4  }
0x57: {  	v3 =	vshra.s32 v4, $0x1F;
	v5 =	vand.u32 $0x7FF, v4  }
0x58: {  	vm0 =	vlt.s32 v4, $0x1;
	v3 =	vshrl.u32 v3, $0x15;
	vm1 =	vne.s32 v5, $0x0  }
0x59: {  	v3 =	vadd.s32 v3, v4;
	vm0 =	vmand vm0, vm1  }
0x5a: {  	v3 =	vshra.s32 v3, $0xB;
	v5 =	vsel vm0, $0xFFFFFFFF, v0  }
0x5b: {  	vm15 =	vgt.s32 v4, $0xF3FBF;
	v3 =	vadd.s32 v5, v3  }
0x5c: {  	v5 =	vsel vm15, $0x1E8, v3  }
0x5d: {  	v3 =	vxor.u32 $0x80000000, v5  }
0x5e: {  	(xrf0) =	vmin.scan.msk.u32 $0xffff, v3  }
0x5f: {  	(xrf0) =	vmax.scan.msk.u32 $0xffff, v3;
	_ =	sdelay $0x4  }
0x60: {  	v3, _, _ =	vpop (xrf0)  }
0x61: {  	(v2sf) =	vpush v3, $0xF;
	v3, _, _ =	vpop (xrf0)  }
0x62: {  	(v2sf) =	vpush v3, $0xF;
	_ =	sdelay $0xd  }
0x63: {  	s2 =	spop (v2sf)  }
0x64: {  	s1 =	spop (v2sf)  }
0x65: {  	s19 =	sxor.u32 $0x80000000, s2;
	s1 =	sadd.s32 $0x80000001, s1  }
0x66: {  	p0 =	sge.s32 s19, s1  }
.Ltmp5:
0x67: {  	_ = 	snop;
	(pc) =	sbr.rel @p0 .LBB2_24-.Ltmp5, $3  }
0x68: {  	_ =	sdelay $0x1  }
0x69: {  	[dreg:$0x9] =	wrdreg s20  }
0x6a: {  	[dreg:$0xa] =	wrdreg s1  }
0x6b: {  	v3 =	vld [tilespmem:s0+$0x400]  }
0x6c: {  	(v2sf) =	vpush v5, $0x0  }
0x6d: {  	(v2sf) =	vpush v4, $0x0;
	_ =	sdelay $0x2  }
0x6e: {  	v3 =	vshll.u32 v3, $0x1  }
0x6f: {  	(v2sf) =	vpush v3, $0x0  }
0x70: {  	(v2sf) =	vpush v5, $0x1  }
0x71: {  	(v2sf) =	vpush v4, $0x1  }
0x72: {  	(v2sf) =	vpush v3, $0x1  }
0x73: {  	(v2sf) =	vpush v5, $0x2  }
0x74: {  	(v2sf) =	vpush v4, $0x2  }
0x75: {  	(v2sf) =	vpush v3, $0x2  }
0x76: {  	(v2sf) =	vpush v5, $0x3  }
0x77: {  	(v2sf) =	vpush v4, $0x3  }
0x78: {  	(v2sf) =	vpush v3, $0x3  }
0x79: {  	s7 =	spop (v2sf)  }
0x7a: {  	(v2sf) =	vpush v5, $0x4;
	s18 =	spop (v2sf)  }
0x7b: {  	[dreg:$0x1f] =	wrdreg s2;
	s2 =	sadd.s32 $0xFFF0C040, s18  }
0x7c: {  	(v2sf) =	vpush v4, $0x4;
	p0 =	sgt.s32 s2, $0x0  }
0x7d: {  	(v2sf) =	vpush v3, $0x4;
	s2 =	simm.s32 @!p0 $0x0  }
0x7e: {  	[dreg:$0xb] =	wrdreg s7;
	s2 =	smin.u32 s2, $0x27F;
	s1 =	spop (v2sf)  }
0x7f: {  	s7 =	sshll.u32 s7, $0xB;
	(v2sf) =	vpush v5, $0x5;
	[smem:$0x7E1] =	sst s2;
	s8 =	spop (v2sf)  }
0x80: {  	s29 =	ssub.s32 s18, s7;
	(v2sf) =	vpush v4, $0x5;
	[smem:$0x7E7] =	sst s1;
	s20 =	spop (v2sf)  }
0x81: {  	[dreg:$0xc] =	wrdreg s8;
	s7 =	sshll.u32 s8, $0xB;
	s3 =	spop (v2sf)  }
0x82: {  	(v2sf) =	vpush v3, $0x5;
	s30 =	ssub.s32 s20, s7;
	[smem:$0x7E8] =	sst s3;
	s9 =	spop (v2sf)  }
0x83: {  	s21 =	spop (v2sf);
	[dreg:$0xd] =	wrdreg s9;
	s8 =	sshll.u32 s9, $0xB  }
0x84: {  	(v2sf) =	vpush v5, $0x6;
	s4 =	spop (v2sf);
	s5 =	sadd.s32 $0xFFF0C040, s21;
	s28 =	ssub.s32 s21, s8  }
0x85: {  	(v2sf) =	vpush v4, $0x6;
	[smem:$0x7E9] =	sst s4;
	s4 =	sadd.s32 $0xFFF0C040, s20;
	s10 =	spop (v2sf)  }
0x86: {  	(v2sf) =	vpush v3, $0x6;
	p0 =	sgt.s32 s4, $0x0;
	s22 =	spop (v2sf);
	[dreg:$0xe] =	wrdreg s10  }
0x87: {  	(v2sf) =	vpush v5, $0x7;
	s9 =	sshll.u32 s10, $0xB;
	s4 =	simm.s32 @!p0 $0x0;
	s6 =	spop (v2sf)  }
0x88: {  	(v2sf) =	vpush v4, $0x7;
	p0 =	sgt.s32 s5, $0x0;
	[smem:$0x7EA] =	sst s6;
	s4 =	smin.u32 s4, $0x27F  }
0x89: {  	s11 =	spop (v2sf);
	s5 =	simm.s32 @!p0 $0x0;
	[smem:$0x7E2] =	sst s4  }
0x8a: {  	(v2sf) =	vpush v3, $0x7;
	s4 =	sadd.s32 $0xFFF0C040, s22;
	s5 =	smin.u32 s5, $0x27F;
	[dreg:$0xf] =	wrdreg s11  }
0x8b: {  	(v2sf) =	vpush v5, $0x8;
	s24 =	spop (v2sf);
	s11 =	sshll.u32 s11, $0xB;
	[smem:$0x7E3] =	sst s5  }
0x8c: {  	(v2sf) =	vpush v4, $0x8;
	p0 =	sgt.s32 s4, $0x0;
	s25 =	spop (v2sf);
	s5 =	sadd.s32 $0xFFF0C040, s24  }
0x8d: {  	s24 =	ssub.s32 s24, s11;
	[smem:$0x7EB] =	sst s25;
	s4 =	simm.s32 @!p0 $0x0  }
0x8e: {  	(v2sf) =	vpush v3, $0x8;
	s12 =	spop (v2sf);
	p0 =	sgt.s32 s5, $0x0;
	s25 =	ssub.s32 s22, s9  }
0x8f: {  	(v2sf) =	vpush v5, $0x9;
	s4 =	smin.u32 s4, $0x27F;
	s26 =	spop (v2sf);
	[dreg:$0x10] =	wrdreg s12  }
0x90: {  	(v2sf) =	vpush v4, $0x9;
	s5 =	simm.s32 @!p0 $0x0;
	s15 =	sshll.u32 s12, $0xB;
	[smem:$0x7E4] =	sst s4  }
0x91: {  	(v2sf) =	vpush v3, $0x9;
	s13 =	spop (v2sf);
	s11 =	ssub.s32 s26, s15;
	s1 =	sadd.s32 $0xFFF0C040, s26  }
0x92: {  	(v2sf) =	vpush v5, $0xA;
	s18 =	smin.u32 s5, $0x27F;
	[smem:$0x7EC] =	sst s13;
	p0 =	sgt.s32 s1, $0x0  }
0x93: {  	(v2sf) =	vpush v4, $0xA;
	[smem:$0x7E5] =	sst s18;
	s10 =	spop (v2sf);
	s1 =	simm.s32 @!p0 $0x0  }
0x94: {  	s13 =	spop (v2sf);
	[dreg:$0x11] =	wrdreg s10;
	s3 =	sshll.u32 s10, $0xB  }
0x95: {  	(v2sf) =	vpush v3, $0xA;
	s1 =	smin.u32 s1, $0x27F;
	s16 =	spop (v2sf);
	s26 =	ssub.s32 s13, s3  }
0x96: {  	(v2sf) =	vpush v5, $0xB;
	s0 =	sadd.s32 $0xFFF0C040, s13;
	[smem:$0x7E6] =	sst s1;
	s20 =	spop (v2sf)  }
0x97: {  	(v2sf) =	vpush v4, $0xB;
	[smem:$0x7ED] =	sst s16;
	p0 =	sgt.s32 s0, $0x0;
	s21 =	spop (v2sf)  }
0x98: {  	(v2sf) =	vpush v3, $0xB;
	s0 =	simm.s32 @!p0 $0x0;
	[dreg:$0x12] =	wrdreg s20;
	s7 =	sshll.u32 s20, $0xB  }
0x99: {  	s22 =	spop (v2sf);
	s31 =	ssub.s32 s21, s7;
	s2 =	sadd.s32 $0xFFF0C040, s21  }
0x9a: {  	(v2sf) =	vpush v5, $0xC;
	s16 =	smin.u32 s0, $0x27F;
	s1 =	spop (v2sf);
	p0 =	sgt.s32 s2, $0x0  }
0x9b: {  	(v2sf) =	vpush v4, $0xC;
	[smem:$0x7F1] =	sst s22;
	s6 =	spop (v2sf);
	s2 =	simm.s32 @!p0 $0x0  }
0x9c: {  	(v2sf) =	vpush v3, $0xC;
	[dreg:$0x13] =	wrdreg s1;
	s13 =	sshll.u32 s1, $0xB;
	s1 =	sadd.s32 $0xFFF0C040, s6  }
0x9d: {  	(v2sf) =	vpush v5, $0xD;
	s8 =	spop (v2sf);
	s10 =	ssub.s32 s6, s13;
	p0 =	sgt.s32 s1, $0x0  }
0x9e: {  	(v2sf) =	vpush v4, $0xD;
	[smem:$0x7F2] =	sst s8;
	s9 =	spop (v2sf);
	s1 =	simm.s32 @!p0 $0x0  }
0x9f: {  	[dreg:$0x14] =	wrdreg s9;
	s21 =	sshll.u32 s9, $0xB;
	s12 =	spop (v2sf)  }
0xa0: {  	(v2sf) =	vpush v3, $0xD;
	s13 =	smin.u32 s1, $0x27F;
	s15 =	spop (v2sf);
	s9 =	ssub.s32 s12, s21  }
0xa1: {  	(v2sf) =	vpush v5, $0xE;
	s0 =	sadd.s32 $0xFFF0C040, s12;
	[smem:$0x7F3] =	sst s15;
	s18 =	spop (v2sf)  }
0xa2: {  	(v2sf) =	vpush v4, $0xE;
	s15 =	smin.u32 s2, $0x27F;
	p0 =	sgt.s32 s0, $0x0;
	s20 =	spop (v2sf)  }
0xa3: {  	(v2sf) =	vpush v3, $0xE;
	s0 =	simm.s32 @!p0 $0x0;
	[dreg:$0x15] =	wrdreg s18;
	s18 =	sshll.u32 s18, $0xB  }
0xa4: {  	s22 =	spop (v2sf);
	s8 =	ssub.s32 s20, s18;
	s2 =	sadd.s32 $0xFFF0C040, s20  }
0xa5: {  	(v2sf) =	vpush v5, $0xF;
	s12 =	smin.u32 s0, $0x27F;
	s1 =	spop (v2sf);
	p0 =	sgt.s32 s2, $0x0  }
0xa6: {  	(v2sf) =	vpush v4, $0xF;
	[smem:$0x7F7] =	sst s22;
	s6 =	spop (v2sf);
	s2 =	simm.s32 @!p0 $0x0  }
0xa7: {  	[dreg:$0x16] =	wrdreg s1;
	s7 =	sshll.u32 s1, $0xB;
	s20 =	spop (v2sf)  }
0xa8: {  	s7 =	ssub.s32 s6, s7;
	s1 =	sadd.s32 $0xFFF0C040, s6;
	s2 =	smin.u32 s2, $0x27F  }
0xa9: {  	[smem:$0x7F8] =	sst s20;
	s21 =	spop (v2sf);
	p0 =	sgt.s32 s1, $0x0  }
0xaa: {  	s22 =	spop (v2sf);
	[dreg:$0x17] =	wrdreg s21;
	s21 =	sshll.u32 s21, $0xB  }
0xab: {  	v10 =	vmov s16;
	s1 =	simm.s32 @!p0 $0x0;
	s18 =	spop (v2sf);
	s6 =	ssub.s32 s22, s21  }
0xac: {  	v63 =	vand.u32 $0x7F, v10;
	v10 =	vshll.u32 v10, $0x3;
	s0 =	sadd.s32 $0xFFF0C040, s22;
	s1 =	smin.u32 s1, $0x27F;
	s20 =	spop (v2sf)  }
0xad: {  	v10 =	vand.u32 $0x1C00, v10;
	[smem:$0x7F9] =	sst s18;
	p0 =	sgt.s32 s0, $0x0;
	s22 =	spop (v2sf)  }
0xae: {  	v10 =	vor.u32 v63, v10;
	v12 =	vmov s13;
	v11 =	vmov s15;
	s0 =	simm.s32 @!p0 $0x0;
	[dreg:$0x18] =	wrdreg s20;
	s4 =	sshll.u32 s20, $0xB  }
0xaf: {  	v40 =	vand.u32 $0x7F, v12;
	v12 =	vshll.u32 v12, $0x3;
	v38 =	vshll.u32 v11, $0x3;
	s18 =	spop (v2sf);
	s5 =	ssub.s32 s22, s4;
	s0 =	smin.u32 s0, $0x27F  }
0xb0: {  	v12 =	vand.u32 $0x1C00, v12;
	v11 =	vand.u32 $0x7F, v11;
	v38 =	vand.u32 $0x1C00, v38;
	[smem:$0x7FC] =	sst s18;
	s21 =	spop (v2sf);
	s18 =	sadd.s32 $0xFFF0C040, s22  }
0xb1: {  	v12 =	vor.u32 v40, v12;
	v13 =	vmov s12;
	v11 =	vor.u32 v11, v38;
	s4 =	spop (v2sf);
	p0 =	sgt.s32 s18, $0x0;
	[dreg:$0x19] =	wrdreg s21  }
0xb2: {  	v41 =	vshll.u32 v13, $0x3;
	v13 =	vand.u32 $0x7F, v13;
	v14 =	vmov s2;
	s22 =	sshll.u32 s21, $0xB;
	s20 =	spop (v2sf);
	s18 =	simm.s32 @!p0 $0x0  }
0xb3: {  	v42 =	vshll.u32 v14, $0x3;
	v14 =	vand.u32 $0x7F, v14;
	v15 =	vmov s1;
	s3 =	ssub.s32 s4, s22;
	s21 =	sadd.s32 $0xFFF0C040, s4;
	[smem:$0x7FD] =	sst s20  }
0xb4: {  	v43 =	vshll.u32 v15, $0x3;
	v15 =	vand.u32 $0x7F, v15;
	v17 =	vmov s0;
	s20 =	spop (v2sf);
	p0 =	sgt.s32 s21, $0x0;
	s18 =	smin.u32 s18, $0x27F  }
0xb5: {  	v44 =	vand.u32 $0x1C00, v43;
	v45 =	vand.u32 $0x7F, v17;
	v17 =	vshll.u32 v17, $0x3;
	s22 =	spop (v2sf);
	[dreg:$0x1a] =	wrdreg s20;
	s20 =	sshll.u32 s20, $0xB  }
0xb6: {  	v15 =	vor.u32 v15, v44;
	v17 =	vand.u32 $0x1C00, v17;
	s21 =	simm.s32 @!p0 $0x0;
	v19 =	vmov s18;
	s4 =	ssub.s32 s22, s20;
	s22 =	sadd.s32 $0xFFF0C040, s22  }
0xb7: {  	(v2sf) =	vpush v3, $0xF;
	v17 =	vor.u32 v45, v17;
	s21 =	smin.u32 s21, $0x27F;
	s20 =	sld [smem:$0x7E1];
	v46 =	vshll.u32 v19, $0x3;
	p0 =	sgt.s32 s22, $0x0  }
0xb8: {  	v19 =	vand.u32 $0x7F, v19;
	v21 =	vmov s21;
	v38 =	vand.u32 $0x1C00, v46;
	s22 =	simm.s32 @!p0 $0x0  }
0xb9: {  	p0 =	sgt.s32 s29, $0x0;
	v19 =	vor.u32 v19, v38;
	v47 =	vand.u32 $0x7F, v21;
	v21 =	vshll.u32 v21, $0x3;
	s22 =	smin.u32 s22, $0x27F  }
0xba: {  	s29 =	simm.s32 @!p0 $0x0;
	p0 =	sgt.s32 s30, $0x0;
	v4 =	vmov s20;
	s20 =	sld [smem:$0x7E2];
	v21 =	vand.u32 $0x1C00, v21;
	v23 =	vmov s22  }
0xbb: {  	s30 =	simm.s32 @!p0 $0x0;
	s29 =	smin.u32 s29, $0x7FF;
	v36 =	vand.u32 $0x7F, v4;
	v4 =	vshll.u32 v4, $0x3;
	v21 =	vor.u32 v47, v21  }
0xbc: {  	p0 =	sgt.s32 s28, $0x0;
	s30 =	smin.u32 s30, $0x7FF;
	v25 =	vmov s29;
	v4 =	vand.u32 $0x1C00, v4;
	v48 =	vshll.u32 v23, $0x3  }
0xbd: {  	s28 =	simm.s32 @!p0 $0x0;
	v23 =	vand.u32 $0x7F, v23;
	v5 =	vmov s20;
	v27 =	vmov s30  }
0xbe: {  	p0 =	sgt.s32 s25, $0x0;
	s28 =	smin.u32 s28, $0x7FF;
	v4 =	vor.u32 v36, v4;
	v3 =	vand.u32 $0x7F, v25;
	v25 =	vshll.u32 v25, $0x3  }
0xbf: {  	s25 =	simm.s32 @!p0 $0x0;
	v29 =	vmov s28;
	v30 =	vshll.u32 v5, $0x3;
	v5 =	vand.u32 $0x7F, v5  }
0xc0: {  	p0 =	sgt.s32 s24, $0x0;
	s20 =	sld [smem:$0x7E3];
	s25 =	smin.u32 s25, $0x7FF;
	v49 =	vshll.u32 v27, $0x3;
	v25 =	vand.u32 $0x3C00, v25;
	v27 =	vand.u32 $0x7F, v27  }
0xc1: {  	s24 =	simm.s32 @!p0 $0x0;
	p0 =	sgt.s32 s11, $0x0;
	v31 =	vmov s25;
	v37 =	vand.u32 $0x1C00, v30;
	v25 =	vor.u32 v25, v3  }
0xc2: {  	s15 =	sld [smem:$0x7EB];
	s11 =	simm.s32 @!p0 $0x0;
	s16 =	smin.u32 s24, $0x7FF;
	v50 =	vshll.u32 v29, $0x3;
	v3 =	vadd.s32 v1, v4;
	v29 =	vand.u32 $0x7F, v29  }
0xc3: {  	s18 =	sld [smem:$0x7ED];
	p0 =	sgt.s32 s26, $0x0;
	v6 =	vmov s20;
	s11 =	smin.u32 s11, $0x7FF;
	v32 =	vmov s16;
	v5 =	vor.u32 v5, v37  }
0xc4: {  	s26 =	simm.s32 @!p0 $0x0;
	p0 =	sgt.s32 s31, $0x0;
	s20 =	sld [smem:$0x7E4];
	v51 =	vshll.u32 v31, $0x3;
	v31 =	vand.u32 $0x7F, v31;
	v33 =	vmov s11  }
0xc5: {  	s16 =	sld [smem:$0x7EC];
	s31 =	simm.s32 @!p0 $0x0;
	p0 =	sgt.s32 s10, $0x0;
	v58 =	vand.u32 $0x7F, v6;
	v6 =	vshll.u32 v6, $0x3;
	v4 =	vadd.s32 v1, v5  }
0xc6: {  	v52 =	vshll.u32 v32, $0x3;
	v32 =	vand.u32 $0x7F, v32;
	s11 =	sld [smem:$0x7EA];
	s10 =	simm.s32 @!p0 $0x0;
	v6 =	vand.u32 $0x1C00, v6  }
0xc7: {  	p0 =	sgt.s32 s9, $0x0;
	s22 =	smin.u32 s31, $0x7FF;
	v53 =	vshll.u32 v33, $0x3;
	v33 =	vand.u32 $0x7F, v33;
	v7 =	vmov s20;
	s24 =	smin.u32 s10, $0x7FF  }
0xc8: {  	s20 =	sld [smem:$0x7E5];
	s9 =	simm.s32 @!p0 $0x0;
	v35 =	vmov s22;
	v6 =	vor.u32 v58, v6;
	v16 =	vmov s24  }
0xc9: {  	p0 =	sgt.s32 s8, $0x0;
	s10 =	sld [smem:$0x7E9];
	s9 =	smin.u32 s9, $0x7FF;
	v59 =	vshll.u32 v7, $0x3;
	v7 =	vand.u32 $0x7F, v7;
	v5 =	vadd.s32 v1, v6  }
0xca: {  	s22 =	sld [smem:$0x7F1];
	s8 =	simm.s32 @!p0 $0x0;
	p0 =	sgt.s32 s7, $0x0;
	v55 =	vshll.u32 v35, $0x3;
	v35 =	vand.u32 $0x7F, v35;
	v18 =	vmov s9  }
0xcb: {  	s7 =	simm.s32 @!p0 $0x0;
	p0 =	sgt.s32 s6, $0x0;
	s25 =	smin.u32 s8, $0x7FF;
	v37 =	vand.u32 $0x1C00, v59;
	v56 =	vshll.u32 v16, $0x3;
	v8 =	vmov s20  }
0xcc: {  	s20 =	sld [smem:$0x7E6];
	s6 =	simm.s32 @!p0 $0x0;
	v20 =	vmov s25;
	v7 =	vor.u32 v7, v37;
	v37 =	vand.u32 $0x1C00, v41  }
0xcd: {  	s24 =	sld [smem:$0x7F2];
	p0 =	sgt.s32 s5, $0x0;
	s1 =	smin.u32 s6, $0x7FF;
	v60 =	vshll.u32 v8, $0x3;
	v8 =	vand.u32 $0x7F, v8;
	v13 =	vor.u32 v13, v37  }
0xce: {  	s8 =	rddreg [dreg:$0x9];
	s5 =	simm.s32 @!p0 $0x0;
	p0 =	sgt.s32 s3, $0x0;
	v37 =	vand.u32 $0x1C00, v48;
	v6 =	vadd.s32 v1, v7;
	v24 =	vmov s1  }
0xcf: {  	s3 =	simm.s32 @!p0 $0x0;
	s2 =	smin.u32 s5, $0x7FF;
	p0 =	sgt.s32 s4, $0x0;
	v36 =	vand.u32 $0x1C00, v60;
	v23 =	vor.u32 v23, v37;
	v9 =	vmov s20  }
0xd0: {  	s20 =	smin.u32 s26, $0x7FF;
	s26 =	smin.u32 s7, $0x7FF;
	s5 =	smin.u32 s3, $0x7FF;
	v26 =	vmov s2;
	v8 =	vor.u32 v8, v36;
	v36 =	vand.u32 $0x1C00, v42  }
0xd1: {  	s9 =	sld [smem:$0x7E8];
	s4 =	simm.s32 @!p0 $0x0;
	v34 =	vmov s20;
	v22 =	vmov s26;
	v28 =	vmov s5  }
0xd2: {  	s25 =	sld [smem:$0x7F3];
	s6 =	smin.u32 s4, $0x7FF;
	v61 =	vshll.u32 v9, $0x3;
	v9 =	vand.u32 $0x7F, v9;
	v14 =	vor.u32 v14, v36  }
0xd3: {  	s1 =	sshll.u32 s8, $0x8;
	s8 =	sld [smem:$0x7F9];
	v36 =	vand.u32 $0x3C00, v49;
	v7 =	vadd.s32 v1, v8;
	v30 =	vmov s6  }
0xd4: {  	s7 =	sld [smem:$0x7E7];
	v62 =	vand.u32 $0x1C00, v61;
	v27 =	vor.u32 v36, v27;
	v36 =	vand.u32 $0x3C00, v50  }
0xd5: {  	s2 =	sand.u32 $0x1FFFFFFE, s11;
	s4 =	rddreg [dreg:$0x4];
	v54 =	vshll.u32 v34, $0x3;
	v34 =	vand.u32 $0x7F, v34;
	v61 =	vand.u32 $0x7F, v28  }
0xd6: {  	s5 =	sld [smem:$0x7F8];
	s6 =	sand.u32 $0x3FFFFF00, s1;
	v9 =	vor.u32 v9, v62;
	v29 =	vor.u32 v36, v29;
	v36 =	vand.u32 $0x3C00, v51  }
0xd7: {  	s1 =	sand.u32 $0x1FFFFFFE, s10;
	s13 =	sadd.s32 s4, s2;
	s2 =	sand.u32 $0x1FFFFFFE, s18;
	v62 =	vshll.u32 v30, $0x3;
	v63 =	vand.u32 $0x7F, v30;
	v31 =	vor.u32 v36, v31  }
0xd8: {  	s18 =	spop (v2sf);
	s0 =	sand.u32 $0x1FFFFFFE, s7;
	s12 =	sadd.s32 s4, s1;
	v36 =	vand.u32 $0x3C00, v52;
	v8 =	vadd.s32 v1, v9;
	v9 =	vadd.s32 v1, v10  }
0xd9: {  	[dreg:$0x1e] =	wrdreg s13;
	s1 =	sand.u32 $0x1FFFFFFE, s16;
	s21 =	sadd.s32 s4, s2;
	v10 =	vadd.s32 v1, v11;
	v11 =	vadd.s32 v1, v12;
	v12 =	vadd.s32 v1, v13  }
0xda: {  	s2 =	sand.u32 $0x1FFFFFFE, s25;
	s29 =	sadd.s32 $0x13000, s6;
	v13 =	vadd.s32 v1, v14;
	v14 =	vadd.s32 v1, v15;
	v15 =	vadd.s32 v1, v17;
	[dreg:$0x1d] =	wrdreg s12  }
0xdb: {  	s30 =	sadd.s32 $0x13010, s6;
	s31 =	sadd.s32 $0x13020, s6;
	v17 =	vand.u32 $0x7F, v16;
	[smem:$0x7F0] =	sst s21;
	v32 =	vor.u32 v36, v32;
	v36 =	vand.u32 $0x3C00, v53  }
0xdc: {  	s0 =	sadd.s32 s4, s0;
	v16 =	vadd.s32 v1, v19;
	s20 =	sadd.s32 s4, s1;
	s12 =	sld [smem:$0x7FC];
	v33 =	vor.u32 v36, v33;
	v36 =	vand.u32 $0x3C00, v54  }
0xdd: {  	v19 =	vshll.u32 v18, $0x3;
	s1 =	sand.u32 $0x1FFFFFFE, s24;
	s7 =	sand.u32 $0x1FFFFFFE, s5;
	[dreg:$0x1b] =	wrdreg s0;
	v34 =	vor.u32 v36, v34;
	v36 =	vand.u32 $0x3C00, v55  }
0xde: {  	s21 =	sand.u32 $0x1FFFFFFE, s18;
	s5 =	sadd.s32 $0x130F0, s6;
	v19 =	vand.u32 $0x3C00, v19;
	[smem:$0x7EF] =	sst s20;
	v35 =	vor.u32 v36, v35;
	v36 =	vand.u32 $0x3C00, v56  }
0xdf: {  	s26 =	sadd.s32 s4, s1;
	s1 =	sadd.s32 s4, s2;
	s2 =	sld [smem:$0x7F7];
	v36 =	vor.u32 v36, v17;
	v17 =	vadd.s32 v1, v21;
	v21 =	vand.u32 $0x7F, v18  }
0xe0: {  	s0 =	sand.u32 $0x1FFFFFFE, s9;
	s9 =	sand.u32 $0x1FFFFFFE, s8;
	[smem:$0x7F5] =	sst s26;
	v18 =	vadd.s32 v1, v23;
	v23 =	vand.u32 $0x7F, v20;
	v57 =	vor.u32 v19, v21  }
0xe1: {  	s11 =	sadd.s32 s4, s7;
	s7 =	sadd.s32 $0x13080, s6;
	[smem:$0x7F6] =	sst s1;
	v21 =	vshll.u32 v20, $0x3;
	v19 =	vor.u32 v2, v25;
	v20 =	vor.u32 v2, v27  }
0xe2: {  	s8 =	sadd.s32 $0x130D0, s6;
	s0 =	sadd.s32 s4, s0;
	[smem:$0x7FB] =	sst s11;
	v25 =	vand.u32 $0x7F, v22;
	v27 =	vand.u32 $0x7F, v24;
	v21 =	vand.u32 $0x3C00, v21  }
0xe3: {  	s24 =	sadd.s32 s4, s9;
	s26 =	sadd.s32 s4, s21;
	s1 =	sadd.s32 $0x13050, s6;
	v58 =	vor.u32 v21, v23;
	v23 =	vshll.u32 v22, $0x3;
	v21 =	vor.u32 v2, v29  }
0xe4: {  	s11 =	sadd.s32 $0x13070, s6;
	s9 =	sadd.s32 $0x130E0, s6;
	[dreg:$0x1c] =	wrdreg s0;
	v22 =	vor.u32 v2, v31;
	v29 =	vand.u32 $0x7F, v26;
	v23 =	vand.u32 $0x3C00, v23  }
0xe5: {  	s0 =	sand.u32 $0x1FFFFFFE, s15;
	s13 =	sand.u32 $0x1FFFFFFE, s12;
	s15 =	sld [smem:$0x7FD];
	v31 =	vor.u32 v23, v25;
	v25 =	vshll.u32 v24, $0x3;
	v23 =	vor.u32 v2, v32  }
0xe6: {  	s12 =	sadd.s32 $0x130B0, s6;
	s0 =	sadd.s32 s4, s0;
	s3 =	sand.u32 $0x1FFFFFFE, s2;
	v24 =	vor.u32 v2, v33;
	v25 =	vand.u32 $0x3C00, v25;
	v30 =	vor.u32 v2, v31  }
0xe7: {  	s20 =	sadd.s32 s4, s13;
	s2 =	sadd.s32 $0x13030, s6;
	s13 =	sadd.s32 $0x130C0, s6;
	v59 =	vor.u32 v25, v27;
	v27 =	vshll.u32 v26, $0x3;
	v25 =	vor.u32 v2, v34  }
.Ltmp6:
0xe8: {  	[smem:$0x7EE] =	sst s0;
	s0 =	sand.u32 $0x1FFFFFFE, s22;
	v26 =	vor.u32 v2, v35;
	v35 =	vand.u32 $0x3C00, v62;
	v27 =	vand.u32 $0x3C00, v27;
	(pc) =	sbr.rel .LBB2_9-.Ltmp6, $4  }
0xe9: {  	s10 =	sadd.s32 s4, s3;
	s22 =	rddreg [dreg:$0x1f];
	s3 =	sadd.s32 $0x13090, s6;
	v31 =	vor.u32 v2, v59;
	v60 =	vor.u32 v27, v29;
	v29 =	vshll.u32 v28, $0x3  }
0xea: {  	s0 =	sadd.s32 s4, s0;
	[smem:$0x7FA] =	sst s10;
	s16 =	sand.u32 $0x1FFFFFFE, s15;
	v35 =	vor.u32 v35, v63;
	v27 =	vor.u32 v2, v36;
	v29 =	vand.u32 $0x3C00, v29  }
0xeb: {  	s28 =	sshll.u32 s22, $0xB;
	s10 =	sadd.s32 $0x13060, s6;
	s15 =	sadd.s32 $0x130A0, s6;
	v28 =	vor.u32 v2, v57;
	v32 =	vor.u32 v2, v60;
	v34 =	vor.u32 v29, v61  }
0xec: {  	[smem:$0x7F4] =	sst s0;
	s25 =	sadd.s32 s4, s16;
	s4 =	sadd.s32 $0x13040, s6;
	v29 =	vor.u32 v2, v58;
	v33 =	vor.u32 v2, v34;
	v34 =	vor.u32 v2, v35  }
.LBB2_18:
0xed: {  	s16 =	simm.s32 $0x800  }
.LBB2_21:
0xee: {  	s17 =	sand.u32 $0x1FFFF800, s28;
	s0 =	rddreg [dreg:$0x0];
	s22 =	simm.s32 $0x4000  }
0xef: {  	s18 =	simm.s32 $0x7A1400;
	s23 =	simm.s32 $0x4;
	s17 =	sadd.s32 s0, s17  }
0xf0: {  	[tilespmem:s16], [sflag:$0x4] =	stream.strided.gather [hbm4b:s17+s22], $0x8000, s18, s22, $0x38;
	[tilespmem:$0x17000] =	vst v63  }
0xf1: {  	_ =	swait.ge [sflag:s23], $0x8000  }
0xf2: {  	[sflag:s23] =	ssyncset.done $0x0  }
0xf3: {  	[sflag:s23] =	ssyncadd.s32 $0xFFFF8000  }
.LBB2_22:
0xf4: {  	s17 =	sadd.s32 $0x1, s19  }
0xf5: {  	p0 =	slt.s32 s17, $0x1E7  }
0xf6: {  	s17 =	simm.s32 @!p0 $0x1E7  }
0xf7: {  	s16 =	sshrl.u32 s17, $0x1F  }
0xf8: {  	s16 =	sadd.s32 s16, s17  }
0xf9: {  	s16 =	sand.u32 $0xFFFFFFFE, s16  }
0xfa: {  	s16 =	ssub.s32 s17, s16  }
0xfb: {  	p0 =	seq.s32 s16, $0x1  }
0xfc: {  	s23 =	sshll.u32 @p0 s17, $0xB;
	s0 =	simm.s32 @p0 $0x4000  }
0xfd: {  	s22 =	rddreg [dreg:$0x0];
	s18 =	simm.s32 @p0 $0x7A1400;
	s23 =	sand.u32 @p0 $0x1FFFF800, s23  }
0xfe: {  	s21 =	simm.s32 @p0 $0x8800;
	p1 =	sne.s32 @!p0 s16, $0x0;
	s23 =	sadd.s32 @p0 s22, s23  }
0xff: {  	[tilespmem:s21], [sflag:$0x2] =	stream.strided.gather @p0 [hbm4b:s23+s0], $0x8000, s18, s0, $0x38;
	[tilespmem:$0x17000] =	vst v63  }
0x100: {  	p0 =	por p1, p0  }
0x101: {  	s0 =	sshll.u32 @!p0 s17, $0xB  }
0x102: {  	s23 =	smov.u32 s19;
	s16 =	simm.s32 @!p0 $0x4000;
	s0 =	sand.u32 @!p0 $0x1FFFF800, s0  }
0x103: {  	s18 =	simm.s32 @!p0 $0x7A1400;
	s21 =	simm.s32 @!p0 $0x800;
	s0 =	sadd.s32 @!p0 s22, s0  }
0x104: {  	[tilespmem:s21], [sflag:$0x1] =	stream.strided.gather @!p0 [hbm4b:s0+s16], $0x8000, s18, s16, $0x38;
	[tilespmem:$0x17000] =	vst v63  }
.LBB2_23:
0x105: {  	_ = 	snop  }
0x106: {  	s0 =	rddreg [dreg:$0xb]  }
0x107: {  	p0 =	sne.s32 s0, s19  }
0x108: {  	s0 =	simm.s32 @!p0 $0x800  }
0x109: {  	v35 =	vld.idx.msk @!p0 [tilespmem:v19+s0+$0x0], $0xffff;
	s0 =	simm.s32 @!p0 $0x8800  }
0x10a: {  	v36 =	vld.idx.msk @!p0 [tilespmem:v19+s0+$0x0], $0xffff;
	s0 =	simm.s32 @!p0 $0x10800  }
0x10b: {  	v37 =	vld.idx.msk @!p0 [tilespmem:v3+s0+$0x0], $0xffff  }
0x10c: {  	s16 =	sand.u32 $0x1, s19  }
0x10d: {  	p1 =	seq.s32 @!p0 s16, $0x0  }
0x10e: {  	p2 =	seq.s32 @!p0 s19, $0x1E8;
	p1 =	por !p1, p0  }
0x10f: {  	p6 =	por !p2, p0;
	v35 =	vpsel p1, v36, v35  }
0x110: {  	s18 =	rddreg [dreg:$0x1b];
	v35 =	vpsel p6, v35, v37  }
0x111: {  	s22 =	rddreg [dreg:$0xc];
	s0 =	simm.s32 @!p0 $0x0;
	[tilespmem:s6+$0x13000] =	vst @!p0 v35  }
0x112: {  	[hbm4b:s18+s0] =	stream.linear.scatter @!p0 [tilespmem:s29], [sflag:$0x3], $0x10, $0x38;
	[tilespmem:$0x17000] =	vst v63  }
0x113: {  	p0 =	sne.s32 s22, s19  }
0x114: {  	s0 =	simm.s32 @!p0 $0x800  }
0x115: {  	v35 =	vld.idx.msk @!p0 [tilespmem:v20+s0+$0x0], $0xffff;
	s0 =	simm.s32 @!p0 $0x8800  }
0x116: {  	v36 =	vld.idx.msk @!p0 [tilespmem:v20+s0+$0x0], $0xffff;
	s0 =	simm.s32 @!p0 $0x10800  }
0x117: {  	v37 =	vld.idx.msk @!p0 [tilespmem:v4+s0+$0x0], $0xffff;
	_ =	sdelay $0x1  }
0x118: {  	p1 =	seq.s32 @!p0 s16, $0x0  }
0x119: {  	p2 =	seq.s32 @!p0 s19, $0x1E8;
	p1 =	por !p1, p0  }
0x11a: {  	p2 =	por !p2, p0;
	v35 =	vpsel p1, v36, v35  }
0x11b: {  	v35 =	vpsel p2, v35, v37  }
0x11c: {  	s18 =	rddreg [dreg:$0x1c];
	s0 =	simm.s32 @!p0 $0x0;
	[tilespmem:s6+$0x13010] =	vst @!p0 v35  }
0x11d: {  	[hbm4b:s18+s0] =	stream.linear.scatter @!p0 [tilespmem:s30], [sflag:$0x3], $0x10, $0x38;
	[tilespmem:$0x17000] =	vst v63  }
0x11e: {  	s18 =	rddreg [dreg:$0xd]  }
0x11f: {  	p0 =	sne.s32 s18, s19  }
0x120: {  	s0 =	simm.s32 @!p0 $0x800  }
0x121: {  	v35 =	vld.idx.msk @!p0 [tilespmem:v21+s0+$0x0], $0xffff;
	s0 =	simm.s32 @!p0 $0x8800  }
0x122: {  	v36 =	vld.idx.msk @!p0 [tilespmem:v21+s0+$0x0], $0xffff;
	s0 =	simm.s32 @!p0 $0x10800  }
0x123: {  	v37 =	vld.idx.msk @!p0 [tilespmem:v5+s0+$0x0], $0xffff;
	_ =	sdelay $0x1  }
0x124: {  	p1 =	seq.s32 @!p0 s16, $0x0  }
0x125: {  	p2 =	seq.s32 @!p0 s19, $0x1E8;
	p1 =	por !p1, p0  }
0x126: {  	p3 =	por !p2, p0;
	v35 =	vpsel p1, v36, v35  }
0x127: {  	s21 =	rddreg [dreg:$0xe];
	v35 =	vpsel p3, v35, v37  }
0x128: {  	s18 =	rddreg [dreg:$0x1d];
	s0 =	simm.s32 @!p0 $0x0;
	[tilespmem:s6+$0x13020] =	vst @!p0 v35  }
0x129: {  	[hbm4b:s18+s0] =	stream.linear.scatter @!p0 [tilespmem:s31], [sflag:$0x3], $0x10, $0x38;
	[tilespmem:$0x17000] =	vst v63  }
0x12a: {  	p0 =	sne.s32 s21, s19  }
0x12b: {  	s0 =	simm.s32 @!p0 $0x800  }
0x12c: {  	v35 =	vld.idx.msk @!p0 [tilespmem:v22+s0+$0x0], $0xffff;
	s0 =	simm.s32 @!p0 $0x8800  }
0x12d: {  	v36 =	vld.idx.msk @!p0 [tilespmem:v22+s0+$0x0], $0xffff;
	s0 =	simm.s32 @!p0 $0x10800  }
0x12e: {  	v37 =	vld.idx.msk @!p0 [tilespmem:v6+s0+$0x0], $0xffff;
	_ =	sdelay $0x1  }
0x12f: {  	p1 =	seq.s32 @!p0 s16, $0x0  }
0x130: {  	p2 =	seq.s32 @!p0 s19, $0x1E8;
	p1 =	por !p1, p0  }
0x131: {  	p4 =	por !p2, p0;
	v35 =	vpsel p1, v36, v35  }
0x132: {  	s22 =	rddreg [dreg:$0xf];
	v35 =	vpsel p4, v35, v37  }
0x133: {  	s18 =	rddreg [dreg:$0x1e];
	s0 =	simm.s32 @!p0 $0x0;
	[tilespmem:s6+$0x13030] =	vst @!p0 v35  }
0x134: {  	[hbm4b:s18+s0] =	stream.linear.scatter @!p0 [tilespmem:s2], [sflag:$0x3], $0x10, $0x38;
	[tilespmem:$0x17000] =	vst v63  }
0x135: {  	p0 =	sne.s32 s22, s19  }
0x136: {  	s0 =	simm.s32 @!p0 $0x800  }
0x137: {  	v35 =	vld.idx.msk @!p0 [tilespmem:v23+s0+$0x0], $0xffff;
	s0 =	simm.s32 @!p0 $0x8800  }
0x138: {  	v36 =	vld.idx.msk @!p0 [tilespmem:v23+s0+$0x0], $0xffff;
	s0 =	simm.s32 @!p0 $0x10800  }
0x139: {  	v37 =	vld.idx.msk @!p0 [tilespmem:v7+s0+$0x0], $0xffff;
	_ =	sdelay $0x1  }
0x13a: {  	p1 =	seq.s32 @!p0 s16, $0x0  }
0x13b: {  	p2 =	seq.s32 @!p0 s19, $0x1E8;
	p1 =	por !p1, p0  }
0x13c: {  	s18 =	sld [smem:$0x7EE];
	p5 =	por !p2, p0;
	v35 =	vpsel p1, v36, v35  }
0x13d: {  	v35 =	vpsel p5, v35, v37  }
0x13e: {  	s0 =	simm.s32 @!p0 $0x0;
	[tilespmem:s6+$0x13040] =	vst @!p0 v35  }
0x13f: {  	[hbm4b:s18+s0] =	stream.linear.scatter @!p0 [tilespmem:s4], [sflag:$0x3], $0x10, $0x38;
	[tilespmem:$0x17000] =	vst v63  }
0x140: {  	s18 =	rddreg [dreg:$0x10]  }
0x141: {  	p0 =	sne.s32 s18, s19  }
0x142: {  	s0 =	simm.s32 @!p0 $0x800  }
0x143: {  	v35 =	vld.idx.msk @!p0 [tilespmem:v24+s0+$0x0], $0xffff;
	s0 =	simm.s32 @!p0 $0x8800  }
0x144: {  	v36 =	vld.idx.msk @!p0 [tilespmem:v24+s0+$0x0], $0xffff;
	s0 =	simm.s32 @!p0 $0x10800  }
0x145: {  	v37 =	vld.idx.msk @!p0 [tilespmem:v8+s0+$0x0], $0xffff;
	_ =	sdelay $0x1  }
0x146: {  	p1 =	seq.s32 @!p0 s16, $0x0  }
0x147: {  	p2 =	seq.s32 @!p0 s19, $0x1E8;
	p1 =	por !p1, p0  }
0x148: {  	s18 =	sld [smem:$0x7EF];
	p6 =	por !p2, p0;
	v35 =	vpsel p1, v36, v35  }
0x149: {  	v35 =	vpsel p6, v35, v37  }
0x14a: {  	s21 =	rddreg [dreg:$0x11];
	s0 =	simm.s32 @!p0 $0x0;
	[tilespmem:s6+$0x13050] =	vst @!p0 v35  }
0x14b: {  	[hbm4b:s18+s0] =	stream.linear.scatter @!p0 [tilespmem:s1], [sflag:$0x3], $0x10, $0x38;
	[tilespmem:$0x17000] =	vst v63  }
0x14c: {  	p0 =	sne.s32 s21, s19  }
0x14d: {  	s0 =	simm.s32 @!p0 $0x800  }
0x14e: {  	v35 =	vld.idx.msk @!p0 [tilespmem:v25+s0+$0x0], $0xffff;
	s0 =	simm.s32 @!p0 $0x8800  }
0x14f: {  	v36 =	vld.idx.msk @!p0 [tilespmem:v25+s0+$0x0], $0xffff;
	s0 =	simm.s32 @!p0 $0x10800  }
0x150: {  	v37 =	vld.idx.msk @!p0 [tilespmem:v9+s0+$0x0], $0xffff;
	_ =	sdelay $0x1  }
0x151: {  	p1 =	seq.s32 @!p0 s16, $0x0  }
0x152: {  	p2 =	seq.s32 @!p0 s19, $0x1E8;
	p1 =	por !p1, p0  }
0x153: {  	s18 =	sld [smem:$0x7F0];
	p2 =	por !p2, p0;
	v35 =	vpsel p1, v36, v35  }
0x154: {  	v35 =	vpsel p2, v35, v37  }
0x155: {  	s22 =	rddreg [dreg:$0x12];
	s0 =	simm.s32 @!p0 $0x0;
	[tilespmem:s6+$0x13060] =	vst @!p0 v35  }
0x156: {  	[hbm4b:s18+s0] =	stream.linear.scatter @!p0 [tilespmem:s10], [sflag:$0x3], $0x10, $0x38;
	[tilespmem:$0x17000] =	vst v63  }
0x157: {  	p0 =	sne.s32 s22, s19  }
0x158: {  	s0 =	simm.s32 @!p0 $0x800  }
0x159: {  	v35 =	vld.idx.msk @!p0 [tilespmem:v26+s0+$0x0], $0xffff;
	s0 =	simm.s32 @!p0 $0x8800  }
0x15a: {  	v36 =	vld.idx.msk @!p0 [tilespmem:v26+s0+$0x0], $0xffff;
	s0 =	simm.s32 @!p0 $0x10800  }
0x15b: {  	v37 =	vld.idx.msk @!p0 [tilespmem:v10+s0+$0x0], $0xffff;
	_ =	sdelay $0x1  }
0x15c: {  	p1 =	seq.s32 @!p0 s16, $0x0  }
0x15d: {  	p2 =	seq.s32 @!p0 s19, $0x1E8;
	p1 =	por !p1, p0  }
0x15e: {  	s18 =	sld [smem:$0x7F4];
	p3 =	por !p2, p0;
	v35 =	vpsel p1, v36, v35  }
0x15f: {  	v35 =	vpsel p3, v35, v37  }
0x160: {  	s0 =	simm.s32 @!p0 $0x0;
	[tilespmem:s6+$0x13070] =	vst @!p0 v35  }
0x161: {  	[hbm4b:s18+s0] =	stream.linear.scatter @!p0 [tilespmem:s11], [sflag:$0x3], $0x10, $0x38;
	[tilespmem:$0x17000] =	vst v63  }
0x162: {  	s18 =	rddreg [dreg:$0x13]  }
0x163: {  	p0 =	sne.s32 s18, s19  }
0x164: {  	s0 =	simm.s32 @!p0 $0x800  }
0x165: {  	v35 =	vld.idx.msk @!p0 [tilespmem:v27+s0+$0x0], $0xffff;
	s0 =	simm.s32 @!p0 $0x8800  }
0x166: {  	v36 =	vld.idx.msk @!p0 [tilespmem:v27+s0+$0x0], $0xffff;
	s0 =	simm.s32 @!p0 $0x10800  }
0x167: {  	v37 =	vld.idx.msk @!p0 [tilespmem:v11+s0+$0x0], $0xffff;
	_ =	sdelay $0x1  }
0x168: {  	p1 =	seq.s32 @!p0 s16, $0x0  }
0x169: {  	p2 =	seq.s32 @!p0 s19, $0x1E8;
	p1 =	por !p1, p0  }
0x16a: {  	s18 =	sld [smem:$0x7F5];
	p4 =	por !p2, p0;
	v35 =	vpsel p1, v36, v35  }
0x16b: {  	v35 =	vpsel p4, v35, v37  }
0x16c: {  	s21 =	rddreg [dreg:$0x14];
	s0 =	simm.s32 @!p0 $0x0;
	[tilespmem:s6+$0x13080] =	vst @!p0 v35  }
0x16d: {  	[hbm4b:s18+s0] =	stream.linear.scatter @!p0 [tilespmem:s7], [sflag:$0x3], $0x10, $0x38;
	[tilespmem:$0x17000] =	vst v63  }
0x16e: {  	p0 =	sne.s32 s21, s19  }
0x16f: {  	s0 =	simm.s32 @!p0 $0x800  }
0x170: {  	v35 =	vld.idx.msk @!p0 [tilespmem:v28+s0+$0x0], $0xffff;
	s0 =	simm.s32 @!p0 $0x8800  }
0x171: {  	v36 =	vld.idx.msk @!p0 [tilespmem:v28+s0+$0x0], $0xffff;
	s0 =	simm.s32 @!p0 $0x10800  }
0x172: {  	v37 =	vld.idx.msk @!p0 [tilespmem:v12+s0+$0x0], $0xffff;
	_ =	sdelay $0x1  }
0x173: {  	p1 =	seq.s32 @!p0 s16, $0x0  }
0x174: {  	p2 =	seq.s32 @!p0 s19, $0x1E8;
	p1 =	por !p1, p0  }
0x175: {  	s18 =	sld [smem:$0x7F6];
	p5 =	por !p2, p0;
	v35 =	vpsel p1, v36, v35  }
0x176: {  	v35 =	vpsel p5, v35, v37  }
0x177: {  	s22 =	rddreg [dreg:$0x15];
	s0 =	simm.s32 @!p0 $0x0;
	[tilespmem:s6+$0x13090] =	vst @!p0 v35  }
0x178: {  	[hbm4b:s18+s0] =	stream.linear.scatter @!p0 [tilespmem:s3], [sflag:$0x3], $0x10, $0x38;
	[tilespmem:$0x17000] =	vst v63  }
0x179: {  	p0 =	sne.s32 s22, s19  }
0x17a: {  	s0 =	simm.s32 @!p0 $0x800  }
0x17b: {  	v35 =	vld.idx.msk @!p0 [tilespmem:v29+s0+$0x0], $0xffff;
	s0 =	simm.s32 @!p0 $0x8800  }
0x17c: {  	v36 =	vld.idx.msk @!p0 [tilespmem:v29+s0+$0x0], $0xffff;
	s0 =	simm.s32 @!p0 $0x10800  }
0x17d: {  	v37 =	vld.idx.msk @!p0 [tilespmem:v13+s0+$0x0], $0xffff;
	_ =	sdelay $0x1  }
0x17e: {  	p1 =	seq.s32 @!p0 s16, $0x0  }
0x17f: {  	p2 =	seq.s32 @!p0 s19, $0x1E8;
	p1 =	por !p1, p0  }
0x180: {  	s18 =	sld [smem:$0x7FA];
	p6 =	por !p2, p0;
	v35 =	vpsel p1, v36, v35  }
0x181: {  	v35 =	vpsel p6, v35, v37  }
0x182: {  	s0 =	simm.s32 @!p0 $0x0;
	[tilespmem:s6+$0x130A0] =	vst @!p0 v35  }
0x183: {  	[hbm4b:s18+s0] =	stream.linear.scatter @!p0 [tilespmem:s15], [sflag:$0x3], $0x10, $0x38;
	[tilespmem:$0x17000] =	vst v63  }
0x184: {  	s18 =	rddreg [dreg:$0x16]  }
0x185: {  	p0 =	sne.s32 s18, s19  }
0x186: {  	s0 =	simm.s32 @!p0 $0x800  }
0x187: {  	v35 =	vld.idx.msk @!p0 [tilespmem:v30+s0+$0x0], $0xffff;
	s0 =	simm.s32 @!p0 $0x8800  }
0x188: {  	v36 =	vld.idx.msk @!p0 [tilespmem:v30+s0+$0x0], $0xffff;
	s0 =	simm.s32 @!p0 $0x10800  }
0x189: {  	v37 =	vld.idx.msk @!p0 [tilespmem:v14+s0+$0x0], $0xffff;
	_ =	sdelay $0x1  }
0x18a: {  	p1 =	seq.s32 @!p0 s16, $0x0  }
0x18b: {  	p2 =	seq.s32 @!p0 s19, $0x1E8;
	p1 =	por !p1, p0  }
0x18c: {  	s18 =	sld [smem:$0x7FB];
	p2 =	por !p2, p0;
	v35 =	vpsel p1, v36, v35  }
0x18d: {  	v35 =	vpsel p2, v35, v37  }
0x18e: {  	s21 =	rddreg [dreg:$0x17];
	s0 =	simm.s32 @!p0 $0x0;
	[tilespmem:s6+$0x130B0] =	vst @!p0 v35  }
0x18f: {  	[hbm4b:s18+s0] =	stream.linear.scatter @!p0 [tilespmem:s12], [sflag:$0x3], $0x10, $0x38;
	[tilespmem:$0x17000] =	vst v63  }
0x190: {  	p0 =	sne.s32 s21, s19  }
0x191: {  	s0 =	simm.s32 @!p0 $0x800  }
0x192: {  	v35 =	vld.idx.msk @!p0 [tilespmem:v31+s0+$0x0], $0xffff;
	s0 =	simm.s32 @!p0 $0x8800  }
0x193: {  	v36 =	vld.idx.msk @!p0 [tilespmem:v31+s0+$0x0], $0xffff;
	s0 =	simm.s32 @!p0 $0x10800  }
0x194: {  	v37 =	vld.idx.msk @!p0 [tilespmem:v15+s0+$0x0], $0xffff;
	_ =	sdelay $0x1  }
0x195: {  	p1 =	seq.s32 @!p0 s16, $0x0  }
0x196: {  	p2 =	seq.s32 @!p0 s19, $0x1E8;
	p1 =	por !p1, p0  }
0x197: {  	p3 =	por !p2, p0;
	v35 =	vpsel p1, v36, v35  }
0x198: {  	v35 =	vpsel p3, v35, v37  }
0x199: {  	s22 =	rddreg [dreg:$0x18];
	s0 =	simm.s32 @!p0 $0x0;
	[tilespmem:s6+$0x130C0] =	vst @!p0 v35  }
0x19a: {  	[hbm4b:s24+s0] =	stream.linear.scatter @!p0 [tilespmem:s13], [sflag:$0x3], $0x10, $0x38;
	[tilespmem:$0x17000] =	vst v63  }
0x19b: {  	p0 =	sne.s32 s22, s19  }
0x19c: {  	s0 =	simm.s32 @!p0 $0x800  }
0x19d: {  	v35 =	vld.idx.msk @!p0 [tilespmem:v32+s0+$0x0], $0xffff;
	s0 =	simm.s32 @!p0 $0x8800  }
0x19e: {  	v36 =	vld.idx.msk @!p0 [tilespmem:v32+s0+$0x0], $0xffff;
	s0 =	simm.s32 @!p0 $0x10800  }
0x19f: {  	v37 =	vld.idx.msk @!p0 [tilespmem:v16+s0+$0x0], $0xffff;
	_ =	sdelay $0x1  }
0x1a0: {  	p1 =	seq.s32 @!p0 s16, $0x0  }
0x1a1: {  	p2 =	seq.s32 @!p0 s19, $0x1E8;
	p1 =	por !p1, p0  }
0x1a2: {  	p4 =	por !p2, p0;
	v35 =	vpsel p1, v36, v35  }
0x1a3: {  	v35 =	vpsel p4, v35, v37  }
0x1a4: {  	s18 =	rddreg [dreg:$0x19];
	s0 =	simm.s32 @!p0 $0x0;
	[tilespmem:s6+$0x130D0] =	vst @!p0 v35  }
0x1a5: {  	[hbm4b:s20+s0] =	stream.linear.scatter @!p0 [tilespmem:s8], [sflag:$0x3], $0x10, $0x38;
	[tilespmem:$0x17000] =	vst v63  }
0x1a6: {  	p0 =	sne.s32 s18, s19  }
0x1a7: {  	s0 =	simm.s32 @!p0 $0x800  }
0x1a8: {  	v35 =	vld.idx.msk @!p0 [tilespmem:v33+s0+$0x0], $0xffff;
	s0 =	simm.s32 @!p0 $0x8800  }
0x1a9: {  	v36 =	vld.idx.msk @!p0 [tilespmem:v33+s0+$0x0], $0xffff;
	s0 =	simm.s32 @!p0 $0x10800  }
0x1aa: {  	v37 =	vld.idx.msk @!p0 [tilespmem:v17+s0+$0x0], $0xffff;
	_ =	sdelay $0x1  }
0x1ab: {  	p1 =	seq.s32 @!p0 s16, $0x0  }
0x1ac: {  	p2 =	seq.s32 @!p0 s19, $0x1E8;
	p1 =	por !p1, p0  }
0x1ad: {  	p5 =	por !p2, p0;
	v35 =	vpsel p1, v36, v35  }
0x1ae: {  	v35 =	vpsel p5, v35, v37  }
0x1af: {  	s21 =	rddreg [dreg:$0x1a];
	s0 =	simm.s32 @!p0 $0x0;
	[tilespmem:s6+$0x130E0] =	vst @!p0 v35  }
0x1b0: {  	[hbm4b:s25+s0] =	stream.linear.scatter @!p0 [tilespmem:s9], [sflag:$0x3], $0x10, $0x38;
	[tilespmem:$0x17000] =	vst v63  }
0x1b1: {  	p0 =	sne.s32 s21, s19  }
0x1b2: {  	s0 =	simm.s32 @!p0 $0x800  }
0x1b3: {  	v35 =	vld.idx.msk @!p0 [tilespmem:v34+s0+$0x0], $0xffff;
	s0 =	simm.s32 @!p0 $0x8800  }
0x1b4: {  	v36 =	vld.idx.msk @!p0 [tilespmem:v34+s0+$0x0], $0xffff;
	s0 =	simm.s32 @!p0 $0x10800  }
0x1b5: {  	v37 =	vld.idx.msk @!p0 [tilespmem:v18+s0+$0x0], $0xffff;
	_ =	sdelay $0x1  }
0x1b6: {  	p1 =	seq.s32 @!p0 s16, $0x0  }
0x1b7: {  	p2 =	seq.s32 @!p0 s19, $0x1E8;
	p1 =	por !p1, p0  }
0x1b8: {  	p6 =	por !p2, p0;
	v35 =	vpsel p1, v36, v35  }
0x1b9: {  	v35 =	vpsel p6, v35, v37  }
0x1ba: {  	s22 =	rddreg [dreg:$0xa];
	s19 =	sadd.s32 $0x1, s19;
	s0 =	simm.s32 @!p0 $0x0;
	[tilespmem:s6+$0x130F0] =	vst @!p0 v35  }
0x1bb: {  	[hbm4b:s26+s0] =	stream.linear.scatter @!p0 [tilespmem:s5], [sflag:$0x3], $0x10, $0x38;
	[tilespmem:$0x17000] =	vst v63  }
0x1bc: {  	p0 =	slt.s32 s19, s22  }
.Ltmp7:
0x1bd: {  	_ = 	snop;
	(pc) =	sbr.rel @!p0 .LBB2_24-.Ltmp7, $2  }
0x1be: {  	_ =	sdelay $0x2  }
0x1bf: {  	s28 =	sadd.s32 $0x800, s28  }
.LBB2_9:
0x1c0: {  	p0 =	sgt.s32 s19, $0x1E7  }
0x1c1: {  	p1 =	seq.s32 @!p0 s19, s23  }
0x1c2: {  	p1 =	por p0, p1  }
.Ltmp8:
0x1c3: {  	_ = 	snop;
	(pc) =	sbr.rel @p1 .LBB2_10-.Ltmp8, $1  }
0x1c4: {  	_ =	sdelay $0x3  }
0x1c5: {  	s16 =	sshrl.u32 s17, $0x1F  }
0x1c6: {  	s16 =	sadd.s32 s16, s17  }
0x1c7: {  	s16 =	sand.u32 $0xFFFFFFFE, s16  }
0x1c8: {  	s16 =	ssub.s32 s17, s16  }
0x1c9: {  	p0 =	seq.s32 s16, $0x0  }
.Ltmp9:
0x1ca: {  	_ = 	snop;
	(pc) =	sbr.rel @p0 .LBB2_12-.Ltmp9, $1  }
0x1cb: {  	_ =	sdelay $0x3  }
0x1cc: {  	p0 =	sne.s32 s16, $0x1  }
.Ltmp10:
0x1cd: {  	_ = 	snop;
	(pc) =	sbr.rel @p0 .LBB2_16-.Ltmp10, $1  }
0x1ce: {  	_ =	sdelay $0x3  }
.Ltmp11:
0x1cf: {  	(pc) =	sbr.rel .LBB2_15-.Ltmp11, $2  }
0x1d0: {  	_ =	sdelay $0x2  }
0x1d1: {  	s16 =	simm.s32 $0x2  }
.LBB2_10:
.Ltmp12:
0x1d2: {  	(pc) =	sbr.rel .LBB2_23-.Ltmp12, $2  }
0x1d3: {  	_ =	sdelay $0x2  }
0x1d4: {  	s17 =	smov.u32 @p0 s17;
	s23 =	smov.u32 @p0 s23  }
.LBB2_12:
0x1d5: {  	s16 =	simm.s32 $0x1  }
.LBB2_15:
0x1d6: {  	_ =	swait.ge [sflag:s16], $0x8000  }
0x1d7: {  	[sflag:s16] =	ssyncset.done $0x0  }
0x1d8: {  	[sflag:s16] =	ssyncadd.s32 $0xFFFF8000  }
.LBB2_16:
0x1d9: {  	p0 =	seq.s32 s19, s17  }
.Ltmp13:
0x1da: {  	_ = 	snop;
	(pc) =	sbr.rel @p0 .LBB2_22-.Ltmp13, $1  }
0x1db: {  	_ =	sdelay $0x3  }
0x1dc: {  	s16 =	sshrl.u32 s19, $0x1F  }
0x1dd: {  	s16 =	sadd.s32 s16, s19  }
0x1de: {  	s16 =	sand.u32 $0xFFFFFFFE, s16  }
0x1df: {  	s16 =	ssub.s32 s19, s16  }
0x1e0: {  	p0 =	seq.s32 s16, $0x0  }
.Ltmp14:
0x1e1: {  	_ = 	snop;
	(pc) =	sbr.rel @p0 .LBB2_18-.Ltmp14, $1  }
0x1e2: {  	_ =	sdelay $0x3  }
0x1e3: {  	p0 =	sne.s32 s16, $0x1  }
.Ltmp15:
0x1e4: {  	_ = 	snop;
	(pc) =	sbr.rel @p0 .LBB2_22-.Ltmp15, $1  }
0x1e5: {  	_ =	sdelay $0x3  }
.Ltmp16:
0x1e6: {  	(pc) =	sbr.rel .LBB2_21-.Ltmp16, $2  }
0x1e7: {  	_ =	sdelay $0x2  }
0x1e8: {  	s16 =	simm.s32 $0x8800  }
.LBB2_25:
0x1e9: {  	s0 =	sshrl.u32 s17, $0x1F  }
0x1ea: {  	s0 =	sadd.s32 s0, s17  }
0x1eb: {  	s0 =	sand.u32 $0xFFFFFFFE, s0  }
0x1ec: {  	s0 =	ssub.s32 s17, s0  }
0x1ed: {  	p0 =	seq.s32 s0, $0x0  }
.Ltmp17:
0x1ee: {  	_ = 	snop;
	(pc) =	sbr.rel @p0 .LBB2_26-.Ltmp17, $1  }
0x1ef: {  	_ =	sdelay $0x3  }
0x1f0: {  	p0 =	sne.s32 s0, $0x1  }
.Ltmp18:
0x1f1: {  	_ = 	snop;
	(pc) =	sbr.rel @p0 .LBB2_30-.Ltmp18, $2  }
0x1f2: {  	_ =	sdelay $0x2  }
0x1f3: {  	s5 =	rddreg [dreg:$0x8]  }
.Ltmp19:
0x1f4: {  	(pc) =	sbr.rel .LBB2_29-.Ltmp19, $2  }
0x1f5: {  	_ =	sdelay $0x2  }
0x1f6: {  	s0 =	simm.s32 $0x2  }
.LBB2_26:
0x1f7: {  	s0 =	simm.s32 $0x1;
	s5 =	rddreg [dreg:$0x8]  }
.LBB2_29:
0x1f8: {  	_ =	swait.ge [sflag:s0], $0x8000  }
0x1f9: {  	[sflag:s0] =	ssyncset.done $0x0  }
0x1fa: {  	[sflag:s0] =	ssyncadd.s32 $0xFFFF8000  }
.LBB2_30:
0x1fb: {  	_ =	swait.ge [sflag:s14], $0x10  }
0x1fc: {  	s0 =	simm.s32 $0x3FF;
	[sflag:s14] =	ssyncset.done $0x0  }
.LBB2_31:
0x1fd: {  	p0 =	sne.s32 s0, $0x1;
	s0 =	sadd.s32 $0xFFFFFFFF, s0;
	[sflag:s14] =	ssyncadd.s32 $0xFFFFFFF0  }
.Ltmp20:
0x1fe: {  	(pc) =	sbr.rel @p0 .LBB2_31-.Ltmp20, $3  }
0x1ff: {  	_ =	sdelay $0x1  }
0x200: {  	_ =	swait.ge [sflag:s14], $0x10  }
0x201: {  	[sflag:s14] =	ssyncset.done $0x0  }
0x202: {  	s5 =	sadd.s32 $0x1, s5;
	s0 =	rddreg [dreg:$0x7]  }
0x203: {  	p0 =	sne.s32 s5, s0  }
.Ltmp21:
0x204: {  	_ = 	snop;
	(pc) =	sbr.rel @p0 .LBB2_1-.Ltmp21, $2  }
0x205: {  	_ =	sdelay $0x2  }
0x206: {  	[sflag:s14] =	ssyncadd.s32 $0xFFFFFFF0  }
0x207: {  	_ =	sfence.sel $0x180000  }
0x208: {  	[bflag:$0x0] =	sbarrier.arrive $0xFFFF  }
0x209: {  	_ =	strace $0x90000047  }
0x20a: {  	s0 =	stileid.u32;
	[bflag:$0x2] =	sbarrier.arrive $0xFFFF  }
0x20b: {  	p0 =	sne.s32 s0, $0x0;
	s0 =	rddreg [dreg:$0x3]  }
0x20c: {  	s0 =	sadd.s32 @!p0 $0x100000, s0  }
0x20d: {  	[sflag:s0] =	ssyncadd.tile.s32 @!p0 $0x1;
	_ =	shalt  }
.Lfunc_end2:
_tile_overlayer_lowered:
.L_overlay_start_2:
0x20e: {  	(tag) =	ssettag $0x2  }
0x20f: {  	s0 =	rddreg [dreg:$0x0];
	s2 =	stileid.u32  }
0x210: {  	s1 =	rddreg [dreg:$0x1];
	p0 =	sne.s32 s2, $0x0  }
0x211: {  	s3 =	rddreg [dreg:$0x2];
	[bflag:$0x3] =	sbarrier.arrive $0xFFFF;
	s2 =	simm.s32 @!p0 $0x1C04  }
0x212: {  	[timem:s3], [sflag:s2] =	dma.local @!p0 [hbm:s0], s1  }
0x213: {  	s0 =	simm.s32 @!p0 $0x4  }
0x214: {  	_ =	swait.ge @!p0 [sflag:s0], s1  }
0x215: {  	s1 =	ssub.s32 @!p0 $0x0, s1;
	[sflag:s0] =	ssyncset.done @!p0 $0x0  }
0x216: {  	[sflag:s0] =	ssyncadd.s32 @!p0 s1  }
0x217: {  	[bflag:$0x3] =	sbarrier.arrive $0xFFFF  }
0x218: {  	_ =	shalt  }

</sc_bundles>
